<compile_context>
chip_gen: v7x
topology: tpu7x:2x2x1
jax: 0.10.2.dev20260603
libtpu: 0.0.44.dev20260713+nightly
codegen_flags: <defaults>
</compile_context>

<pallas_src>
import functools

import jax
import jax.numpy as jnp
from jax import lax
from jax.experimental import pallas as pl
from jax.experimental.pallas import tpu as pltpu
from jax.experimental.pallas import tpu_sc as plsc

N = 10000
E = 320000
D = 128

NC = 2
NT = 16
NP = 10240
HALF = NP // NC
SL = HALF // NT
EPT = E // NT
GCH = 64



_BLKN = 1024


def _norm_body(f_ref, o_ref):
    x = f_ref[...]
    ss = jnp.sum(x * x, axis=1)
    o_ref[...] = jnp.sqrt(ss).reshape(_BLKN // 128, 128)


def _norms(feature_pad):
    out = pl.pallas_call(
        _norm_body,
        grid=(NP // _BLKN,),
        in_specs=[pl.BlockSpec((_BLKN, D), lambda i: (i, 0))],
        out_specs=pl.BlockSpec((_BLKN // 128, 128), lambda i: (i, 0)),
        out_shape=jax.ShapeDtypeStruct((NP // 128, 128), jnp.float32),
    )(feature_pad)
    return out.reshape(NP)




SEGC = 50
NSEG = EPT // 16 // SEGC
DEAD = NP


def _agg_body(src_hbm, dst_hbm, norms_hbm, feat_hbm,
              h_agg, pmax, psel, psrc, mmax,
              src_c, dst_c, norms_v, maxloc, selloc, srcloc,
              mstage, istage, sstage, idxb, rowsA, rowsB,
              bufi, buff, bufp, sem):
    c = lax.axis_index("c")
    s = lax.axis_index("s")
    wid = c * NT + s
    base = c * HALF + s * SL
    iota16 = lax.iota(jnp.int32, 16)

    cp0 = pltpu.async_copy(src_hbm.at[pl.ds(s * EPT, EPT)], src_c, sem)
    cp1 = pltpu.async_copy(dst_hbm.at[pl.ds(s * EPT, EPT)], dst_c, sem)
    cp2 = pltpu.async_copy(norms_hbm, norms_v, sem)
    cp0.wait()
    cp1.wait()
    cp2.wait()

    def init_body(i, _):
        sl = pl.ds(i * 16, 16)
        maxloc[sl] = jnp.full((16,), -1.0, jnp.float32)
        selloc[sl] = jnp.full((16,), E, jnp.int32)
        return 0

    lax.fori_loop(0, NP // 16 + 1, init_body, 0)

    def p1a_one(ch, bo):
        sl = pl.ds(ch * 16, 16)
        s16 = src_c[sl]
        d16 = dst_c[sl]
        en = plsc.load_gather(norms_v, [s16])
        en_s, d_s = plsc.sort_key_val(en, d16)
        _, last = plsc.scan_count(d_s)
        bsl = pl.ds(bo, 16)
        bufi[bsl] = jnp.where(last, d_s, jnp.int32(DEAD))
        buff[bsl] = en_s

    def p1b_one(bo):
        bsl = pl.ds(bo, 16)
        dv = bufi[bsl]
        ev = buff[bsl]
        cur = plsc.load_gather(maxloc, [dv])
        plsc.store_scatter(maxloc, [dv], jnp.maximum(cur, ev))

    def p1seg(q, _):
        @plsc.parallel_loop(0, SEGC, 1, unroll=4)
        def _pa(j):
            p1a_one(q * SEGC + j, 16 * j)

        def pb(j, _):
            p1b_one(16 * j)
            return 0

        lax.fori_loop(0, SEGC, pb, 0)
        return 0

    lax.fori_loop(0, NSEG, p1seg, 0)

    pltpu.sync_copy(maxloc.at[pl.ds(0, NP)], pmax.at[pl.ds(wid * NP, NP)])
    plsc.subcore_barrier()

    cps = []
    for k in range(NT):
        cps.append(pltpu.async_copy(
            pmax.at[pl.ds((c * NT + k) * NP + base, SL)],
            mstage.at[pl.ds(k * SL, SL)], sem))
    for cp in cps:
        cp.wait()

    def acc_max_v(v, _):
        off = pl.ds(base + (v % (SL // 16)) * 16, 16)
        sl = pl.ds((v // (SL // 16)) * SL + (v % (SL // 16)) * 16, 16)
        maxloc[off] = jnp.maximum(maxloc[off], mstage[sl])
        return 0

    lax.fori_loop(0, NT * (SL // 16), acc_max_v, 0)

    def wr_merged(v, _):
        sl = pl.ds(v * 16, 16)
        off = pl.ds(base + v * 16, 16)
        mstage[sl] = maxloc[off]
        return 0

    lax.fori_loop(0, SL // 16, wr_merged, 0)
    pltpu.sync_copy(mstage.at[pl.ds(0, SL)], mmax.at[pl.ds(base, SL)])
    plsc.subcore_barrier()
    pltpu.sync_copy(mmax.at[pl.ds(c * HALF, HALF)],
                    maxloc.at[pl.ds(c * HALF, HALF)])

    def p2a_one(ch, bo):
        sl = pl.ds(ch * 16, 16)
        s16 = src_c[sl]
        d16 = dst_c[sl]
        en = plsc.load_gather(norms_v, [s16])
        gm = plsc.load_gather(maxloc, [d16])
        eid = s * EPT + ch * 16 + iota16
        cand = jnp.where(en == gm, eid, jnp.int32(E))
        pack = d16 | (s16 << 14)
        cand_s, pk = plsc.sort_key_val(cand, pack, descending=True)
        _, last = plsc.scan_count(pk & 16383)
        bsl = pl.ds(bo, 16)
        bufi[bsl] = jnp.where(last, cand_s, jnp.int32(E))
        bufp[bsl] = pk

    def p2b_one(bo):
        bsl = pl.ds(bo, 16)
        cv = bufi[bsl]
        pk = bufp[bsl]
        dv = pk & 16383
        sv = pk >> 14
        cur = plsc.load_gather(selloc, [dv])
        mm = cv < cur
        plsc.store_scatter(selloc, [dv], cv, mask=mm)
        plsc.store_scatter(srcloc, [dv], sv, mask=mm)

    def p2seg(q, _):
        @plsc.parallel_loop(0, SEGC, 1, unroll=4)
        def _pa(j):
            p2a_one(q * SEGC + j, 16 * j)

        def pb(j, _):
            p2b_one(16 * j)
            return 0

        lax.fori_loop(0, SEGC, pb, 0)
        return 0

    lax.fori_loop(0, NSEG, p2seg, 0)

    pltpu.sync_copy(selloc.at[pl.ds(0, NP)], psel.at[pl.ds(wid * NP, NP)])
    pltpu.sync_copy(srcloc, psrc.at[pl.ds(wid * NP, NP)])
    plsc.subcore_barrier()

    cps = []
    for k in range(NT):
        cps.append(pltpu.async_copy(
            psel.at[pl.ds((c * NT + k) * NP + base, SL)],
            istage.at[pl.ds(k * SL, SL)], sem))
        cps.append(pltpu.async_copy(
            psrc.at[pl.ds((c * NT + k) * NP + base, SL)],
            sstage.at[pl.ds(k * SL, SL)], sem))
    for cp in cps:
        cp.wait()

    def acc_sel_v(v, _):
        off = pl.ds(base + (v % (SL // 16)) * 16, 16)
        sl = pl.ds((v // (SL // 16)) * SL + (v % (SL // 16)) * 16, 16)
        pv = istage[sl]
        av = selloc[off]
        better = pv < av
        selloc[off] = jnp.where(better, pv, av)
        srcloc[off] = jnp.where(better, sstage[sl], srcloc[off])
        return 0

    lax.fori_loop(0, NT * (SL // 16), acc_sel_v, 0)

    def p3a(v, _):
        sl = pl.ds(v * 16, 16)
        off = pl.ds(base + v * 16, 16)
        has = selloc[off] < E
        nid = base + v * 16 + iota16
        idxb[sl] = jnp.where(has, srcloc[off], nid)
        return 0

    lax.fori_loop(0, SL // 16, p3a, 0)

    bufs = [rowsA, rowsB]
    ng = SL // GCH
    cps = [pltpu.async_copy(feat_hbm.at[idxb.at[pl.ds(0, GCH)]], rowsA, sem)]
    for g in range(ng):
        cps[g].wait()
        if g + 1 < ng:
            cps.append(pltpu.async_copy(
                feat_hbm.at[idxb.at[pl.ds((g + 1) * GCH, GCH)]],
                bufs[(g + 1) % 2], sem))
        pltpu.sync_copy(bufs[g % 2], h_agg.at[pl.ds(base + g * GCH, GCH)])


@functools.lru_cache(maxsize=1)
def _make_agg():
    mesh = plsc.VectorSubcoreMesh(core_axis_name="c", subcore_axis_name="s",
                                  num_cores=NC, num_subcores=NT)
    return pl.kernel(
        _agg_body,
        out_type=[
            jax.ShapeDtypeStruct((NP, D), jnp.float32),
            jax.ShapeDtypeStruct((NC * NT * NP,), jnp.float32),
            jax.ShapeDtypeStruct((NC * NT * NP,), jnp.int32),
            jax.ShapeDtypeStruct((NC * NT * NP,), jnp.int32),
            jax.ShapeDtypeStruct((NP,), jnp.float32),
        ],
        mesh=mesh,
        compiler_params=pltpu.CompilerParams(needs_layout_passes=False),
        scratch_types=[
            pltpu.VMEM((EPT,), jnp.int32),
            pltpu.VMEM((EPT,), jnp.int32),
            pltpu.VMEM((NP,), jnp.float32),
            pltpu.VMEM((NP + 16,), jnp.float32),
            pltpu.VMEM((NP + 16,), jnp.int32),
            pltpu.VMEM((NP,), jnp.int32),
            pltpu.VMEM((NT * SL,), jnp.float32),
            pltpu.VMEM((NT * SL,), jnp.int32),
            pltpu.VMEM((NT * SL,), jnp.int32),
            pltpu.VMEM((SL,), jnp.int32),
            pltpu.VMEM((GCH, D), jnp.float32),
            pltpu.VMEM((GCH, D), jnp.float32),
            pltpu.VMEM((SEGC * 16,), jnp.int32),
            pltpu.VMEM((SEGC * 16,), jnp.float32),
            pltpu.VMEM((SEGC * 16,), jnp.int32),
            pltpu.SemaphoreType.DMA,
        ],
    )



_BLKL = 2000


def _cell(x, hp, cp, wT, whT, bih, bhh):
    g = (jnp.dot(x, wT, preferred_element_type=jnp.float32)
         + jnp.dot(hp, whT, preferred_element_type=jnp.float32)
         + bih + bhh)
    i = jax.nn.sigmoid(g[:, 0:D])
    f = jax.nn.sigmoid(g[:, D:2 * D])
    gg = jnp.tanh(g[:, 2 * D:3 * D])
    o = jax.nn.sigmoid(g[:, 3 * D:4 * D])
    cc = f * cp + i * gg
    h = o * jnp.tanh(cc)
    return h, cc


def _lstm_body(ha, ft, h0r, c0r,
               w0, wh0, bi0, bh0, w1, wh1, bi1, bh1, w2, wh2, bi2, bh2,
               out_r, hn_r, cn_r):
    x = jnp.concatenate([ha[...], ft[...]], axis=1)
    h1, c1 = _cell(x, h0r[0], c0r[0], w0[...], wh0[...], bi0[...], bh0[...])
    h2, c2 = _cell(h1, h0r[1], c0r[1], w1[...], wh1[...], bi1[...], bh1[...])
    h3, c3 = _cell(h2, h0r[2], c0r[2], w2[...], wh2[...], bi2[...], bh2[...])
    hn_r[0] = h1
    hn_r[1] = h2
    hn_r[2] = h3
    cn_r[0] = c1
    cn_r[1] = c2
    cn_r[2] = c3
    out_r[0] = h3


def _lstm(h_agg, feature, h0, c0, ws):
    row_spec = pl.BlockSpec((_BLKL, D), lambda i: (i, 0))
    stk_spec = pl.BlockSpec((3, _BLKL, D), lambda i: (0, i, 0))

    def w_spec(shape):
        return pl.BlockSpec(shape, lambda i: tuple(0 for _ in shape))

    in_specs = [row_spec, row_spec, stk_spec, stk_spec]
    w_args = []
    for (wih, whh, bih, bhh) in ws:
        wihT = wih.T
        whhT = whh.T
        bi = bih.reshape(1, 4 * D)
        bh = bhh.reshape(1, 4 * D)
        for a in (wihT, whhT, bi, bh):
            in_specs.append(w_spec(a.shape))
            w_args.append(a)

    out, h_n, c_n = pl.pallas_call(
        _lstm_body,
        grid=(N // _BLKL,),
        in_specs=in_specs,
        out_specs=[
            pl.BlockSpec((1, _BLKL, D), lambda i: (0, i, 0)),
            stk_spec,
            stk_spec,
        ],
        out_shape=[
            jax.ShapeDtypeStruct((1, N, D), jnp.float32),
            jax.ShapeDtypeStruct((3, N, D), jnp.float32),
            jax.ShapeDtypeStruct((3, N, D), jnp.float32),
        ],
    )(h_agg, feature, h0, c0, *w_args)
    return out, h_n, c_n




def kernel(feature, edge_index, h0, c0,
           W_ih_0, W_hh_0, b_ih_0, b_hh_0,
           W_ih_1, W_hh_1, b_ih_1, b_hh_1,
           W_ih_2, W_hh_2, b_ih_2, b_hh_2):
    src = edge_index[0]
    dst = edge_index[1]
    fpad = jnp.pad(feature, ((0, NP - N), (0, 0)))
    norms = _norms(fpad)
    h_agg = _make_agg()(src, dst, norms, fpad)[0]
    ws = [(W_ih_0, W_hh_0, b_ih_0, b_hh_0),
          (W_ih_1, W_hh_1, b_ih_1, b_hh_1),
          (W_ih_2, W_hh_2, b_ih_2, b_hh_2)]
    return _lstm(h_agg, feature, h0, c0, ws)

# --- scband reference (transcript-rebuilt; emitter-appended) ---
"""Pipeline reference for scband-gcnlstmlayer-43593918054655 (READ-ONLY COPY).

The authoritative reference and input builder live on the scoring server;
editing this copy changes nothing except your own understanding.
"""

import jax, jax.numpy as jnp
import numpy as np

N = 10000
E = 320000
D = 128
L = 3


def setup_inputs(seed: int = 0) -> dict:
    key = jax.random.key(seed)
    ks = jax.random.split(key, 4 + 4 * L)
    inp = {}
    inp["feature"] = jax.random.normal(ks[0], (N, D), dtype=jnp.float32)
    inp["edge_index"] = jax.random.randint(ks[1], (2, E), 0, N, dtype=jnp.int32)
    inp["h0"] = jax.random.normal(ks[2], (L, N, D), dtype=jnp.float32)
    inp["c0"] = jax.random.normal(ks[3], (L, N, D), dtype=jnp.float32)
    s = 1.0 / np.sqrt(D)
    for l in range(L):
        in_dim = 2 * D if l == 0 else D
        base = 4 + 4 * l
        inp[f"W_ih_{l}"] = jax.random.uniform(ks[base + 0], (4 * D, in_dim), minval=-s, maxval=s, dtype=jnp.float32)
        inp[f"W_hh_{l}"] = jax.random.uniform(ks[base + 1], (4 * D, D), minval=-s, maxval=s, dtype=jnp.float32)
        inp[f"b_ih_{l}"] = jax.random.uniform(ks[base + 2], (4 * D,), minval=-s, maxval=s, dtype=jnp.float32)
        inp[f"b_hh_{l}"] = jax.random.uniform(ks[base + 3], (4 * D,), minval=-s, maxval=s, dtype=jnp.float32)
    return inp


def _max_norm_aggregate(feature, edge_index):
    # DGL: copy_src message + max-L2-norm reduce; isolated nodes keep their own feature
    src = edge_index[0]
    dst = edge_index[1]
    node_norms = jnp.sqrt(jnp.sum(feature * feature, axis=1))
    edge_norms = node_norms[src]
    max_per_dst = jax.ops.segment_max(edge_norms, dst, num_segments=N)
    eid = jnp.arange(E, dtype=jnp.int32)
    cand = jnp.where(edge_norms == max_per_dst[dst], eid, jnp.int32(E))
    sel = jax.ops.segment_min(cand, dst, num_segments=N)
    has_in = sel < E
    sel_c = jnp.clip(sel, 0, E - 1)
    gathered = feature[src[sel_c]]
    return jnp.where(has_in[:, None], gathered, feature)


def _lstm_cell(x, h_prev, c_prev, W_ih, W_hh, b_ih, b_hh):
    gates = x @ W_ih.T + b_ih + h_prev @ W_hh.T + b_hh
    i, f, g, o = jnp.split(gates, 4, axis=1)
    i = jax.nn.sigmoid(i)
    f = jax.nn.sigmoid(f)
    g = jnp.tanh(g)
    o = jax.nn.sigmoid(o)
    c = f * c_prev + i * g
    h = o * jnp.tanh(c)
    return h, c


def reference(feature, edge_index, h0, c0, W_ih_0, W_hh_0, b_ih_0, b_hh_0, W_ih_1, W_hh_1, b_ih_1, b_hh_1, W_ih_2, W_hh_2, b_ih_2, b_hh_2):
    h_agg = _max_norm_aggregate(feature, edge_index)
    x = jnp.concatenate([h_agg, feature], axis=1)  # [N, 2D], seq_len=1 batch=N
    Ws = [(W_ih_0, W_hh_0, b_ih_0, b_hh_0), (W_ih_1, W_hh_1, b_ih_1, b_hh_1), (W_ih_2, W_hh_2, b_ih_2, b_hh_2)]
    h_n = []
    c_n = []
    inp = x
    for l in range(L):
        W_ih, W_hh, b_ih, b_hh = Ws[l]
        h, c = _lstm_cell(inp, h0[l], c0[l], W_ih, W_hh, b_ih, b_hh)
        h_n.append(h)
        c_n.append(c)
        inp = h
    out = inp[None, :, :]  # [1, N, D]
    return (out, jnp.stack(h_n, axis=0), jnp.stack(c_n, axis=0))

if __name__ == "__main__":
    import jax
    _d = setup_inputs()
    print(jax.jit(kernel)(*tuple(_d.values())))

</pallas_src>

<mosaic_0001>
#map = affine_map<(d0, d1) -> (0)>
#map1 = affine_map<(d0, d1) -> (0, 0)>
module attributes {stable_mosaic.version = 14 : i64} {
  func.func @_agg_body(%arg0: i32, %arg1: i32, %arg2: memref<320000xi32, #tpu.memory_space<hbm>>, %arg3: memref<320000xi32, #tpu.memory_space<hbm>>, %arg4: memref<10240xf32, #tpu.memory_space<hbm>>, %arg5: memref<10240x128xf32, #tpu.memory_space<hbm>>, %arg6: memref<10240x128xf32, #tpu.memory_space<hbm>>, %arg7: memref<327680xf32, #tpu.memory_space<hbm>>, %arg8: memref<327680xi32, #tpu.memory_space<hbm>>, %arg9: memref<327680xi32, #tpu.memory_space<hbm>>, %arg10: memref<10240xf32, #tpu.memory_space<hbm>>, %arg11: memref<20000xi32, #tpu.memory_space<vmem>>, %arg12: memref<20000xi32, #tpu.memory_space<vmem>>, %arg13: memref<10240xf32, #tpu.memory_space<vmem>>, %arg14: memref<10256xf32, #tpu.memory_space<vmem>>, %arg15: memref<10256xi32, #tpu.memory_space<vmem>>, %arg16: memref<10240xi32, #tpu.memory_space<vmem>>, %arg17: memref<5120xf32, #tpu.memory_space<vmem>>, %arg18: memref<5120xi32, #tpu.memory_space<vmem>>, %arg19: memref<5120xi32, #tpu.memory_space<vmem>>, %arg20: memref<320xi32, #tpu.memory_space<vmem>>, %arg21: memref<64x128xf32, #tpu.memory_space<vmem>>, %arg22: memref<64x128xf32, #tpu.memory_space<vmem>>, %arg23: memref<800xi32, #tpu.memory_space<vmem>>, %arg24: memref<800xf32, #tpu.memory_space<vmem>>, %arg25: memref<800xi32, #tpu.memory_space<vmem>>, %arg26: memref<!tpu.dma_semaphore, #tpu.memory_space<semaphore_mem>>) attributes {dimension_semantics = [#tpu.dimension_semantics<core_parallel>, #tpu.dimension_semantics<subcore_parallel>], iteration_bounds = array<i64: 2, 16>, scalar_prefetch = 0 : i64, scratch_operands = 16 : i64, tpu.core_type = #tpu.core_type<sc_vector_subcore>, window_params = [{transform_indices = #map}, {transform_indices = #map}, {transform_indices = #map}, {transform_indices = #map1}, {transform_indices = #map1}, {transform_indices = #map}, {transform_indices = #map}, {transform_indices = #map}, {transform_indices = #map}]} {
    %mul3A = arith.constant 16 : i32
    %mul3A_0 = arith.muli %arg0, %mul3A : i32
    %add3A = arith.addi %mul3A_0, %arg1 : i32
    %mul3A_1 = arith.constant 5120 : i32
    %mul3A_2 = arith.muli %arg0, %mul3A_1 : i32
    %mul3A_3 = arith.constant 320 : i32
    %mul3A_4 = arith.muli %arg1, %mul3A_3 : i32
    %add3A_5 = arith.addi %mul3A_2, %mul3A_4 : i32
    %iota3A = tpu.iota {dimensions = array<i32: 0>} : vector<16xi32>
    %mul3A_6 = arith.constant 20000 : i32
    %mul3A_7 = arith.muli %arg1, %mul3A_6 : i32
    %dma_start3A = tpu.memref_slice %arg2[%mul3A_7] : memref<320000xi32, #tpu.memory_space<hbm>> -> memref<20000xi32, #tpu.memory_space<hbm>>
    %dma_start3A_8 = tpu.memref_slice %arg2[%mul3A_7] : memref<320000xi32, #tpu.memory_space<hbm>> -> memref<20000xi32, #tpu.memory_space<hbm>>
    tpu.enqueue_dma source(%dma_start3A_8 : memref<20000xi32, #tpu.memory_space<hbm>>) target(%arg11 : memref<20000xi32, #tpu.memory_space<vmem>>) target_semaphore(%arg26 : memref<!tpu.dma_semaphore, #tpu.memory_space<semaphore_mem>>)
    %mul3A_9 = arith.constant 20000 : i32
    %mul3A_10 = arith.muli %arg1, %mul3A_9 : i32
    %dma_start3A_11 = tpu.memref_slice %arg3[%mul3A_10] : memref<320000xi32, #tpu.memory_space<hbm>> -> memref<20000xi32, #tpu.memory_space<hbm>>
    %dma_start3A_12 = tpu.memref_slice %arg3[%mul3A_10] : memref<320000xi32, #tpu.memory_space<hbm>> -> memref<20000xi32, #tpu.memory_space<hbm>>
    tpu.enqueue_dma source(%dma_start3A_12 : memref<20000xi32, #tpu.memory_space<hbm>>) target(%arg12 : memref<20000xi32, #tpu.memory_space<vmem>>) target_semaphore(%arg26 : memref<!tpu.dma_semaphore, #tpu.memory_space<semaphore_mem>>)
    tpu.enqueue_dma source(%arg4 : memref<10240xf32, #tpu.memory_space<hbm>>) target(%arg13 : memref<10240xf32, #tpu.memory_space<vmem>>) target_semaphore(%arg26 : memref<!tpu.dma_semaphore, #tpu.memory_space<semaphore_mem>>)
    %dma_wait3A = tpu.memref_slice %arg2[%mul3A_7] : memref<320000xi32, #tpu.memory_space<hbm>> -> memref<20000xi32, #tpu.memory_space<hbm>>
    %dma_wait3A_13 = tpu.memref_slice %arg2[%mul3A_7] : memref<320000xi32, #tpu.memory_space<hbm>> -> memref<20000xi32, #tpu.memory_space<hbm>>
    tpu.wait_dma2 semaphore(%arg26 : memref<!tpu.dma_semaphore, #tpu.memory_space<semaphore_mem>>) src(%dma_wait3A_13 : memref<20000xi32, #tpu.memory_space<hbm>>) dst(%arg11 : memref<20000xi32, #tpu.memory_space<vmem>>)
    %dma_wait3A_14 = tpu.memref_slice %arg3[%mul3A_10] : memref<320000xi32, #tpu.memory_space<hbm>> -> memref<20000xi32, #tpu.memory_space<hbm>>
    %dma_wait3A_15 = tpu.memref_slice %arg3[%mul3A_10] : memref<320000xi32, #tpu.memory_space<hbm>> -> memref<20000xi32, #tpu.memory_space<hbm>>
    tpu.wait_dma2 semaphore(%arg26 : memref<!tpu.dma_semaphore, #tpu.memory_space<semaphore_mem>>) src(%dma_wait3A_15 : memref<20000xi32, #tpu.memory_space<hbm>>) dst(%arg12 : memref<20000xi32, #tpu.memory_space<vmem>>)
    tpu.wait_dma2 semaphore(%arg26 : memref<!tpu.dma_semaphore, #tpu.memory_space<semaphore_mem>>) src(%arg4 : memref<10240xf32, #tpu.memory_space<hbm>>) dst(%arg13 : memref<10240xf32, #tpu.memory_space<vmem>>)
    %scan3A = arith.constant 0 : i32
    %scan3A_16 = arith.constant 0 : i32
    %scan3A_17 = arith.constant 641 : i32
    %scan3A_18 = arith.addi %scan3A_16, %scan3A_17 : i32
    %scan3A_19 = arith.constant 1 : i32
    %scan3A_20 = scf.for %scan3A_1048 = %scan3A_16 to %scan3A_18 step %scan3A_19 iter_args(%scan3A_1049 = %scan3A) -> (i32)  : i32 {
      %mul3A_1050 = arith.constant 16 : i32
      %mul3A_1051 = arith.muli %scan3A_1048, %mul3A_1050 : i32
      %broadcast_in_dim3A = arith.constant -1.000000e+00 : f32
      %broadcast_in_dim3A_1052 = vector.broadcast %broadcast_in_dim3A : f32 to vector<16xf32>
      %swap3A = arith.index_cast %mul3A_1051 : i32 to index
      %swap3A_1053 = tpu.vector_load %arg14[%swap3A] {strides = array<i32>} : memref<10256xf32, #tpu.memory_space<vmem>>, vector<16xf32>,
      tpu.vector_store %arg14[%swap3A], %broadcast_in_dim3A_1052 {strides = array<i32>} : memref<10256xf32, #tpu.memory_space<vmem>>, vector<16xf32>,
      %broadcast_in_dim3A_1054 = arith.constant 320000 : i32
      %broadcast_in_dim3A_1055 = vector.broadcast %broadcast_in_dim3A_1054 : i32 to vector<16xi32>
      %swap3A_1056 = arith.index_cast %mul3A_1051 : i32 to index
      %swap3A_1057 = tpu.vector_load %arg15[%swap3A_1056] {strides = array<i32>} : memref<10256xi32, #tpu.memory_space<vmem>>, vector<16xi32>,
      tpu.vector_store %arg15[%swap3A_1056], %broadcast_in_dim3A_1055 {strides = array<i32>} : memref<10256xi32, #tpu.memory_space<vmem>>, vector<16xi32>,
      %scan3A_1058 = arith.constant 0 : i32
      scf.yield %scan3A_1058 : i32
    }
    %scan3A_21 = arith.constant 641 : i32
    %scan3A_22 = arith.constant 0 : i32
    %scan3A_23 = arith.constant 0 : i32
    %scan3A_24 = arith.constant 25 : i32
    %scan3A_25 = arith.addi %scan3A_23, %scan3A_24 : i32
    %scan3A_26 = arith.constant 1 : i32
    %scan3A_27 = scf.for %scan3A_1048 = %scan3A_23 to %scan3A_25 step %scan3A_26 iter_args(%scan3A_1049 = %scan3A_22) -> (i32)  : i32 {
      %parallel_loop3A = arith.constant 0 : i32
      %parallel_loop3A_1050 = arith.constant 50 : i32
      %parallel_loop3A_1051 = arith.constant 1 : i32
      scf.for %parallel_loop3A_1060 = %parallel_loop3A to %parallel_loop3A_1050 step %parallel_loop3A_1051  : i32 {
        %parallel_loop3A_1061 = arith.constant 50 : i32
        %parallel_loop3A_1062 = arith.muli %scan3A_1048, %parallel_loop3A_1061 : i32
        %parallel_loop3A_1063 = arith.addi %parallel_loop3A_1062, %parallel_loop3A_1060 : i32
        %parallel_loop3A_1064 = arith.constant 16 : i32
        %parallel_loop3A_1065 = arith.muli %parallel_loop3A_1064, %parallel_loop3A_1060 : i32
        %parallel_loop3A_1066 = arith.constant 16 : i32
        %parallel_loop3A_1067 = arith.muli %parallel_loop3A_1063, %parallel_loop3A_1066 : i32
        %parallel_loop3A_1068 = arith.index_cast %parallel_loop3A_1067 : i32 to index
        %parallel_loop3A_1069 = tpu.vector_load %arg11[%parallel_loop3A_1068] {strides = array<i32>} : memref<20000xi32, #tpu.memory_space<vmem>>, vector<16xi32>,
        %parallel_loop3A_1070 = arith.index_cast %parallel_loop3A_1067 : i32 to index
        %parallel_loop3A_1071 = tpu.vector_load %arg12[%parallel_loop3A_1070] {strides = array<i32>} : memref<20000xi32, #tpu.memory_space<vmem>>, vector<16xi32>,
        %parallel_loop3A_1072 = tpu.vector_load_idx %arg13[%parallel_loop3A_1069] : memref<10240xf32, #tpu.memory_space<vmem>>[vector<16xi32>], vector<16xf32>,
        %parallel_loop3A_1073 = arith.constant dense<true> : vector<16xi1>
        %parallel_loop3A_1074, %parallel_loop3A_1075, %parallel_loop3A_1076 = tpu.sort %parallel_loop3A_1072, %parallel_loop3A_1071 masked %parallel_loop3A_1073 : (vector<16xf32>, vector<16xi32>, vector<16xi1>) -> (vector<16xi1>, vector<16xf32>, vector<16xi32>)
        %parallel_loop3A_1077 = arith.constant true
        %parallel_loop3A_1078 = vector.broadcast %parallel_loop3A_1077 : i1 to vector<16xi1>
        %parallel_loop3A_1079, %parallel_loop3A_1080 = tpu.scan_count mask(%parallel_loop3A_1078 : vector<16xi1>) value(%parallel_loop3A_1076 : vector<16xi32>) : vector<16xi1>, vector<16xi32>
        %parallel_loop3A_1081 = arith.constant 10240 : i32
        %parallel_loop3A_1082 = vector.broadcast %parallel_loop3A_1081 : i32 to vector<16xi32>
        %parallel_loop3A_1083 = arith.select %parallel_loop3A_1079, %parallel_loop3A_1076, %parallel_loop3A_1082 : vector<16xi1>, vector<16xi32>
        %parallel_loop3A_1084 = arith.index_cast %parallel_loop3A_1065 : i32 to index
        %parallel_loop3A_1085 = tpu.vector_load %arg23[%parallel_loop3A_1084] {strides = array<i32>} : memref<800xi32, #tpu.memory_space<vmem>>, vector<16xi32>,
        tpu.vector_store %arg23[%parallel_loop3A_1084], %parallel_loop3A_1083 {strides = array<i32>} : memref<800xi32, #tpu.memory_space<vmem>>, vector<16xi32>,
        %parallel_loop3A_1086 = arith.index_cast %parallel_loop3A_1065 : i32 to index
        %parallel_loop3A_1087 = tpu.vector_load %arg24[%parallel_loop3A_1086] {strides = array<i32>} : memref<800xf32, #tpu.memory_space<vmem>>, vector<16xf32>,
        tpu.vector_store %arg24[%parallel_loop3A_1086], %parallel_loop3A_1075 {strides = array<i32>} : memref<800xf32, #tpu.memory_space<vmem>>, vector<16xf32>,
      } {sc.loop_unroll_factor = 4 : i64, sc.parallel_access}
      %scan3A_1052 = arith.constant 0 : i32
      %scan3A_1053 = arith.constant 0 : i32
      %scan3A_1054 = arith.constant 50 : i32
      %scan3A_1055 = arith.addi %scan3A_1053, %scan3A_1054 : i32
      %scan3A_1056 = arith.constant 1 : i32
      %scan3A_1057 = scf.for %scan3A_1060 = %scan3A_1053 to %scan3A_1055 step %scan3A_1056 iter_args(%scan3A_1061 = %scan3A_1052) -> (i32)  : i32 {
        %mul3A_1062 = arith.constant 16 : i32
        %mul3A_1063 = arith.muli %mul3A_1062, %scan3A_1060 : i32
        %get3A = arith.index_cast %mul3A_1063 : i32 to index
        %get3A_1064 = tpu.vector_load %arg23[%get3A] {strides = array<i32>} : memref<800xi32, #tpu.memory_space<vmem>>, vector<16xi32>,
        %get3A_1065 = arith.index_cast %mul3A_1063 : i32 to index
        %get3A_1066 = tpu.vector_load %arg24[%get3A_1065] {strides = array<i32>} : memref<800xf32, #tpu.memory_space<vmem>>, vector<16xf32>,
        %gather3A = tpu.vector_load_idx %arg14[%get3A_1064] : memref<10256xf32, #tpu.memory_space<vmem>>[vector<16xi32>], vector<16xf32>,
        %max3A = arith.maximumf %gather3A, %get3A_1066 : vector<16xf32>
        tpu.vector_store_idx %arg14[%get3A_1064], %max3A : memref<10256xf32, #tpu.memory_space<vmem>>[vector<16xi32>], vector<16xf32>,
        %scan3A_1067 = arith.constant 0 : i32
        scf.yield %scan3A_1067 : i32
      }
      %scan3A_1058 = arith.constant 50 : i32
      %scan3A_1059 = arith.constant 0 : i32
      scf.yield %scan3A_1059 : i32
    }
    %scan3A_28 = arith.constant 25 : i32
    %mul3A_29 = arith.constant 10240 : i32
    %mul3A_30 = arith.muli %add3A, %mul3A_29 : i32
    "tpu.region"() ({
      %run_scoped3A = tpu.sem_alloc : memref<!tpu.dma_semaphore, #tpu.memory_space<semaphore_mem>>
      %dma_start3A_1048 = arith.constant 0 : i32
      %dma_start3A_1049 = tpu.memref_slice %arg14[%dma_start3A_1048] : memref<10256xf32, #tpu.memory_space<vmem>> -> memref<10240xf32, #tpu.memory_space<vmem>>
      %dma_start3A_1050 = tpu.memref_slice %arg7[%mul3A_30] : memref<327680xf32, #tpu.memory_space<hbm>> -> memref<10240xf32, #tpu.memory_space<hbm>>
      %dma_start3A_1051 = tpu.memref_slice %arg7[%mul3A_30] : memref<327680xf32, #tpu.memory_space<hbm>> -> memref<10240xf32, #tpu.memory_space<hbm>>
      %dma_start3A_1052 = arith.constant 0 : i32
      %dma_start3A_1053 = tpu.memref_slice %arg14[%dma_start3A_1052] : memref<10256xf32, #tpu.memory_space<vmem>> -> memref<10240xf32, #tpu.memory_space<vmem>>
      tpu.enqueue_dma source(%dma_start3A_1053 : memref<10240xf32, #tpu.memory_space<vmem>>) target(%dma_start3A_1051 : memref<10240xf32, #tpu.memory_space<hbm>>) target_semaphore(%run_scoped3A : memref<!tpu.dma_semaphore, #tpu.memory_space<semaphore_mem>>)
      %dma_wait3A_1054 = arith.constant 0 : i32
      %dma_wait3A_1055 = tpu.memref_slice %arg14[%dma_wait3A_1054] : memref<10256xf32, #tpu.memory_space<vmem>> -> memref<10240xf32, #tpu.memory_space<vmem>>
      %dma_wait3A_1056 = tpu.memref_slice %arg7[%mul3A_30] : memref<327680xf32, #tpu.memory_space<hbm>> -> memref<10240xf32, #tpu.memory_space<hbm>>
      %dma_wait3A_1057 = tpu.memref_slice %arg7[%mul3A_30] : memref<327680xf32, #tpu.memory_space<hbm>> -> memref<10240xf32, #tpu.memory_space<hbm>>
      %dma_wait3A_1058 = arith.constant 0 : i32
      %dma_wait3A_1059 = tpu.memref_slice %arg14[%dma_wait3A_1058] : memref<10256xf32, #tpu.memory_space<vmem>> -> memref<10240xf32, #tpu.memory_space<vmem>>
      tpu.wait_dma2 semaphore(%run_scoped3A : memref<!tpu.dma_semaphore, #tpu.memory_space<semaphore_mem>>) src(%dma_wait3A_1059 : memref<10240xf32, #tpu.memory_space<vmem>>) dst(%dma_wait3A_1057 : memref<10240xf32, #tpu.memory_space<hbm>>)
      tpu.yield
    }) : () -> ()
    %barrier3A = arith.constant 0 : index
    tpu.barrier barrier_id(%barrier3A)
    %mul3A_31 = arith.constant 16 : i32
    %mul3A_32 = arith.muli %arg0, %mul3A_31 : i32
    %add3A_33 = arith.constant 0 : i32
    %add3A_34 = arith.addi %mul3A_32, %add3A_33 : i32
    %mul3A_35 = arith.constant 10240 : i32
    %mul3A_36 = arith.muli %add3A_34, %mul3A_35 : i32
    %add3A_37 = arith.addi %mul3A_36, %add3A_5 : i32
    %dma_start3A_38 = arith.constant 0 : i32
    %dma_start3A_39 = tpu.memref_slice %arg17[%dma_start3A_38] : memref<5120xf32, #tpu.memory_space<vmem>> -> memref<320xf32, #tpu.memory_space<vmem>>
    %dma_start3A_40 = tpu.memref_slice %arg7[%add3A_37] : memref<327680xf32, #tpu.memory_space<hbm>> -> memref<320xf32, #tpu.memory_space<hbm>>
    %dma_start3A_41 = arith.constant 0 : i32
    %dma_start3A_42 = tpu.memref_slice %arg17[%dma_start3A_41] : memref<5120xf32, #tpu.memory_space<vmem>> -> memref<320xf32, #tpu.memory_space<vmem>>
    %dma_start3A_43 = tpu.memref_slice %arg7[%add3A_37] : memref<327680xf32, #tpu.memory_space<hbm>> -> memref<320xf32, #tpu.memory_space<hbm>>
    tpu.enqueue_dma source(%dma_start3A_43 : memref<320xf32, #tpu.memory_space<hbm>>) target(%dma_start3A_42 : memref<320xf32, #tpu.memory_space<vmem>>) target_semaphore(%arg26 : memref<!tpu.dma_semaphore, #tpu.memory_space<semaphore_mem>>)
    %mul3A_44 = arith.constant 16 : i32
    %mul3A_45 = arith.muli %arg0, %mul3A_44 : i32
    %add3A_46 = arith.constant 1 : i32
    %add3A_47 = arith.addi %mul3A_45, %add3A_46 : i32
    %mul3A_48 = arith.constant 10240 : i32
    %mul3A_49 = arith.muli %add3A_47, %mul3A_48 : i32
    %add3A_50 = arith.addi %mul3A_49, %add3A_5 : i32
    %dma_start3A_51 = arith.constant 320 : i32
    %dma_start3A_52 = tpu.memref_slice %arg17[%dma_start3A_51] : memref<5120xf32, #tpu.memory_space<vmem>> -> memref<320xf32, #tpu.memory_space<vmem>>
    %dma_start3A_53 = tpu.memref_slice %arg7[%add3A_50] : memref<327680xf32, #tpu.memory_space<hbm>> -> memref<320xf32, #tpu.memory_space<hbm>>
    %dma_start3A_54 = arith.constant 320 : i32
    %dma_start3A_55 = tpu.memref_slice %arg17[%dma_start3A_54] : memref<5120xf32, #tpu.memory_space<vmem>> -> memref<320xf32, #tpu.memory_space<vmem>>
    %dma_start3A_56 = tpu.memref_slice %arg7[%add3A_50] : memref<327680xf32, #tpu.memory_space<hbm>> -> memref<320xf32, #tpu.memory_space<hbm>>
    tpu.enqueue_dma source(%dma_start3A_56 : memref<320xf32, #tpu.memory_space<hbm>>) target(%dma_start3A_55 : memref<320xf32, #tpu.memory_space<vmem>>) target_semaphore(%arg26 : memref<!tpu.dma_semaphore, #tpu.memory_space<semaphore_mem>>)
    %mul3A_57 = arith.constant 16 : i32
    %mul3A_58 = arith.muli %arg0, %mul3A_57 : i32
    %add3A_59 = arith.constant 2 : i32
    %add3A_60 = arith.addi %mul3A_58, %add3A_59 : i32
    %mul3A_61 = arith.constant 10240 : i32
    %mul3A_62 = arith.muli %add3A_60, %mul3A_61 : i32
    %add3A_63 = arith.addi %mul3A_62, %add3A_5 : i32
    %dma_start3A_64 = arith.constant 640 : i32
    %dma_start3A_65 = tpu.memref_slice %arg17[%dma_start3A_64] : memref<5120xf32, #tpu.memory_space<vmem>> -> memref<320xf32, #tpu.memory_space<vmem>>
    %dma_start3A_66 = tpu.memref_slice %arg7[%add3A_63] : memref<327680xf32, #tpu.memory_space<hbm>> -> memref<320xf32, #tpu.memory_space<hbm>>
    %dma_start3A_67 = arith.constant 640 : i32
    %dma_start3A_68 = tpu.memref_slice %arg17[%dma_start3A_67] : memref<5120xf32, #tpu.memory_space<vmem>> -> memref<320xf32, #tpu.memory_space<vmem>>
    %dma_start3A_69 = tpu.memref_slice %arg7[%add3A_63] : memref<327680xf32, #tpu.memory_space<hbm>> -> memref<320xf32, #tpu.memory_space<hbm>>
    tpu.enqueue_dma source(%dma_start3A_69 : memref<320xf32, #tpu.memory_space<hbm>>) target(%dma_start3A_68 : memref<320xf32, #tpu.memory_space<vmem>>) target_semaphore(%arg26 : memref<!tpu.dma_semaphore, #tpu.memory_space<semaphore_mem>>)
    %mul3A_70 = arith.constant 16 : i32
    %mul3A_71 = arith.muli %arg0, %mul3A_70 : i32
    %add3A_72 = arith.constant 3 : i32
    %add3A_73 = arith.addi %mul3A_71, %add3A_72 : i32
    %mul3A_74 = arith.constant 10240 : i32
    %mul3A_75 = arith.muli %add3A_73, %mul3A_74 : i32
    %add3A_76 = arith.addi %mul3A_75, %add3A_5 : i32
    %dma_start3A_77 = arith.constant 960 : i32
    %dma_start3A_78 = tpu.memref_slice %arg17[%dma_start3A_77] : memref<5120xf32, #tpu.memory_space<vmem>> -> memref<320xf32, #tpu.memory_space<vmem>>
    %dma_start3A_79 = tpu.memref_slice %arg7[%add3A_76] : memref<327680xf32, #tpu.memory_space<hbm>> -> memref<320xf32, #tpu.memory_space<hbm>>
    %dma_start3A_80 = arith.constant 960 : i32
    %dma_start3A_81 = tpu.memref_slice %arg17[%dma_start3A_80] : memref<5120xf32, #tpu.memory_space<vmem>> -> memref<320xf32, #tpu.memory_space<vmem>>
    %dma_start3A_82 = tpu.memref_slice %arg7[%add3A_76] : memref<327680xf32, #tpu.memory_space<hbm>> -> memref<320xf32, #tpu.memory_space<hbm>>
    tpu.enqueue_dma source(%dma_start3A_82 : memref<320xf32, #tpu.memory_space<hbm>>) target(%dma_start3A_81 : memref<320xf32, #tpu.memory_space<vmem>>) target_semaphore(%arg26 : memref<!tpu.dma_semaphore, #tpu.memory_space<semaphore_mem>>)
    %mul3A_83 = arith.constant 16 : i32
    %mul3A_84 = arith.muli %arg0, %mul3A_83 : i32
    %add3A_85 = arith.constant 4 : i32
    %add3A_86 = arith.addi %mul3A_84, %add3A_85 : i32
    %mul3A_87 = arith.constant 10240 : i32
    %mul3A_88 = arith.muli %add3A_86, %mul3A_87 : i32
    %add3A_89 = arith.addi %mul3A_88, %add3A_5 : i32
    %dma_start3A_90 = arith.constant 1280 : i32
    %dma_start3A_91 = tpu.memref_slice %arg17[%dma_start3A_90] : memref<5120xf32, #tpu.memory_space<vmem>> -> memref<320xf32, #tpu.memory_space<vmem>>
    %dma_start3A_92 = tpu.memref_slice %arg7[%add3A_89] : memref<327680xf32, #tpu.memory_space<hbm>> -> memref<320xf32, #tpu.memory_space<hbm>>
    %dma_start3A_93 = arith.constant 1280 : i32
    %dma_start3A_94 = tpu.memref_slice %arg17[%dma_start3A_93] : memref<5120xf32, #tpu.memory_space<vmem>> -> memref<320xf32, #tpu.memory_space<vmem>>
    %dma_start3A_95 = tpu.memref_slice %arg7[%add3A_89] : memref<327680xf32, #tpu.memory_space<hbm>> -> memref<320xf32, #tpu.memory_space<hbm>>
    tpu.enqueue_dma source(%dma_start3A_95 : memref<320xf32, #tpu.memory_space<hbm>>) target(%dma_start3A_94 : memref<320xf32, #tpu.memory_space<vmem>>) target_semaphore(%arg26 : memref<!tpu.dma_semaphore, #tpu.memory_space<semaphore_mem>>)
    %mul3A_96 = arith.constant 16 : i32
    %mul3A_97 = arith.muli %arg0, %mul3A_96 : i32
    %add3A_98 = arith.constant 5 : i32
    %add3A_99 = arith.addi %mul3A_97, %add3A_98 : i32
    %mul3A_100 = arith.constant 10240 : i32
    %mul3A_101 = arith.muli %add3A_99, %mul3A_100 : i32
    %add3A_102 = arith.addi %mul3A_101, %add3A_5 : i32
    %dma_start3A_103 = arith.constant 1600 : i32
    %dma_start3A_104 = tpu.memref_slice %arg17[%dma_start3A_103] : memref<5120xf32, #tpu.memory_space<vmem>> -> memref<320xf32, #tpu.memory_space<vmem>>
    %dma_start3A_105 = tpu.memref_slice %arg7[%add3A_102] : memref<327680xf32, #tpu.memory_space<hbm>> -> memref<320xf32, #tpu.memory_space<hbm>>
    %dma_start3A_106 = arith.constant 1600 : i32
    %dma_start3A_107 = tpu.memref_slice %arg17[%dma_start3A_106] : memref<5120xf32, #tpu.memory_space<vmem>> -> memref<320xf32, #tpu.memory_space<vmem>>
    %dma_start3A_108 = tpu.memref_slice %arg7[%add3A_102] : memref<327680xf32, #tpu.memory_space<hbm>> -> memref<320xf32, #tpu.memory_space<hbm>>
    tpu.enqueue_dma source(%dma_start3A_108 : memref<320xf32, #tpu.memory_space<hbm>>) target(%dma_start3A_107 : memref<320xf32, #tpu.memory_space<vmem>>) target_semaphore(%arg26 : memref<!tpu.dma_semaphore, #tpu.memory_space<semaphore_mem>>)
    %mul3A_109 = arith.constant 16 : i32
    %mul3A_110 = arith.muli %arg0, %mul3A_109 : i32
    %add3A_111 = arith.constant 6 : i32
    %add3A_112 = arith.addi %mul3A_110, %add3A_111 : i32
    %mul3A_113 = arith.constant 10240 : i32
    %mul3A_114 = arith.muli %add3A_112, %mul3A_113 : i32
    %add3A_115 = arith.addi %mul3A_114, %add3A_5 : i32
    %dma_start3A_116 = arith.constant 1920 : i32
    %dma_start3A_117 = tpu.memref_slice %arg17[%dma_start3A_116] : memref<5120xf32, #tpu.memory_space<vmem>> -> memref<320xf32, #tpu.memory_space<vmem>>
    %dma_start3A_118 = tpu.memref_slice %arg7[%add3A_115] : memref<327680xf32, #tpu.memory_space<hbm>> -> memref<320xf32, #tpu.memory_space<hbm>>
    %dma_start3A_119 = arith.constant 1920 : i32
    %dma_start3A_120 = tpu.memref_slice %arg17[%dma_start3A_119] : memref<5120xf32, #tpu.memory_space<vmem>> -> memref<320xf32, #tpu.memory_space<vmem>>
    %dma_start3A_121 = tpu.memref_slice %arg7[%add3A_115] : memref<327680xf32, #tpu.memory_space<hbm>> -> memref<320xf32, #tpu.memory_space<hbm>>
    tpu.enqueue_dma source(%dma_start3A_121 : memref<320xf32, #tpu.memory_space<hbm>>) target(%dma_start3A_120 : memref<320xf32, #tpu.memory_space<vmem>>) target_semaphore(%arg26 : memref<!tpu.dma_semaphore, #tpu.memory_space<semaphore_mem>>)
    %mul3A_122 = arith.constant 16 : i32
    %mul3A_123 = arith.muli %arg0, %mul3A_122 : i32
    %add3A_124 = arith.constant 7 : i32
    %add3A_125 = arith.addi %mul3A_123, %add3A_124 : i32
    %mul3A_126 = arith.constant 10240 : i32
    %mul3A_127 = arith.muli %add3A_125, %mul3A_126 : i32
    %add3A_128 = arith.addi %mul3A_127, %add3A_5 : i32
    %dma_start3A_129 = arith.constant 2240 : i32
    %dma_start3A_130 = tpu.memref_slice %arg17[%dma_start3A_129] : memref<5120xf32, #tpu.memory_space<vmem>> -> memref<320xf32, #tpu.memory_space<vmem>>
    %dma_start3A_131 = tpu.memref_slice %arg7[%add3A_128] : memref<327680xf32, #tpu.memory_space<hbm>> -> memref<320xf32, #tpu.memory_space<hbm>>
    %dma_start3A_132 = arith.constant 2240 : i32
    %dma_start3A_133 = tpu.memref_slice %arg17[%dma_start3A_132] : memref<5120xf32, #tpu.memory_space<vmem>> -> memref<320xf32, #tpu.memory_space<vmem>>
    %dma_start3A_134 = tpu.memref_slice %arg7[%add3A_128] : memref<327680xf32, #tpu.memory_space<hbm>> -> memref<320xf32, #tpu.memory_space<hbm>>
    tpu.enqueue_dma source(%dma_start3A_134 : memref<320xf32, #tpu.memory_space<hbm>>) target(%dma_start3A_133 : memref<320xf32, #tpu.memory_space<vmem>>) target_semaphore(%arg26 : memref<!tpu.dma_semaphore, #tpu.memory_space<semaphore_mem>>)
    %mul3A_135 = arith.constant 16 : i32
    %mul3A_136 = arith.muli %arg0, %mul3A_135 : i32
    %add3A_137 = arith.constant 8 : i32
    %add3A_138 = arith.addi %mul3A_136, %add3A_137 : i32
    %mul3A_139 = arith.constant 10240 : i32
    %mul3A_140 = arith.muli %add3A_138, %mul3A_139 : i32
    %add3A_141 = arith.addi %mul3A_140, %add3A_5 : i32
    %dma_start3A_142 = arith.constant 2560 : i32
    %dma_start3A_143 = tpu.memref_slice %arg17[%dma_start3A_142] : memref<5120xf32, #tpu.memory_space<vmem>> -> memref<320xf32, #tpu.memory_space<vmem>>
    %dma_start3A_144 = tpu.memref_slice %arg7[%add3A_141] : memref<327680xf32, #tpu.memory_space<hbm>> -> memref<320xf32, #tpu.memory_space<hbm>>
    %dma_start3A_145 = arith.constant 2560 : i32
    %dma_start3A_146 = tpu.memref_slice %arg17[%dma_start3A_145] : memref<5120xf32, #tpu.memory_space<vmem>> -> memref<320xf32, #tpu.memory_space<vmem>>
    %dma_start3A_147 = tpu.memref_slice %arg7[%add3A_141] : memref<327680xf32, #tpu.memory_space<hbm>> -> memref<320xf32, #tpu.memory_space<hbm>>
    tpu.enqueue_dma source(%dma_start3A_147 : memref<320xf32, #tpu.memory_space<hbm>>) target(%dma_start3A_146 : memref<320xf32, #tpu.memory_space<vmem>>) target_semaphore(%arg26 : memref<!tpu.dma_semaphore, #tpu.memory_space<semaphore_mem>>)
    %mul3A_148 = arith.constant 16 : i32
    %mul3A_149 = arith.muli %arg0, %mul3A_148 : i32
    %add3A_150 = arith.constant 9 : i32
    %add3A_151 = arith.addi %mul3A_149, %add3A_150 : i32
    %mul3A_152 = arith.constant 10240 : i32
    %mul3A_153 = arith.muli %add3A_151, %mul3A_152 : i32
    %add3A_154 = arith.addi %mul3A_153, %add3A_5 : i32
    %dma_start3A_155 = arith.constant 2880 : i32
    %dma_start3A_156 = tpu.memref_slice %arg17[%dma_start3A_155] : memref<5120xf32, #tpu.memory_space<vmem>> -> memref<320xf32, #tpu.memory_space<vmem>>
    %dma_start3A_157 = tpu.memref_slice %arg7[%add3A_154] : memref<327680xf32, #tpu.memory_space<hbm>> -> memref<320xf32, #tpu.memory_space<hbm>>
    %dma_start3A_158 = arith.constant 2880 : i32
    %dma_start3A_159 = tpu.memref_slice %arg17[%dma_start3A_158] : memref<5120xf32, #tpu.memory_space<vmem>> -> memref<320xf32, #tpu.memory_space<vmem>>
    %dma_start3A_160 = tpu.memref_slice %arg7[%add3A_154] : memref<327680xf32, #tpu.memory_space<hbm>> -> memref<320xf32, #tpu.memory_space<hbm>>
    tpu.enqueue_dma source(%dma_start3A_160 : memref<320xf32, #tpu.memory_space<hbm>>) target(%dma_start3A_159 : memref<320xf32, #tpu.memory_space<vmem>>) target_semaphore(%arg26 : memref<!tpu.dma_semaphore, #tpu.memory_space<semaphore_mem>>)
    %mul3A_161 = arith.constant 16 : i32
    %mul3A_162 = arith.muli %arg0, %mul3A_161 : i32
    %add3A_163 = arith.constant 10 : i32
    %add3A_164 = arith.addi %mul3A_162, %add3A_163 : i32
    %mul3A_165 = arith.constant 10240 : i32
    %mul3A_166 = arith.muli %add3A_164, %mul3A_165 : i32
    %add3A_167 = arith.addi %mul3A_166, %add3A_5 : i32
    %dma_start3A_168 = arith.constant 3200 : i32
    %dma_start3A_169 = tpu.memref_slice %arg17[%dma_start3A_168] : memref<5120xf32, #tpu.memory_space<vmem>> -> memref<320xf32, #tpu.memory_space<vmem>>
    %dma_start3A_170 = tpu.memref_slice %arg7[%add3A_167] : memref<327680xf32, #tpu.memory_space<hbm>> -> memref<320xf32, #tpu.memory_space<hbm>>
    %dma_start3A_171 = arith.constant 3200 : i32
    %dma_start3A_172 = tpu.memref_slice %arg17[%dma_start3A_171] : memref<5120xf32, #tpu.memory_space<vmem>> -> memref<320xf32, #tpu.memory_space<vmem>>
    %dma_start3A_173 = tpu.memref_slice %arg7[%add3A_167] : memref<327680xf32, #tpu.memory_space<hbm>> -> memref<320xf32, #tpu.memory_space<hbm>>
    tpu.enqueue_dma source(%dma_start3A_173 : memref<320xf32, #tpu.memory_space<hbm>>) target(%dma_start3A_172 : memref<320xf32, #tpu.memory_space<vmem>>) target_semaphore(%arg26 : memref<!tpu.dma_semaphore, #tpu.memory_space<semaphore_mem>>)
    %mul3A_174 = arith.constant 16 : i32
    %mul3A_175 = arith.muli %arg0, %mul3A_174 : i32
    %add3A_176 = arith.constant 11 : i32
    %add3A_177 = arith.addi %mul3A_175, %add3A_176 : i32
    %mul3A_178 = arith.constant 10240 : i32
    %mul3A_179 = arith.muli %add3A_177, %mul3A_178 : i32
    %add3A_180 = arith.addi %mul3A_179, %add3A_5 : i32
    %dma_start3A_181 = arith.constant 3520 : i32
    %dma_start3A_182 = tpu.memref_slice %arg17[%dma_start3A_181] : memref<5120xf32, #tpu.memory_space<vmem>> -> memref<320xf32, #tpu.memory_space<vmem>>
    %dma_start3A_183 = tpu.memref_slice %arg7[%add3A_180] : memref<327680xf32, #tpu.memory_space<hbm>> -> memref<320xf32, #tpu.memory_space<hbm>>
    %dma_start3A_184 = arith.constant 3520 : i32
    %dma_start3A_185 = tpu.memref_slice %arg17[%dma_start3A_184] : memref<5120xf32, #tpu.memory_space<vmem>> -> memref<320xf32, #tpu.memory_space<vmem>>
    %dma_start3A_186 = tpu.memref_slice %arg7[%add3A_180] : memref<327680xf32, #tpu.memory_space<hbm>> -> memref<320xf32, #tpu.memory_space<hbm>>
    tpu.enqueue_dma source(%dma_start3A_186 : memref<320xf32, #tpu.memory_space<hbm>>) target(%dma_start3A_185 : memref<320xf32, #tpu.memory_space<vmem>>) target_semaphore(%arg26 : memref<!tpu.dma_semaphore, #tpu.memory_space<semaphore_mem>>)
    %mul3A_187 = arith.constant 16 : i32
    %mul3A_188 = arith.muli %arg0, %mul3A_187 : i32
    %add3A_189 = arith.constant 12 : i32
    %add3A_190 = arith.addi %mul3A_188, %add3A_189 : i32
    %mul3A_191 = arith.constant 10240 : i32
    %mul3A_192 = arith.muli %add3A_190, %mul3A_191 : i32
    %add3A_193 = arith.addi %mul3A_192, %add3A_5 : i32
    %dma_start3A_194 = arith.constant 3840 : i32
    %dma_start3A_195 = tpu.memref_slice %arg17[%dma_start3A_194] : memref<5120xf32, #tpu.memory_space<vmem>> -> memref<320xf32, #tpu.memory_space<vmem>>
    %dma_start3A_196 = tpu.memref_slice %arg7[%add3A_193] : memref<327680xf32, #tpu.memory_space<hbm>> -> memref<320xf32, #tpu.memory_space<hbm>>
    %dma_start3A_197 = arith.constant 3840 : i32
    %dma_start3A_198 = tpu.memref_slice %arg17[%dma_start3A_197] : memref<5120xf32, #tpu.memory_space<vmem>> -> memref<320xf32, #tpu.memory_space<vmem>>
    %dma_start3A_199 = tpu.memref_slice %arg7[%add3A_193] : memref<327680xf32, #tpu.memory_space<hbm>> -> memref<320xf32, #tpu.memory_space<hbm>>
    tpu.enqueue_dma source(%dma_start3A_199 : memref<320xf32, #tpu.memory_space<hbm>>) target(%dma_start3A_198 : memref<320xf32, #tpu.memory_space<vmem>>) target_semaphore(%arg26 : memref<!tpu.dma_semaphore, #tpu.memory_space<semaphore_mem>>)
    %mul3A_200 = arith.constant 16 : i32
    %mul3A_201 = arith.muli %arg0, %mul3A_200 : i32
    %add3A_202 = arith.constant 13 : i32
    %add3A_203 = arith.addi %mul3A_201, %add3A_202 : i32
    %mul3A_204 = arith.constant 10240 : i32
    %mul3A_205 = arith.muli %add3A_203, %mul3A_204 : i32
    %add3A_206 = arith.addi %mul3A_205, %add3A_5 : i32
    %dma_start3A_207 = arith.constant 4160 : i32
    %dma_start3A_208 = tpu.memref_slice %arg17[%dma_start3A_207] : memref<5120xf32, #tpu.memory_space<vmem>> -> memref<320xf32, #tpu.memory_space<vmem>>
    %dma_start3A_209 = tpu.memref_slice %arg7[%add3A_206] : memref<327680xf32, #tpu.memory_space<hbm>> -> memref<320xf32, #tpu.memory_space<hbm>>
    %dma_start3A_210 = arith.constant 4160 : i32
    %dma_start3A_211 = tpu.memref_slice %arg17[%dma_start3A_210] : memref<5120xf32, #tpu.memory_space<vmem>> -> memref<320xf32, #tpu.memory_space<vmem>>
    %dma_start3A_212 = tpu.memref_slice %arg7[%add3A_206] : memref<327680xf32, #tpu.memory_space<hbm>> -> memref<320xf32, #tpu.memory_space<hbm>>
    tpu.enqueue_dma source(%dma_start3A_212 : memref<320xf32, #tpu.memory_space<hbm>>) target(%dma_start3A_211 : memref<320xf32, #tpu.memory_space<vmem>>) target_semaphore(%arg26 : memref<!tpu.dma_semaphore, #tpu.memory_space<semaphore_mem>>)
    %mul3A_213 = arith.constant 16 : i32
    %mul3A_214 = arith.muli %arg0, %mul3A_213 : i32
    %add3A_215 = arith.constant 14 : i32
    %add3A_216 = arith.addi %mul3A_214, %add3A_215 : i32
    %mul3A_217 = arith.constant 10240 : i32
    %mul3A_218 = arith.muli %add3A_216, %mul3A_217 : i32
    %add3A_219 = arith.addi %mul3A_218, %add3A_5 : i32
    %dma_start3A_220 = arith.constant 4480 : i32
    %dma_start3A_221 = tpu.memref_slice %arg17[%dma_start3A_220] : memref<5120xf32, #tpu.memory_space<vmem>> -> memref<320xf32, #tpu.memory_space<vmem>>
    %dma_start3A_222 = tpu.memref_slice %arg7[%add3A_219] : memref<327680xf32, #tpu.memory_space<hbm>> -> memref<320xf32, #tpu.memory_space<hbm>>
    %dma_start3A_223 = arith.constant 4480 : i32
    %dma_start3A_224 = tpu.memref_slice %arg17[%dma_start3A_223] : memref<5120xf32, #tpu.memory_space<vmem>> -> memref<320xf32, #tpu.memory_space<vmem>>
    %dma_start3A_225 = tpu.memref_slice %arg7[%add3A_219] : memref<327680xf32, #tpu.memory_space<hbm>> -> memref<320xf32, #tpu.memory_space<hbm>>
    tpu.enqueue_dma source(%dma_start3A_225 : memref<320xf32, #tpu.memory_space<hbm>>) target(%dma_start3A_224 : memref<320xf32, #tpu.memory_space<vmem>>) target_semaphore(%arg26 : memref<!tpu.dma_semaphore, #tpu.memory_space<semaphore_mem>>)
    %mul3A_226 = arith.constant 16 : i32
    %mul3A_227 = arith.muli %arg0, %mul3A_226 : i32
    %add3A_228 = arith.constant 15 : i32
    %add3A_229 = arith.addi %mul3A_227, %add3A_228 : i32
    %mul3A_230 = arith.constant 10240 : i32
    %mul3A_231 = arith.muli %add3A_229, %mul3A_230 : i32
    %add3A_232 = arith.addi %mul3A_231, %add3A_5 : i32
    %dma_start3A_233 = arith.constant 4800 : i32
    %dma_start3A_234 = tpu.memref_slice %arg17[%dma_start3A_233] : memref<5120xf32, #tpu.memory_space<vmem>> -> memref<320xf32, #tpu.memory_space<vmem>>
    %dma_start3A_235 = tpu.memref_slice %arg7[%add3A_232] : memref<327680xf32, #tpu.memory_space<hbm>> -> memref<320xf32, #tpu.memory_space<hbm>>
    %dma_start3A_236 = arith.constant 4800 : i32
    %dma_start3A_237 = tpu.memref_slice %arg17[%dma_start3A_236] : memref<5120xf32, #tpu.memory_space<vmem>> -> memref<320xf32, #tpu.memory_space<vmem>>
    %dma_start3A_238 = tpu.memref_slice %arg7[%add3A_232] : memref<327680xf32, #tpu.memory_space<hbm>> -> memref<320xf32, #tpu.memory_space<hbm>>
    tpu.enqueue_dma source(%dma_start3A_238 : memref<320xf32, #tpu.memory_space<hbm>>) target(%dma_start3A_237 : memref<320xf32, #tpu.memory_space<vmem>>) target_semaphore(%arg26 : memref<!tpu.dma_semaphore, #tpu.memory_space<semaphore_mem>>)
    %dma_wait3A_239 = arith.constant 0 : i32
    %dma_wait3A_240 = tpu.memref_slice %arg17[%dma_wait3A_239] : memref<5120xf32, #tpu.memory_space<vmem>> -> memref<320xf32, #tpu.memory_space<vmem>>
    %dma_wait3A_241 = tpu.memref_slice %arg7[%add3A_37] : memref<327680xf32, #tpu.memory_space<hbm>> -> memref<320xf32, #tpu.memory_space<hbm>>
    %dma_wait3A_242 = arith.constant 0 : i32
    %dma_wait3A_243 = tpu.memref_slice %arg17[%dma_wait3A_242] : memref<5120xf32, #tpu.memory_space<vmem>> -> memref<320xf32, #tpu.memory_space<vmem>>
    %dma_wait3A_244 = tpu.memref_slice %arg7[%add3A_37] : memref<327680xf32, #tpu.memory_space<hbm>> -> memref<320xf32, #tpu.memory_space<hbm>>
    tpu.wait_dma2 semaphore(%arg26 : memref<!tpu.dma_semaphore, #tpu.memory_space<semaphore_mem>>) src(%dma_wait3A_244 : memref<320xf32, #tpu.memory_space<hbm>>) dst(%dma_wait3A_243 : memref<320xf32, #tpu.memory_space<vmem>>)
    %dma_wait3A_245 = arith.constant 320 : i32
    %dma_wait3A_246 = tpu.memref_slice %arg17[%dma_wait3A_245] : memref<5120xf32, #tpu.memory_space<vmem>> -> memref<320xf32, #tpu.memory_space<vmem>>
    %dma_wait3A_247 = tpu.memref_slice %arg7[%add3A_50] : memref<327680xf32, #tpu.memory_space<hbm>> -> memref<320xf32, #tpu.memory_space<hbm>>
    %dma_wait3A_248 = arith.constant 320 : i32
    %dma_wait3A_249 = tpu.memref_slice %arg17[%dma_wait3A_248] : memref<5120xf32, #tpu.memory_space<vmem>> -> memref<320xf32, #tpu.memory_space<vmem>>
    %dma_wait3A_250 = tpu.memref_slice %arg7[%add3A_50] : memref<327680xf32, #tpu.memory_space<hbm>> -> memref<320xf32, #tpu.memory_space<hbm>>
    tpu.wait_dma2 semaphore(%arg26 : memref<!tpu.dma_semaphore, #tpu.memory_space<semaphore_mem>>) src(%dma_wait3A_250 : memref<320xf32, #tpu.memory_space<hbm>>) dst(%dma_wait3A_249 : memref<320xf32, #tpu.memory_space<vmem>>)
    %dma_wait3A_251 = arith.constant 640 : i32
    %dma_wait3A_252 = tpu.memref_slice %arg17[%dma_wait3A_251] : memref<5120xf32, #tpu.memory_space<vmem>> -> memref<320xf32, #tpu.memory_space<vmem>>
    %dma_wait3A_253 = tpu.memref_slice %arg7[%add3A_63] : memref<327680xf32, #tpu.memory_space<hbm>> -> memref<320xf32, #tpu.memory_space<hbm>>
    %dma_wait3A_254 = arith.constant 640 : i32
    %dma_wait3A_255 = tpu.memref_slice %arg17[%dma_wait3A_254] : memref<5120xf32, #tpu.memory_space<vmem>> -> memref<320xf32, #tpu.memory_space<vmem>>
    %dma_wait3A_256 = tpu.memref_slice %arg7[%add3A_63] : memref<327680xf32, #tpu.memory_space<hbm>> -> memref<320xf32, #tpu.memory_space<hbm>>
    tpu.wait_dma2 semaphore(%arg26 : memref<!tpu.dma_semaphore, #tpu.memory_space<semaphore_mem>>) src(%dma_wait3A_256 : memref<320xf32, #tpu.memory_space<hbm>>) dst(%dma_wait3A_255 : memref<320xf32, #tpu.memory_space<vmem>>)
    %dma_wait3A_257 = arith.constant 960 : i32
    %dma_wait3A_258 = tpu.memref_slice %arg17[%dma_wait3A_257] : memref<5120xf32, #tpu.memory_space<vmem>> -> memref<320xf32, #tpu.memory_space<vmem>>
    %dma_wait3A_259 = tpu.memref_slice %arg7[%add3A_76] : memref<327680xf32, #tpu.memory_space<hbm>> -> memref<320xf32, #tpu.memory_space<hbm>>
    %dma_wait3A_260 = arith.constant 960 : i32
    %dma_wait3A_261 = tpu.memref_slice %arg17[%dma_wait3A_260] : memref<5120xf32, #tpu.memory_space<vmem>> -> memref<320xf32, #tpu.memory_space<vmem>>
    %dma_wait3A_262 = tpu.memref_slice %arg7[%add3A_76] : memref<327680xf32, #tpu.memory_space<hbm>> -> memref<320xf32, #tpu.memory_space<hbm>>
    tpu.wait_dma2 semaphore(%arg26 : memref<!tpu.dma_semaphore, #tpu.memory_space<semaphore_mem>>) src(%dma_wait3A_262 : memref<320xf32, #tpu.memory_space<hbm>>) dst(%dma_wait3A_261 : memref<320xf32, #tpu.memory_space<vmem>>)
    %dma_wait3A_263 = arith.constant 1280 : i32
    %dma_wait3A_264 = tpu.memref_slice %arg17[%dma_wait3A_263] : memref<5120xf32, #tpu.memory_space<vmem>> -> memref<320xf32, #tpu.memory_space<vmem>>
    %dma_wait3A_265 = tpu.memref_slice %arg7[%add3A_89] : memref<327680xf32, #tpu.memory_space<hbm>> -> memref<320xf32, #tpu.memory_space<hbm>>
    %dma_wait3A_266 = arith.constant 1280 : i32
    %dma_wait3A_267 = tpu.memref_slice %arg17[%dma_wait3A_266] : memref<5120xf32, #tpu.memory_space<vmem>> -> memref<320xf32, #tpu.memory_space<vmem>>
    %dma_wait3A_268 = tpu.memref_slice %arg7[%add3A_89] : memref<327680xf32, #tpu.memory_space<hbm>> -> memref<320xf32, #tpu.memory_space<hbm>>
    tpu.wait_dma2 semaphore(%arg26 : memref<!tpu.dma_semaphore, #tpu.memory_space<semaphore_mem>>) src(%dma_wait3A_268 : memref<320xf32, #tpu.memory_space<hbm>>) dst(%dma_wait3A_267 : memref<320xf32, #tpu.memory_space<vmem>>)
    %dma_wait3A_269 = arith.constant 1600 : i32
    %dma_wait3A_270 = tpu.memref_slice %arg17[%dma_wait3A_269] : memref<5120xf32, #tpu.memory_space<vmem>> -> memref<320xf32, #tpu.memory_space<vmem>>
    %dma_wait3A_271 = tpu.memref_slice %arg7[%add3A_102] : memref<327680xf32, #tpu.memory_space<hbm>> -> memref<320xf32, #tpu.memory_space<hbm>>
    %dma_wait3A_272 = arith.constant 1600 : i32
    %dma_wait3A_273 = tpu.memref_slice %arg17[%dma_wait3A_272] : memref<5120xf32, #tpu.memory_space<vmem>> -> memref<320xf32, #tpu.memory_space<vmem>>
    %dma_wait3A_274 = tpu.memref_slice %arg7[%add3A_102] : memref<327680xf32, #tpu.memory_space<hbm>> -> memref<320xf32, #tpu.memory_space<hbm>>
    tpu.wait_dma2 semaphore(%arg26 : memref<!tpu.dma_semaphore, #tpu.memory_space<semaphore_mem>>) src(%dma_wait3A_274 : memref<320xf32, #tpu.memory_space<hbm>>) dst(%dma_wait3A_273 : memref<320xf32, #tpu.memory_space<vmem>>)
    %dma_wait3A_275 = arith.constant 1920 : i32
    %dma_wait3A_276 = tpu.memref_slice %arg17[%dma_wait3A_275] : memref<5120xf32, #tpu.memory_space<vmem>> -> memref<320xf32, #tpu.memory_space<vmem>>
    %dma_wait3A_277 = tpu.memref_slice %arg7[%add3A_115] : memref<327680xf32, #tpu.memory_space<hbm>> -> memref<320xf32, #tpu.memory_space<hbm>>
    %dma_wait3A_278 = arith.constant 1920 : i32
    %dma_wait3A_279 = tpu.memref_slice %arg17[%dma_wait3A_278] : memref<5120xf32, #tpu.memory_space<vmem>> -> memref<320xf32, #tpu.memory_space<vmem>>
    %dma_wait3A_280 = tpu.memref_slice %arg7[%add3A_115] : memref<327680xf32, #tpu.memory_space<hbm>> -> memref<320xf32, #tpu.memory_space<hbm>>
    tpu.wait_dma2 semaphore(%arg26 : memref<!tpu.dma_semaphore, #tpu.memory_space<semaphore_mem>>) src(%dma_wait3A_280 : memref<320xf32, #tpu.memory_space<hbm>>) dst(%dma_wait3A_279 : memref<320xf32, #tpu.memory_space<vmem>>)
    %dma_wait3A_281 = arith.constant 2240 : i32
    %dma_wait3A_282 = tpu.memref_slice %arg17[%dma_wait3A_281] : memref<5120xf32, #tpu.memory_space<vmem>> -> memref<320xf32, #tpu.memory_space<vmem>>
    %dma_wait3A_283 = tpu.memref_slice %arg7[%add3A_128] : memref<327680xf32, #tpu.memory_space<hbm>> -> memref<320xf32, #tpu.memory_space<hbm>>
    %dma_wait3A_284 = arith.constant 2240 : i32
    %dma_wait3A_285 = tpu.memref_slice %arg17[%dma_wait3A_284] : memref<5120xf32, #tpu.memory_space<vmem>> -> memref<320xf32, #tpu.memory_space<vmem>>
    %dma_wait3A_286 = tpu.memref_slice %arg7[%add3A_128] : memref<327680xf32, #tpu.memory_space<hbm>> -> memref<320xf32, #tpu.memory_space<hbm>>
    tpu.wait_dma2 semaphore(%arg26 : memref<!tpu.dma_semaphore, #tpu.memory_space<semaphore_mem>>) src(%dma_wait3A_286 : memref<320xf32, #tpu.memory_space<hbm>>) dst(%dma_wait3A_285 : memref<320xf32, #tpu.memory_space<vmem>>)
    %dma_wait3A_287 = arith.constant 2560 : i32
    %dma_wait3A_288 = tpu.memref_slice %arg17[%dma_wait3A_287] : memref<5120xf32, #tpu.memory_space<vmem>> -> memref<320xf32, #tpu.memory_space<vmem>>
    %dma_wait3A_289 = tpu.memref_slice %arg7[%add3A_141] : memref<327680xf32, #tpu.memory_space<hbm>> -> memref<320xf32, #tpu.memory_space<hbm>>
    %dma_wait3A_290 = arith.constant 2560 : i32
    %dma_wait3A_291 = tpu.memref_slice %arg17[%dma_wait3A_290] : memref<5120xf32, #tpu.memory_space<vmem>> -> memref<320xf32, #tpu.memory_space<vmem>>
    %dma_wait3A_292 = tpu.memref_slice %arg7[%add3A_141] : memref<327680xf32, #tpu.memory_space<hbm>> -> memref<320xf32, #tpu.memory_space<hbm>>
    tpu.wait_dma2 semaphore(%arg26 : memref<!tpu.dma_semaphore, #tpu.memory_space<semaphore_mem>>) src(%dma_wait3A_292 : memref<320xf32, #tpu.memory_space<hbm>>) dst(%dma_wait3A_291 : memref<320xf32, #tpu.memory_space<vmem>>)
    %dma_wait3A_293 = arith.constant 2880 : i32
    %dma_wait3A_294 = tpu.memref_slice %arg17[%dma_wait3A_293] : memref<5120xf32, #tpu.memory_space<vmem>> -> memref<320xf32, #tpu.memory_space<vmem>>
    %dma_wait3A_295 = tpu.memref_slice %arg7[%add3A_154] : memref<327680xf32, #tpu.memory_space<hbm>> -> memref<320xf32, #tpu.memory_space<hbm>>
    %dma_wait3A_296 = arith.constant 2880 : i32
    %dma_wait3A_297 = tpu.memref_slice %arg17[%dma_wait3A_296] : memref<5120xf32, #tpu.memory_space<vmem>> -> memref<320xf32, #tpu.memory_space<vmem>>
    %dma_wait3A_298 = tpu.memref_slice %arg7[%add3A_154] : memref<327680xf32, #tpu.memory_space<hbm>> -> memref<320xf32, #tpu.memory_space<hbm>>
    tpu.wait_dma2 semaphore(%arg26 : memref<!tpu.dma_semaphore, #tpu.memory_space<semaphore_mem>>) src(%dma_wait3A_298 : memref<320xf32, #tpu.memory_space<hbm>>) dst(%dma_wait3A_297 : memref<320xf32, #tpu.memory_space<vmem>>)
    %dma_wait3A_299 = arith.constant 3200 : i32
    %dma_wait3A_300 = tpu.memref_slice %arg17[%dma_wait3A_299] : memref<5120xf32, #tpu.memory_space<vmem>> -> memref<320xf32, #tpu.memory_space<vmem>>
    %dma_wait3A_301 = tpu.memref_slice %arg7[%add3A_167] : memref<327680xf32, #tpu.memory_space<hbm>> -> memref<320xf32, #tpu.memory_space<hbm>>
    %dma_wait3A_302 = arith.constant 3200 : i32
    %dma_wait3A_303 = tpu.memref_slice %arg17[%dma_wait3A_302] : memref<5120xf32, #tpu.memory_space<vmem>> -> memref<320xf32, #tpu.memory_space<vmem>>
    %dma_wait3A_304 = tpu.memref_slice %arg7[%add3A_167] : memref<327680xf32, #tpu.memory_space<hbm>> -> memref<320xf32, #tpu.memory_space<hbm>>
    tpu.wait_dma2 semaphore(%arg26 : memref<!tpu.dma_semaphore, #tpu.memory_space<semaphore_mem>>) src(%dma_wait3A_304 : memref<320xf32, #tpu.memory_space<hbm>>) dst(%dma_wait3A_303 : memref<320xf32, #tpu.memory_space<vmem>>)
    %dma_wait3A_305 = arith.constant 3520 : i32
    %dma_wait3A_306 = tpu.memref_slice %arg17[%dma_wait3A_305] : memref<5120xf32, #tpu.memory_space<vmem>> -> memref<320xf32, #tpu.memory_space<vmem>>
    %dma_wait3A_307 = tpu.memref_slice %arg7[%add3A_180] : memref<327680xf32, #tpu.memory_space<hbm>> -> memref<320xf32, #tpu.memory_space<hbm>>
    %dma_wait3A_308 = arith.constant 3520 : i32
    %dma_wait3A_309 = tpu.memref_slice %arg17[%dma_wait3A_308] : memref<5120xf32, #tpu.memory_space<vmem>> -> memref<320xf32, #tpu.memory_space<vmem>>
    %dma_wait3A_310 = tpu.memref_slice %arg7[%add3A_180] : memref<327680xf32, #tpu.memory_space<hbm>> -> memref<320xf32, #tpu.memory_space<hbm>>
    tpu.wait_dma2 semaphore(%arg26 : memref<!tpu.dma_semaphore, #tpu.memory_space<semaphore_mem>>) src(%dma_wait3A_310 : memref<320xf32, #tpu.memory_space<hbm>>) dst(%dma_wait3A_309 : memref<320xf32, #tpu.memory_space<vmem>>)
    %dma_wait3A_311 = arith.constant 3840 : i32
    %dma_wait3A_312 = tpu.memref_slice %arg17[%dma_wait3A_311] : memref<5120xf32, #tpu.memory_space<vmem>> -> memref<320xf32, #tpu.memory_space<vmem>>
    %dma_wait3A_313 = tpu.memref_slice %arg7[%add3A_193] : memref<327680xf32, #tpu.memory_space<hbm>> -> memref<320xf32, #tpu.memory_space<hbm>>
    %dma_wait3A_314 = arith.constant 3840 : i32
    %dma_wait3A_315 = tpu.memref_slice %arg17[%dma_wait3A_314] : memref<5120xf32, #tpu.memory_space<vmem>> -> memref<320xf32, #tpu.memory_space<vmem>>
    %dma_wait3A_316 = tpu.memref_slice %arg7[%add3A_193] : memref<327680xf32, #tpu.memory_space<hbm>> -> memref<320xf32, #tpu.memory_space<hbm>>
    tpu.wait_dma2 semaphore(%arg26 : memref<!tpu.dma_semaphore, #tpu.memory_space<semaphore_mem>>) src(%dma_wait3A_316 : memref<320xf32, #tpu.memory_space<hbm>>) dst(%dma_wait3A_315 : memref<320xf32, #tpu.memory_space<vmem>>)
    %dma_wait3A_317 = arith.constant 4160 : i32
    %dma_wait3A_318 = tpu.memref_slice %arg17[%dma_wait3A_317] : memref<5120xf32, #tpu.memory_space<vmem>> -> memref<320xf32, #tpu.memory_space<vmem>>
    %dma_wait3A_319 = tpu.memref_slice %arg7[%add3A_206] : memref<327680xf32, #tpu.memory_space<hbm>> -> memref<320xf32, #tpu.memory_space<hbm>>
    %dma_wait3A_320 = arith.constant 4160 : i32
    %dma_wait3A_321 = tpu.memref_slice %arg17[%dma_wait3A_320] : memref<5120xf32, #tpu.memory_space<vmem>> -> memref<320xf32, #tpu.memory_space<vmem>>
    %dma_wait3A_322 = tpu.memref_slice %arg7[%add3A_206] : memref<327680xf32, #tpu.memory_space<hbm>> -> memref<320xf32, #tpu.memory_space<hbm>>
    tpu.wait_dma2 semaphore(%arg26 : memref<!tpu.dma_semaphore, #tpu.memory_space<semaphore_mem>>) src(%dma_wait3A_322 : memref<320xf32, #tpu.memory_space<hbm>>) dst(%dma_wait3A_321 : memref<320xf32, #tpu.memory_space<vmem>>)
    %dma_wait3A_323 = arith.constant 4480 : i32
    %dma_wait3A_324 = tpu.memref_slice %arg17[%dma_wait3A_323] : memref<5120xf32, #tpu.memory_space<vmem>> -> memref<320xf32, #tpu.memory_space<vmem>>
    %dma_wait3A_325 = tpu.memref_slice %arg7[%add3A_219] : memref<327680xf32, #tpu.memory_space<hbm>> -> memref<320xf32, #tpu.memory_space<hbm>>
    %dma_wait3A_326 = arith.constant 4480 : i32
    %dma_wait3A_327 = tpu.memref_slice %arg17[%dma_wait3A_326] : memref<5120xf32, #tpu.memory_space<vmem>> -> memref<320xf32, #tpu.memory_space<vmem>>
    %dma_wait3A_328 = tpu.memref_slice %arg7[%add3A_219] : memref<327680xf32, #tpu.memory_space<hbm>> -> memref<320xf32, #tpu.memory_space<hbm>>
    tpu.wait_dma2 semaphore(%arg26 : memref<!tpu.dma_semaphore, #tpu.memory_space<semaphore_mem>>) src(%dma_wait3A_328 : memref<320xf32, #tpu.memory_space<hbm>>) dst(%dma_wait3A_327 : memref<320xf32, #tpu.memory_space<vmem>>)
    %dma_wait3A_329 = arith.constant 4800 : i32
    %dma_wait3A_330 = tpu.memref_slice %arg17[%dma_wait3A_329] : memref<5120xf32, #tpu.memory_space<vmem>> -> memref<320xf32, #tpu.memory_space<vmem>>
    %dma_wait3A_331 = tpu.memref_slice %arg7[%add3A_232] : memref<327680xf32, #tpu.memory_space<hbm>> -> memref<320xf32, #tpu.memory_space<hbm>>
    %dma_wait3A_332 = arith.constant 4800 : i32
    %dma_wait3A_333 = tpu.memref_slice %arg17[%dma_wait3A_332] : memref<5120xf32, #tpu.memory_space<vmem>> -> memref<320xf32, #tpu.memory_space<vmem>>
    %dma_wait3A_334 = tpu.memref_slice %arg7[%add3A_232] : memref<327680xf32, #tpu.memory_space<hbm>> -> memref<320xf32, #tpu.memory_space<hbm>>
    tpu.wait_dma2 semaphore(%arg26 : memref<!tpu.dma_semaphore, #tpu.memory_space<semaphore_mem>>) src(%dma_wait3A_334 : memref<320xf32, #tpu.memory_space<hbm>>) dst(%dma_wait3A_333 : memref<320xf32, #tpu.memory_space<vmem>>)
    %scan3A_335 = arith.constant 0 : i32
    %scan3A_336 = arith.constant 0 : i32
    %scan3A_337 = arith.constant 320 : i32
    %scan3A_338 = arith.addi %scan3A_336, %scan3A_337 : i32
    %scan3A_339 = arith.constant 1 : i32
    %scan3A_340 = scf.for %scan3A_1048 = %scan3A_336 to %scan3A_338 step %scan3A_339 iter_args(%scan3A_1049 = %scan3A_335) -> (i32)  : i32 {
      %jit3A = arith.constant 20 : i32
      %eq3A = arith.constant 0 : i32
      %eq3A_1050 = arith.cmpi eq, %jit3A, %eq3A : i32
      %jit3A_1051 = arith.constant 1 : i32
      %select_n3A = arith.select %eq3A_1050, %jit3A_1051, %jit3A : i32
      %rem3A = arith.remsi %scan3A_1048, %select_n3A : i32
      %ne3A = arith.constant 0 : i32
      %ne3A_1052 = arith.cmpi ne, %rem3A, %ne3A : i32
      %lt3A = arith.constant 0 : i32
      %lt3A_1053 = arith.cmpi slt, %rem3A, %lt3A : i32
      %lt3A_1054 = arith.constant 0 : i32
      %lt3A_1055 = arith.cmpi slt, %select_n3A, %lt3A_1054 : i32
      %ne3A_1056 = arith.xori %lt3A_1053, %lt3A_1055 : i1
      %and3A = arith.andi %ne3A_1056, %ne3A_1052 : i1
      %add3A_1057 = arith.addi %rem3A, %select_n3A : i32
      %select_n3A_1058 = arith.select %and3A, %add3A_1057, %rem3A : i32
      %mul3A_1059 = arith.constant 16 : i32
      %mul3A_1060 = arith.muli %select_n3A_1058, %mul3A_1059 : i32
      %add3A_1061 = arith.addi %add3A_5, %mul3A_1060 : i32
      %jit3A_1062 = arith.constant 20 : i32
      %div3A = arith.divsi %scan3A_1048, %jit3A_1062 : i32
      %sign3A = arith.constant 0 : i32
      %sign3A_1063 = arith.cmpi sgt, %scan3A_1048, %sign3A : i32
      %sign3A_1064 = arith.extui %sign3A_1063 : i1 to i32
      %sign3A_1065 = arith.constant 0 : i32
      %sign3A_1066 = arith.cmpi slt, %scan3A_1048, %sign3A_1065 : i32
      %sign3A_1067 = arith.extui %sign3A_1066 : i1 to i32
      %sign3A_1068 = arith.subi %sign3A_1064, %sign3A_1067 : i32
      %sign3A_1069 = arith.constant 0 : i32
      %sign3A_1070 = arith.cmpi sgt, %jit3A_1062, %sign3A_1069 : i32
      %sign3A_1071 = arith.extui %sign3A_1070 : i1 to i32
      %sign3A_1072 = arith.constant 0 : i32
      %sign3A_1073 = arith.cmpi slt, %jit3A_1062, %sign3A_1072 : i32
      %sign3A_1074 = arith.extui %sign3A_1073 : i1 to i32
      %sign3A_1075 = arith.subi %sign3A_1071, %sign3A_1074 : i32
      %ne3A_1076 = arith.cmpi ne, %sign3A_1068, %sign3A_1075 : i32
      %rem3A_1077 = arith.remsi %scan3A_1048, %jit3A_1062 : i32
      %ne3A_1078 = arith.constant 0 : i32
      %ne3A_1079 = arith.cmpi ne, %rem3A_1077, %ne3A_1078 : i32
      %and3A_1080 = arith.andi %ne3A_1076, %ne3A_1079 : i1
      %sub3A = arith.constant 1 : i32
      %sub3A_1081 = arith.subi %div3A, %sub3A : i32
      %select_n3A_1082 = arith.select %and3A_1080, %sub3A_1081, %div3A : i32
      %mul3A_1083 = arith.constant 320 : i32
      %mul3A_1084 = arith.muli %select_n3A_1082, %mul3A_1083 : i32
      %jit3A_1085 = arith.constant 20 : i32
      %eq3A_1086 = arith.constant 0 : i32
      %eq3A_1087 = arith.cmpi eq, %jit3A_1085, %eq3A_1086 : i32
      %jit3A_1088 = arith.constant 1 : i32
      %select_n3A_1089 = arith.select %eq3A_1087, %jit3A_1088, %jit3A_1085 : i32
      %rem3A_1090 = arith.remsi %scan3A_1048, %select_n3A_1089 : i32
      %ne3A_1091 = arith.constant 0 : i32
      %ne3A_1092 = arith.cmpi ne, %rem3A_1090, %ne3A_1091 : i32
      %lt3A_1093 = arith.constant 0 : i32
      %lt3A_1094 = arith.cmpi slt, %rem3A_1090, %lt3A_1093 : i32
      %lt3A_1095 = arith.constant 0 : i32
      %lt3A_1096 = arith.cmpi slt, %select_n3A_1089, %lt3A_1095 : i32
      %ne3A_1097 = arith.xori %lt3A_1094, %lt3A_1096 : i1
      %and3A_1098 = arith.andi %ne3A_1097, %ne3A_1092 : i1
      %add3A_1099 = arith.addi %rem3A_1090, %select_n3A_1089 : i32
      %select_n3A_1100 = arith.select %and3A_1098, %add3A_1099, %rem3A_1090 : i32
      %mul3A_1101 = arith.constant 16 : i32
      %mul3A_1102 = arith.muli %select_n3A_1100, %mul3A_1101 : i32
      %add3A_1103 = arith.addi %mul3A_1084, %mul3A_1102 : i32
      %get3A = arith.index_cast %add3A_1061 : i32 to index
      %get3A_1104 = tpu.vector_load %arg14[%get3A] {strides = array<i32>} : memref<10256xf32, #tpu.memory_space<vmem>>, vector<16xf32>,
      %get3A_1105 = arith.index_cast %add3A_1103 : i32 to index
      %get3A_1106 = tpu.vector_load %arg17[%get3A_1105] {strides = array<i32>} : memref<5120xf32, #tpu.memory_space<vmem>>, vector<16xf32>,
      %max3A = arith.maximumf %get3A_1104, %get3A_1106 : vector<16xf32>
      %swap3A = arith.index_cast %add3A_1061 : i32 to index
      %swap3A_1107 = tpu.vector_load %arg14[%swap3A] {strides = array<i32>} : memref<10256xf32, #tpu.memory_space<vmem>>, vector<16xf32>,
      tpu.vector_store %arg14[%swap3A], %max3A {strides = array<i32>} : memref<10256xf32, #tpu.memory_space<vmem>>, vector<16xf32>,
      %scan3A_1108 = arith.constant 0 : i32
      scf.yield %scan3A_1108 : i32
    }
    %scan3A_341 = arith.constant 320 : i32
    %scan3A_342 = arith.constant 0 : i32
    %scan3A_343 = arith.constant 0 : i32
    %scan3A_344 = arith.constant 20 : i32
    %scan3A_345 = arith.addi %scan3A_343, %scan3A_344 : i32
    %scan3A_346 = arith.constant 1 : i32
    %scan3A_347 = scf.for %scan3A_1048 = %scan3A_343 to %scan3A_345 step %scan3A_346 iter_args(%scan3A_1049 = %scan3A_342) -> (i32)  : i32 {
      %mul3A_1050 = arith.constant 16 : i32
      %mul3A_1051 = arith.muli %scan3A_1048, %mul3A_1050 : i32
      %mul3A_1052 = arith.constant 16 : i32
      %mul3A_1053 = arith.muli %scan3A_1048, %mul3A_1052 : i32
      %add3A_1054 = arith.addi %add3A_5, %mul3A_1053 : i32
      %get3A = arith.index_cast %add3A_1054 : i32 to index
      %get3A_1055 = tpu.vector_load %arg14[%get3A] {strides = array<i32>} : memref<10256xf32, #tpu.memory_space<vmem>>, vector<16xf32>,
      %swap3A = arith.index_cast %mul3A_1051 : i32 to index
      %swap3A_1056 = tpu.vector_load %arg17[%swap3A] {strides = array<i32>} : memref<5120xf32, #tpu.memory_space<vmem>>, vector<16xf32>,
      tpu.vector_store %arg17[%swap3A], %get3A_1055 {strides = array<i32>} : memref<5120xf32, #tpu.memory_space<vmem>>, vector<16xf32>,
      %scan3A_1057 = arith.constant 0 : i32
      scf.yield %scan3A_1057 : i32
    }
    %scan3A_348 = arith.constant 20 : i32
    "tpu.region"() ({
      %run_scoped3A = tpu.sem_alloc : memref<!tpu.dma_semaphore, #tpu.memory_space<semaphore_mem>>
      %dma_start3A_1048 = arith.constant 0 : i32
      %dma_start3A_1049 = tpu.memref_slice %arg17[%dma_start3A_1048] : memref<5120xf32, #tpu.memory_space<vmem>> -> memref<320xf32, #tpu.memory_space<vmem>>
      %dma_start3A_1050 = tpu.memref_slice %arg10[%add3A_5] : memref<10240xf32, #tpu.memory_space<hbm>> -> memref<320xf32, #tpu.memory_space<hbm>>
      %dma_start3A_1051 = tpu.memref_slice %arg10[%add3A_5] : memref<10240xf32, #tpu.memory_space<hbm>> -> memref<320xf32, #tpu.memory_space<hbm>>
      %dma_start3A_1052 = arith.constant 0 : i32
      %dma_start3A_1053 = tpu.memref_slice %arg17[%dma_start3A_1052] : memref<5120xf32, #tpu.memory_space<vmem>> -> memref<320xf32, #tpu.memory_space<vmem>>
      tpu.enqueue_dma source(%dma_start3A_1053 : memref<320xf32, #tpu.memory_space<vmem>>) target(%dma_start3A_1051 : memref<320xf32, #tpu.memory_space<hbm>>) target_semaphore(%run_scoped3A : memref<!tpu.dma_semaphore, #tpu.memory_space<semaphore_mem>>)
      %dma_wait3A_1054 = arith.constant 0 : i32
      %dma_wait3A_1055 = tpu.memref_slice %arg17[%dma_wait3A_1054] : memref<5120xf32, #tpu.memory_space<vmem>> -> memref<320xf32, #tpu.memory_space<vmem>>
      %dma_wait3A_1056 = tpu.memref_slice %arg10[%add3A_5] : memref<10240xf32, #tpu.memory_space<hbm>> -> memref<320xf32, #tpu.memory_space<hbm>>
      %dma_wait3A_1057 = tpu.memref_slice %arg10[%add3A_5] : memref<10240xf32, #tpu.memory_space<hbm>> -> memref<320xf32, #tpu.memory_space<hbm>>
      %dma_wait3A_1058 = arith.constant 0 : i32
      %dma_wait3A_1059 = tpu.memref_slice %arg17[%dma_wait3A_1058] : memref<5120xf32, #tpu.memory_space<vmem>> -> memref<320xf32, #tpu.memory_space<vmem>>
      tpu.wait_dma2 semaphore(%run_scoped3A : memref<!tpu.dma_semaphore, #tpu.memory_space<semaphore_mem>>) src(%dma_wait3A_1059 : memref<320xf32, #tpu.memory_space<vmem>>) dst(%dma_wait3A_1057 : memref<320xf32, #tpu.memory_space<hbm>>)
      tpu.yield
    }) : () -> ()
    %barrier3A_349 = arith.constant 0 : index
    tpu.barrier barrier_id(%barrier3A_349)
    %mul3A_350 = arith.constant 5120 : i32
    %mul3A_351 = arith.muli %arg0, %mul3A_350 : i32
    %mul3A_352 = arith.constant 5120 : i32
    %mul3A_353 = arith.muli %arg0, %mul3A_352 : i32
    "tpu.region"() ({
      %run_scoped3A = tpu.sem_alloc : memref<!tpu.dma_semaphore, #tpu.memory_space<semaphore_mem>>
      %dma_start3A_1048 = tpu.memref_slice %arg14[%mul3A_353] : memref<10256xf32, #tpu.memory_space<vmem>> -> memref<5120xf32, #tpu.memory_space<vmem>>
      %dma_start3A_1049 = tpu.memref_slice %arg10[%mul3A_351] : memref<10240xf32, #tpu.memory_space<hbm>> -> memref<5120xf32, #tpu.memory_space<hbm>>
      %dma_start3A_1050 = tpu.memref_slice %arg14[%mul3A_353] : memref<10256xf32, #tpu.memory_space<vmem>> -> memref<5120xf32, #tpu.memory_space<vmem>>
      %dma_start3A_1051 = tpu.memref_slice %arg10[%mul3A_351] : memref<10240xf32, #tpu.memory_space<hbm>> -> memref<5120xf32, #tpu.memory_space<hbm>>
      tpu.enqueue_dma source(%dma_start3A_1051 : memref<5120xf32, #tpu.memory_space<hbm>>) target(%dma_start3A_1050 : memref<5120xf32, #tpu.memory_space<vmem>>) target_semaphore(%run_scoped3A : memref<!tpu.dma_semaphore, #tpu.memory_space<semaphore_mem>>)
      %dma_wait3A_1052 = tpu.memref_slice %arg14[%mul3A_353] : memref<10256xf32, #tpu.memory_space<vmem>> -> memref<5120xf32, #tpu.memory_space<vmem>>
      %dma_wait3A_1053 = tpu.memref_slice %arg10[%mul3A_351] : memref<10240xf32, #tpu.memory_space<hbm>> -> memref<5120xf32, #tpu.memory_space<hbm>>
      %dma_wait3A_1054 = tpu.memref_slice %arg14[%mul3A_353] : memref<10256xf32, #tpu.memory_space<vmem>> -> memref<5120xf32, #tpu.memory_space<vmem>>
      %dma_wait3A_1055 = tpu.memref_slice %arg10[%mul3A_351] : memref<10240xf32, #tpu.memory_space<hbm>> -> memref<5120xf32, #tpu.memory_space<hbm>>
      tpu.wait_dma2 semaphore(%run_scoped3A : memref<!tpu.dma_semaphore, #tpu.memory_space<semaphore_mem>>) src(%dma_wait3A_1055 : memref<5120xf32, #tpu.memory_space<hbm>>) dst(%dma_wait3A_1054 : memref<5120xf32, #tpu.memory_space<vmem>>)
      tpu.yield
    }) : () -> ()
    %scan3A_354 = arith.constant 0 : i32
    %scan3A_355 = arith.constant 0 : i32
    %scan3A_356 = arith.constant 25 : i32
    %scan3A_357 = arith.addi %scan3A_355, %scan3A_356 : i32
    %scan3A_358 = arith.constant 1 : i32
    %scan3A_359 = scf.for %scan3A_1048 = %scan3A_355 to %scan3A_357 step %scan3A_358 iter_args(%scan3A_1049 = %scan3A_354) -> (i32)  : i32 {
      %parallel_loop3A = arith.constant 0 : i32
      %parallel_loop3A_1050 = arith.constant 50 : i32
      %parallel_loop3A_1051 = arith.constant 1 : i32
      scf.for %parallel_loop3A_1060 = %parallel_loop3A to %parallel_loop3A_1050 step %parallel_loop3A_1051  : i32 {
        %parallel_loop3A_1061 = arith.constant 50 : i32
        %parallel_loop3A_1062 = arith.muli %scan3A_1048, %parallel_loop3A_1061 : i32
        %parallel_loop3A_1063 = arith.addi %parallel_loop3A_1062, %parallel_loop3A_1060 : i32
        %parallel_loop3A_1064 = arith.constant 16 : i32
        %parallel_loop3A_1065 = arith.muli %parallel_loop3A_1064, %parallel_loop3A_1060 : i32
        %parallel_loop3A_1066 = arith.constant 16 : i32
        %parallel_loop3A_1067 = arith.muli %parallel_loop3A_1063, %parallel_loop3A_1066 : i32
        %parallel_loop3A_1068 = arith.index_cast %parallel_loop3A_1067 : i32 to index
        %parallel_loop3A_1069 = tpu.vector_load %arg11[%parallel_loop3A_1068] {strides = array<i32>} : memref<20000xi32, #tpu.memory_space<vmem>>, vector<16xi32>,
        %parallel_loop3A_1070 = arith.index_cast %parallel_loop3A_1067 : i32 to index
        %parallel_loop3A_1071 = tpu.vector_load %arg12[%parallel_loop3A_1070] {strides = array<i32>} : memref<20000xi32, #tpu.memory_space<vmem>>, vector<16xi32>,
        %parallel_loop3A_1072 = tpu.vector_load_idx %arg13[%parallel_loop3A_1069] : memref<10240xf32, #tpu.memory_space<vmem>>[vector<16xi32>], vector<16xf32>,
        %parallel_loop3A_1073 = tpu.vector_load_idx %arg14[%parallel_loop3A_1071] : memref<10256xf32, #tpu.memory_space<vmem>>[vector<16xi32>], vector<16xf32>,
        %parallel_loop3A_1074 = arith.constant 20000 : i32
        %parallel_loop3A_1075 = arith.muli %arg1, %parallel_loop3A_1074 : i32
        %parallel_loop3A_1076 = arith.constant 16 : i32
        %parallel_loop3A_1077 = arith.muli %parallel_loop3A_1063, %parallel_loop3A_1076 : i32
        %parallel_loop3A_1078 = arith.addi %parallel_loop3A_1075, %parallel_loop3A_1077 : i32
        %parallel_loop3A_1079 = vector.broadcast %parallel_loop3A_1078 : i32 to vector<16xi32>
        %parallel_loop3A_1080 = arith.addi %parallel_loop3A_1079, %iota3A : vector<16xi32>
        %parallel_loop3A_1081 = arith.cmpf oeq, %parallel_loop3A_1072, %parallel_loop3A_1073 : vector<16xf32>
        %parallel_loop3A_1082 = arith.constant 320000 : i32
        %parallel_loop3A_1083 = vector.broadcast %parallel_loop3A_1082 : i32 to vector<16xi32>
        %parallel_loop3A_1084 = arith.select %parallel_loop3A_1081, %parallel_loop3A_1080, %parallel_loop3A_1083 : vector<16xi1>, vector<16xi32>
        %parallel_loop3A_1085 = arith.constant 14 : i32
        %parallel_loop3A_1086 = vector.broadcast %parallel_loop3A_1085 : i32 to vector<16xi32>
        %parallel_loop3A_1087 = arith.shli %parallel_loop3A_1069, %parallel_loop3A_1086 : vector<16xi32>
        %parallel_loop3A_1088 = arith.ori %parallel_loop3A_1071, %parallel_loop3A_1087 : vector<16xi32>
        %parallel_loop3A_1089 = arith.constant dense<true> : vector<16xi1>
        %parallel_loop3A_1090 = arith.constant -2147483648 : i32
        %parallel_loop3A_1091 = vector.broadcast %parallel_loop3A_1090 : i32 to vector<16xi32>
        %parallel_loop3A_1092 = arith.xori %parallel_loop3A_1084, %parallel_loop3A_1091 : vector<16xi32>
        %parallel_loop3A_1093, %parallel_loop3A_1094, %parallel_loop3A_1095 = tpu.sort %parallel_loop3A_1092, %parallel_loop3A_1088 masked %parallel_loop3A_1089 {descending = true} : (vector<16xi32>, vector<16xi32>, vector<16xi1>) -> (vector<16xi1>, vector<16xi32>, vector<16xi32>)
        %parallel_loop3A_1096 = arith.xori %parallel_loop3A_1094, %parallel_loop3A_1091 : vector<16xi32>
        %parallel_loop3A_1097 = arith.constant 16383 : i32
        %parallel_loop3A_1098 = vector.broadcast %parallel_loop3A_1097 : i32 to vector<16xi32>
        %parallel_loop3A_1099 = arith.andi %parallel_loop3A_1095, %parallel_loop3A_1098 : vector<16xi32>
        %parallel_loop3A_1100 = arith.constant true
        %parallel_loop3A_1101 = vector.broadcast %parallel_loop3A_1100 : i1 to vector<16xi1>
        %parallel_loop3A_1102, %parallel_loop3A_1103 = tpu.scan_count mask(%parallel_loop3A_1101 : vector<16xi1>) value(%parallel_loop3A_1099 : vector<16xi32>) : vector<16xi1>, vector<16xi32>
        %parallel_loop3A_1104 = arith.constant 320000 : i32
        %parallel_loop3A_1105 = vector.broadcast %parallel_loop3A_1104 : i32 to vector<16xi32>
        %parallel_loop3A_1106 = arith.select %parallel_loop3A_1102, %parallel_loop3A_1096, %parallel_loop3A_1105 : vector<16xi1>, vector<16xi32>
        %parallel_loop3A_1107 = arith.index_cast %parallel_loop3A_1065 : i32 to index
        %parallel_loop3A_1108 = tpu.vector_load %arg23[%parallel_loop3A_1107] {strides = array<i32>} : memref<800xi32, #tpu.memory_space<vmem>>, vector<16xi32>,
        tpu.vector_store %arg23[%parallel_loop3A_1107], %parallel_loop3A_1106 {strides = array<i32>} : memref<800xi32, #tpu.memory_space<vmem>>, vector<16xi32>,
        %parallel_loop3A_1109 = arith.index_cast %parallel_loop3A_1065 : i32 to index
        %parallel_loop3A_1110 = tpu.vector_load %arg25[%parallel_loop3A_1109] {strides = array<i32>} : memref<800xi32, #tpu.memory_space<vmem>>, vector<16xi32>,
        tpu.vector_store %arg25[%parallel_loop3A_1109], %parallel_loop3A_1095 {strides = array<i32>} : memref<800xi32, #tpu.memory_space<vmem>>, vector<16xi32>,
      } {sc.loop_unroll_factor = 4 : i64, sc.parallel_access}
      %scan3A_1052 = arith.constant 0 : i32
      %scan3A_1053 = arith.constant 0 : i32
      %scan3A_1054 = arith.constant 50 : i32
      %scan3A_1055 = arith.addi %scan3A_1053, %scan3A_1054 : i32
      %scan3A_1056 = arith.constant 1 : i32
      %scan3A_1057 = scf.for %scan3A_1060 = %scan3A_1053 to %scan3A_1055 step %scan3A_1056 iter_args(%scan3A_1061 = %scan3A_1052) -> (i32)  : i32 {
        %mul3A_1062 = arith.constant 16 : i32
        %mul3A_1063 = arith.muli %mul3A_1062, %scan3A_1060 : i32
        %get3A = arith.index_cast %mul3A_1063 : i32 to index
        %get3A_1064 = tpu.vector_load %arg23[%get3A] {strides = array<i32>} : memref<800xi32, #tpu.memory_space<vmem>>, vector<16xi32>,
        %get3A_1065 = arith.index_cast %mul3A_1063 : i32 to index
        %get3A_1066 = tpu.vector_load %arg25[%get3A_1065] {strides = array<i32>} : memref<800xi32, #tpu.memory_space<vmem>>, vector<16xi32>,
        %and3A = arith.constant 16383 : i32
        %and3A_1067 = vector.broadcast %and3A : i32 to vector<16xi32>
        %and3A_1068 = arith.andi %get3A_1066, %and3A_1067 : vector<16xi32>
        %shift_right_arithmetic3A = arith.constant 14 : i32
        %shift_right_arithmetic3A_1069 = vector.broadcast %shift_right_arithmetic3A : i32 to vector<16xi32>
        %shift_right_arithmetic3A_1070 = arith.shrsi %get3A_1066, %shift_right_arithmetic3A_1069 : vector<16xi32>
        %gather3A = tpu.vector_load_idx %arg15[%and3A_1068] : memref<10256xi32, #tpu.memory_space<vmem>>[vector<16xi32>], vector<16xi32>,
        %lt3A = arith.cmpi slt, %get3A_1064, %gather3A : vector<16xi32>
        tpu.vector_store_idx %arg15[%and3A_1068], %get3A_1064 masked %lt3A : memref<10256xi32, #tpu.memory_space<vmem>>[vector<16xi32>], vector<16xi32>, vector<16xi1>
        tpu.vector_store_idx %arg16[%and3A_1068], %shift_right_arithmetic3A_1070 masked %lt3A : memref<10240xi32, #tpu.memory_space<vmem>>[vector<16xi32>], vector<16xi32>, vector<16xi1>
        %scan3A_1071 = arith.constant 0 : i32
        scf.yield %scan3A_1071 : i32
      }
      %scan3A_1058 = arith.constant 50 : i32
      %scan3A_1059 = arith.constant 0 : i32
      scf.yield %scan3A_1059 : i32
    }
    %scan3A_360 = arith.constant 25 : i32
    %mul3A_361 = arith.constant 10240 : i32
    %mul3A_362 = arith.muli %add3A, %mul3A_361 : i32
    "tpu.region"() ({
      %run_scoped3A = tpu.sem_alloc : memref<!tpu.dma_semaphore, #tpu.memory_space<semaphore_mem>>
      %dma_start3A_1048 = arith.constant 0 : i32
      %dma_start3A_1049 = tpu.memref_slice %arg15[%dma_start3A_1048] : memref<10256xi32, #tpu.memory_space<vmem>> -> memref<10240xi32, #tpu.memory_space<vmem>>
      %dma_start3A_1050 = tpu.memref_slice %arg8[%mul3A_362] : memref<327680xi32, #tpu.memory_space<hbm>> -> memref<10240xi32, #tpu.memory_space<hbm>>
      %dma_start3A_1051 = tpu.memref_slice %arg8[%mul3A_362] : memref<327680xi32, #tpu.memory_space<hbm>> -> memref<10240xi32, #tpu.memory_space<hbm>>
      %dma_start3A_1052 = arith.constant 0 : i32
      %dma_start3A_1053 = tpu.memref_slice %arg15[%dma_start3A_1052] : memref<10256xi32, #tpu.memory_space<vmem>> -> memref<10240xi32, #tpu.memory_space<vmem>>
      tpu.enqueue_dma source(%dma_start3A_1053 : memref<10240xi32, #tpu.memory_space<vmem>>) target(%dma_start3A_1051 : memref<10240xi32, #tpu.memory_space<hbm>>) target_semaphore(%run_scoped3A : memref<!tpu.dma_semaphore, #tpu.memory_space<semaphore_mem>>)
      %dma_wait3A_1054 = arith.constant 0 : i32
      %dma_wait3A_1055 = tpu.memref_slice %arg15[%dma_wait3A_1054] : memref<10256xi32, #tpu.memory_space<vmem>> -> memref<10240xi32, #tpu.memory_space<vmem>>
      %dma_wait3A_1056 = tpu.memref_slice %arg8[%mul3A_362] : memref<327680xi32, #tpu.memory_space<hbm>> -> memref<10240xi32, #tpu.memory_space<hbm>>
      %dma_wait3A_1057 = tpu.memref_slice %arg8[%mul3A_362] : memref<327680xi32, #tpu.memory_space<hbm>> -> memref<10240xi32, #tpu.memory_space<hbm>>
      %dma_wait3A_1058 = arith.constant 0 : i32
      %dma_wait3A_1059 = tpu.memref_slice %arg15[%dma_wait3A_1058] : memref<10256xi32, #tpu.memory_space<vmem>> -> memref<10240xi32, #tpu.memory_space<vmem>>
      tpu.wait_dma2 semaphore(%run_scoped3A : memref<!tpu.dma_semaphore, #tpu.memory_space<semaphore_mem>>) src(%dma_wait3A_1059 : memref<10240xi32, #tpu.memory_space<vmem>>) dst(%dma_wait3A_1057 : memref<10240xi32, #tpu.memory_space<hbm>>)
      tpu.yield
    }) : () -> ()
    %mul3A_363 = arith.constant 10240 : i32
    %mul3A_364 = arith.muli %add3A, %mul3A_363 : i32
    "tpu.region"() ({
      %run_scoped3A = tpu.sem_alloc : memref<!tpu.dma_semaphore, #tpu.memory_space<semaphore_mem>>
      %dma_start3A_1048 = tpu.memref_slice %arg9[%mul3A_364] : memref<327680xi32, #tpu.memory_space<hbm>> -> memref<10240xi32, #tpu.memory_space<hbm>>
      %dma_start3A_1049 = tpu.memref_slice %arg9[%mul3A_364] : memref<327680xi32, #tpu.memory_space<hbm>> -> memref<10240xi32, #tpu.memory_space<hbm>>
      tpu.enqueue_dma source(%arg16 : memref<10240xi32, #tpu.memory_space<vmem>>) target(%dma_start3A_1049 : memref<10240xi32, #tpu.memory_space<hbm>>) target_semaphore(%run_scoped3A : memref<!tpu.dma_semaphore, #tpu.memory_space<semaphore_mem>>)
      %dma_wait3A_1050 = tpu.memref_slice %arg9[%mul3A_364] : memref<327680xi32, #tpu.memory_space<hbm>> -> memref<10240xi32, #tpu.memory_space<hbm>>
      %dma_wait3A_1051 = tpu.memref_slice %arg9[%mul3A_364] : memref<327680xi32, #tpu.memory_space<hbm>> -> memref<10240xi32, #tpu.memory_space<hbm>>
      tpu.wait_dma2 semaphore(%run_scoped3A : memref<!tpu.dma_semaphore, #tpu.memory_space<semaphore_mem>>) src(%arg16 : memref<10240xi32, #tpu.memory_space<vmem>>) dst(%dma_wait3A_1051 : memref<10240xi32, #tpu.memory_space<hbm>>)
      tpu.yield
    }) : () -> ()
    %barrier3A_365 = arith.constant 0 : index
    tpu.barrier barrier_id(%barrier3A_365)
    %mul3A_366 = arith.constant 16 : i32
    %mul3A_367 = arith.muli %arg0, %mul3A_366 : i32
    %add3A_368 = arith.constant 0 : i32
    %add3A_369 = arith.addi %mul3A_367, %add3A_368 : i32
    %mul3A_370 = arith.constant 10240 : i32
    %mul3A_371 = arith.muli %add3A_369, %mul3A_370 : i32
    %add3A_372 = arith.addi %mul3A_371, %add3A_5 : i32
    %dma_start3A_373 = arith.constant 0 : i32
    %dma_start3A_374 = tpu.memref_slice %arg18[%dma_start3A_373] : memref<5120xi32, #tpu.memory_space<vmem>> -> memref<320xi32, #tpu.memory_space<vmem>>
    %dma_start3A_375 = tpu.memref_slice %arg8[%add3A_372] : memref<327680xi32, #tpu.memory_space<hbm>> -> memref<320xi32, #tpu.memory_space<hbm>>
    %dma_start3A_376 = arith.constant 0 : i32
    %dma_start3A_377 = tpu.memref_slice %arg18[%dma_start3A_376] : memref<5120xi32, #tpu.memory_space<vmem>> -> memref<320xi32, #tpu.memory_space<vmem>>
    %dma_start3A_378 = tpu.memref_slice %arg8[%add3A_372] : memref<327680xi32, #tpu.memory_space<hbm>> -> memref<320xi32, #tpu.memory_space<hbm>>
    tpu.enqueue_dma source(%dma_start3A_378 : memref<320xi32, #tpu.memory_space<hbm>>) target(%dma_start3A_377 : memref<320xi32, #tpu.memory_space<vmem>>) target_semaphore(%arg26 : memref<!tpu.dma_semaphore, #tpu.memory_space<semaphore_mem>>)
    %mul3A_379 = arith.constant 16 : i32
    %mul3A_380 = arith.muli %arg0, %mul3A_379 : i32
    %add3A_381 = arith.constant 0 : i32
    %add3A_382 = arith.addi %mul3A_380, %add3A_381 : i32
    %mul3A_383 = arith.constant 10240 : i32
    %mul3A_384 = arith.muli %add3A_382, %mul3A_383 : i32
    %add3A_385 = arith.addi %mul3A_384, %add3A_5 : i32
    %dma_start3A_386 = arith.constant 0 : i32
    %dma_start3A_387 = tpu.memref_slice %arg19[%dma_start3A_386] : memref<5120xi32, #tpu.memory_space<vmem>> -> memref<320xi32, #tpu.memory_space<vmem>>
    %dma_start3A_388 = tpu.memref_slice %arg9[%add3A_385] : memref<327680xi32, #tpu.memory_space<hbm>> -> memref<320xi32, #tpu.memory_space<hbm>>
    %dma_start3A_389 = arith.constant 0 : i32
    %dma_start3A_390 = tpu.memref_slice %arg19[%dma_start3A_389] : memref<5120xi32, #tpu.memory_space<vmem>> -> memref<320xi32, #tpu.memory_space<vmem>>
    %dma_start3A_391 = tpu.memref_slice %arg9[%add3A_385] : memref<327680xi32, #tpu.memory_space<hbm>> -> memref<320xi32, #tpu.memory_space<hbm>>
    tpu.enqueue_dma source(%dma_start3A_391 : memref<320xi32, #tpu.memory_space<hbm>>) target(%dma_start3A_390 : memref<320xi32, #tpu.memory_space<vmem>>) target_semaphore(%arg26 : memref<!tpu.dma_semaphore, #tpu.memory_space<semaphore_mem>>)
    %mul3A_392 = arith.constant 16 : i32
    %mul3A_393 = arith.muli %arg0, %mul3A_392 : i32
    %add3A_394 = arith.constant 1 : i32
    %add3A_395 = arith.addi %mul3A_393, %add3A_394 : i32
    %mul3A_396 = arith.constant 10240 : i32
    %mul3A_397 = arith.muli %add3A_395, %mul3A_396 : i32
    %add3A_398 = arith.addi %mul3A_397, %add3A_5 : i32
    %dma_start3A_399 = arith.constant 320 : i32
    %dma_start3A_400 = tpu.memref_slice %arg18[%dma_start3A_399] : memref<5120xi32, #tpu.memory_space<vmem>> -> memref<320xi32, #tpu.memory_space<vmem>>
    %dma_start3A_401 = tpu.memref_slice %arg8[%add3A_398] : memref<327680xi32, #tpu.memory_space<hbm>> -> memref<320xi32, #tpu.memory_space<hbm>>
    %dma_start3A_402 = arith.constant 320 : i32
    %dma_start3A_403 = tpu.memref_slice %arg18[%dma_start3A_402] : memref<5120xi32, #tpu.memory_space<vmem>> -> memref<320xi32, #tpu.memory_space<vmem>>
    %dma_start3A_404 = tpu.memref_slice %arg8[%add3A_398] : memref<327680xi32, #tpu.memory_space<hbm>> -> memref<320xi32, #tpu.memory_space<hbm>>
    tpu.enqueue_dma source(%dma_start3A_404 : memref<320xi32, #tpu.memory_space<hbm>>) target(%dma_start3A_403 : memref<320xi32, #tpu.memory_space<vmem>>) target_semaphore(%arg26 : memref<!tpu.dma_semaphore, #tpu.memory_space<semaphore_mem>>)
    %mul3A_405 = arith.constant 16 : i32
    %mul3A_406 = arith.muli %arg0, %mul3A_405 : i32
    %add3A_407 = arith.constant 1 : i32
    %add3A_408 = arith.addi %mul3A_406, %add3A_407 : i32
    %mul3A_409 = arith.constant 10240 : i32
    %mul3A_410 = arith.muli %add3A_408, %mul3A_409 : i32
    %add3A_411 = arith.addi %mul3A_410, %add3A_5 : i32
    %dma_start3A_412 = arith.constant 320 : i32
    %dma_start3A_413 = tpu.memref_slice %arg19[%dma_start3A_412] : memref<5120xi32, #tpu.memory_space<vmem>> -> memref<320xi32, #tpu.memory_space<vmem>>
    %dma_start3A_414 = tpu.memref_slice %arg9[%add3A_411] : memref<327680xi32, #tpu.memory_space<hbm>> -> memref<320xi32, #tpu.memory_space<hbm>>
    %dma_start3A_415 = arith.constant 320 : i32
    %dma_start3A_416 = tpu.memref_slice %arg19[%dma_start3A_415] : memref<5120xi32, #tpu.memory_space<vmem>> -> memref<320xi32, #tpu.memory_space<vmem>>
    %dma_start3A_417 = tpu.memref_slice %arg9[%add3A_411] : memref<327680xi32, #tpu.memory_space<hbm>> -> memref<320xi32, #tpu.memory_space<hbm>>
    tpu.enqueue_dma source(%dma_start3A_417 : memref<320xi32, #tpu.memory_space<hbm>>) target(%dma_start3A_416 : memref<320xi32, #tpu.memory_space<vmem>>) target_semaphore(%arg26 : memref<!tpu.dma_semaphore, #tpu.memory_space<semaphore_mem>>)
    %mul3A_418 = arith.constant 16 : i32
    %mul3A_419 = arith.muli %arg0, %mul3A_418 : i32
    %add3A_420 = arith.constant 2 : i32
    %add3A_421 = arith.addi %mul3A_419, %add3A_420 : i32
    %mul3A_422 = arith.constant 10240 : i32
    %mul3A_423 = arith.muli %add3A_421, %mul3A_422 : i32
    %add3A_424 = arith.addi %mul3A_423, %add3A_5 : i32
    %dma_start3A_425 = arith.constant 640 : i32
    %dma_start3A_426 = tpu.memref_slice %arg18[%dma_start3A_425] : memref<5120xi32, #tpu.memory_space<vmem>> -> memref<320xi32, #tpu.memory_space<vmem>>
    %dma_start3A_427 = tpu.memref_slice %arg8[%add3A_424] : memref<327680xi32, #tpu.memory_space<hbm>> -> memref<320xi32, #tpu.memory_space<hbm>>
    %dma_start3A_428 = arith.constant 640 : i32
    %dma_start3A_429 = tpu.memref_slice %arg18[%dma_start3A_428] : memref<5120xi32, #tpu.memory_space<vmem>> -> memref<320xi32, #tpu.memory_space<vmem>>
    %dma_start3A_430 = tpu.memref_slice %arg8[%add3A_424] : memref<327680xi32, #tpu.memory_space<hbm>> -> memref<320xi32, #tpu.memory_space<hbm>>
    tpu.enqueue_dma source(%dma_start3A_430 : memref<320xi32, #tpu.memory_space<hbm>>) target(%dma_start3A_429 : memref<320xi32, #tpu.memory_space<vmem>>) target_semaphore(%arg26 : memref<!tpu.dma_semaphore, #tpu.memory_space<semaphore_mem>>)
    %mul3A_431 = arith.constant 16 : i32
    %mul3A_432 = arith.muli %arg0, %mul3A_431 : i32
    %add3A_433 = arith.constant 2 : i32
    %add3A_434 = arith.addi %mul3A_432, %add3A_433 : i32
    %mul3A_435 = arith.constant 10240 : i32
    %mul3A_436 = arith.muli %add3A_434, %mul3A_435 : i32
    %add3A_437 = arith.addi %mul3A_436, %add3A_5 : i32
    %dma_start3A_438 = arith.constant 640 : i32
    %dma_start3A_439 = tpu.memref_slice %arg19[%dma_start3A_438] : memref<5120xi32, #tpu.memory_space<vmem>> -> memref<320xi32, #tpu.memory_space<vmem>>
    %dma_start3A_440 = tpu.memref_slice %arg9[%add3A_437] : memref<327680xi32, #tpu.memory_space<hbm>> -> memref<320xi32, #tpu.memory_space<hbm>>
    %dma_start3A_441 = arith.constant 640 : i32
    %dma_start3A_442 = tpu.memref_slice %arg19[%dma_start3A_441] : memref<5120xi32, #tpu.memory_space<vmem>> -> memref<320xi32, #tpu.memory_space<vmem>>
    %dma_start3A_443 = tpu.memref_slice %arg9[%add3A_437] : memref<327680xi32, #tpu.memory_space<hbm>> -> memref<320xi32, #tpu.memory_space<hbm>>
    tpu.enqueue_dma source(%dma_start3A_443 : memref<320xi32, #tpu.memory_space<hbm>>) target(%dma_start3A_442 : memref<320xi32, #tpu.memory_space<vmem>>) target_semaphore(%arg26 : memref<!tpu.dma_semaphore, #tpu.memory_space<semaphore_mem>>)
    %mul3A_444 = arith.constant 16 : i32
    %mul3A_445 = arith.muli %arg0, %mul3A_444 : i32
    %add3A_446 = arith.constant 3 : i32
    %add3A_447 = arith.addi %mul3A_445, %add3A_446 : i32
    %mul3A_448 = arith.constant 10240 : i32
    %mul3A_449 = arith.muli %add3A_447, %mul3A_448 : i32
    %add3A_450 = arith.addi %mul3A_449, %add3A_5 : i32
    %dma_start3A_451 = arith.constant 960 : i32
    %dma_start3A_452 = tpu.memref_slice %arg18[%dma_start3A_451] : memref<5120xi32, #tpu.memory_space<vmem>> -> memref<320xi32, #tpu.memory_space<vmem>>
    %dma_start3A_453 = tpu.memref_slice %arg8[%add3A_450] : memref<327680xi32, #tpu.memory_space<hbm>> -> memref<320xi32, #tpu.memory_space<hbm>>
    %dma_start3A_454 = arith.constant 960 : i32
    %dma_start3A_455 = tpu.memref_slice %arg18[%dma_start3A_454] : memref<5120xi32, #tpu.memory_space<vmem>> -> memref<320xi32, #tpu.memory_space<vmem>>
    %dma_start3A_456 = tpu.memref_slice %arg8[%add3A_450] : memref<327680xi32, #tpu.memory_space<hbm>> -> memref<320xi32, #tpu.memory_space<hbm>>
    tpu.enqueue_dma source(%dma_start3A_456 : memref<320xi32, #tpu.memory_space<hbm>>) target(%dma_start3A_455 : memref<320xi32, #tpu.memory_space<vmem>>) target_semaphore(%arg26 : memref<!tpu.dma_semaphore, #tpu.memory_space<semaphore_mem>>)
    %mul3A_457 = arith.constant 16 : i32
    %mul3A_458 = arith.muli %arg0, %mul3A_457 : i32
    %add3A_459 = arith.constant 3 : i32
    %add3A_460 = arith.addi %mul3A_458, %add3A_459 : i32
    %mul3A_461 = arith.constant 10240 : i32
    %mul3A_462 = arith.muli %add3A_460, %mul3A_461 : i32
    %add3A_463 = arith.addi %mul3A_462, %add3A_5 : i32
    %dma_start3A_464 = arith.constant 960 : i32
    %dma_start3A_465 = tpu.memref_slice %arg19[%dma_start3A_464] : memref<5120xi32, #tpu.memory_space<vmem>> -> memref<320xi32, #tpu.memory_space<vmem>>
    %dma_start3A_466 = tpu.memref_slice %arg9[%add3A_463] : memref<327680xi32, #tpu.memory_space<hbm>> -> memref<320xi32, #tpu.memory_space<hbm>>
    %dma_start3A_467 = arith.constant 960 : i32
    %dma_start3A_468 = tpu.memref_slice %arg19[%dma_start3A_467] : memref<5120xi32, #tpu.memory_space<vmem>> -> memref<320xi32, #tpu.memory_space<vmem>>
    %dma_start3A_469 = tpu.memref_slice %arg9[%add3A_463] : memref<327680xi32, #tpu.memory_space<hbm>> -> memref<320xi32, #tpu.memory_space<hbm>>
    tpu.enqueue_dma source(%dma_start3A_469 : memref<320xi32, #tpu.memory_space<hbm>>) target(%dma_start3A_468 : memref<320xi32, #tpu.memory_space<vmem>>) target_semaphore(%arg26 : memref<!tpu.dma_semaphore, #tpu.memory_space<semaphore_mem>>)
    %mul3A_470 = arith.constant 16 : i32
    %mul3A_471 = arith.muli %arg0, %mul3A_470 : i32
    %add3A_472 = arith.constant 4 : i32
    %add3A_473 = arith.addi %mul3A_471, %add3A_472 : i32
    %mul3A_474 = arith.constant 10240 : i32
    %mul3A_475 = arith.muli %add3A_473, %mul3A_474 : i32
    %add3A_476 = arith.addi %mul3A_475, %add3A_5 : i32
    %dma_start3A_477 = arith.constant 1280 : i32
    %dma_start3A_478 = tpu.memref_slice %arg18[%dma_start3A_477] : memref<5120xi32, #tpu.memory_space<vmem>> -> memref<320xi32, #tpu.memory_space<vmem>>
    %dma_start3A_479 = tpu.memref_slice %arg8[%add3A_476] : memref<327680xi32, #tpu.memory_space<hbm>> -> memref<320xi32, #tpu.memory_space<hbm>>
    %dma_start3A_480 = arith.constant 1280 : i32
    %dma_start3A_481 = tpu.memref_slice %arg18[%dma_start3A_480] : memref<5120xi32, #tpu.memory_space<vmem>> -> memref<320xi32, #tpu.memory_space<vmem>>
    %dma_start3A_482 = tpu.memref_slice %arg8[%add3A_476] : memref<327680xi32, #tpu.memory_space<hbm>> -> memref<320xi32, #tpu.memory_space<hbm>>
    tpu.enqueue_dma source(%dma_start3A_482 : memref<320xi32, #tpu.memory_space<hbm>>) target(%dma_start3A_481 : memref<320xi32, #tpu.memory_space<vmem>>) target_semaphore(%arg26 : memref<!tpu.dma_semaphore, #tpu.memory_space<semaphore_mem>>)
    %mul3A_483 = arith.constant 16 : i32
    %mul3A_484 = arith.muli %arg0, %mul3A_483 : i32
    %add3A_485 = arith.constant 4 : i32
    %add3A_486 = arith.addi %mul3A_484, %add3A_485 : i32
    %mul3A_487 = arith.constant 10240 : i32
    %mul3A_488 = arith.muli %add3A_486, %mul3A_487 : i32
    %add3A_489 = arith.addi %mul3A_488, %add3A_5 : i32
    %dma_start3A_490 = arith.constant 1280 : i32
    %dma_start3A_491 = tpu.memref_slice %arg19[%dma_start3A_490] : memref<5120xi32, #tpu.memory_space<vmem>> -> memref<320xi32, #tpu.memory_space<vmem>>
    %dma_start3A_492 = tpu.memref_slice %arg9[%add3A_489] : memref<327680xi32, #tpu.memory_space<hbm>> -> memref<320xi32, #tpu.memory_space<hbm>>
    %dma_start3A_493 = arith.constant 1280 : i32
    %dma_start3A_494 = tpu.memref_slice %arg19[%dma_start3A_493] : memref<5120xi32, #tpu.memory_space<vmem>> -> memref<320xi32, #tpu.memory_space<vmem>>
    %dma_start3A_495 = tpu.memref_slice %arg9[%add3A_489] : memref<327680xi32, #tpu.memory_space<hbm>> -> memref<320xi32, #tpu.memory_space<hbm>>
    tpu.enqueue_dma source(%dma_start3A_495 : memref<320xi32, #tpu.memory_space<hbm>>) target(%dma_start3A_494 : memref<320xi32, #tpu.memory_space<vmem>>) target_semaphore(%arg26 : memref<!tpu.dma_semaphore, #tpu.memory_space<semaphore_mem>>)
    %mul3A_496 = arith.constant 16 : i32
    %mul3A_497 = arith.muli %arg0, %mul3A_496 : i32
    %add3A_498 = arith.constant 5 : i32
    %add3A_499 = arith.addi %mul3A_497, %add3A_498 : i32
    %mul3A_500 = arith.constant 10240 : i32
    %mul3A_501 = arith.muli %add3A_499, %mul3A_500 : i32
    %add3A_502 = arith.addi %mul3A_501, %add3A_5 : i32
    %dma_start3A_503 = arith.constant 1600 : i32
    %dma_start3A_504 = tpu.memref_slice %arg18[%dma_start3A_503] : memref<5120xi32, #tpu.memory_space<vmem>> -> memref<320xi32, #tpu.memory_space<vmem>>
    %dma_start3A_505 = tpu.memref_slice %arg8[%add3A_502] : memref<327680xi32, #tpu.memory_space<hbm>> -> memref<320xi32, #tpu.memory_space<hbm>>
    %dma_start3A_506 = arith.constant 1600 : i32
    %dma_start3A_507 = tpu.memref_slice %arg18[%dma_start3A_506] : memref<5120xi32, #tpu.memory_space<vmem>> -> memref<320xi32, #tpu.memory_space<vmem>>
    %dma_start3A_508 = tpu.memref_slice %arg8[%add3A_502] : memref<327680xi32, #tpu.memory_space<hbm>> -> memref<320xi32, #tpu.memory_space<hbm>>
    tpu.enqueue_dma source(%dma_start3A_508 : memref<320xi32, #tpu.memory_space<hbm>>) target(%dma_start3A_507 : memref<320xi32, #tpu.memory_space<vmem>>) target_semaphore(%arg26 : memref<!tpu.dma_semaphore, #tpu.memory_space<semaphore_mem>>)
    %mul3A_509 = arith.constant 16 : i32
    %mul3A_510 = arith.muli %arg0, %mul3A_509 : i32
    %add3A_511 = arith.constant 5 : i32
    %add3A_512 = arith.addi %mul3A_510, %add3A_511 : i32
    %mul3A_513 = arith.constant 10240 : i32
    %mul3A_514 = arith.muli %add3A_512, %mul3A_513 : i32
    %add3A_515 = arith.addi %mul3A_514, %add3A_5 : i32
    %dma_start3A_516 = arith.constant 1600 : i32
    %dma_start3A_517 = tpu.memref_slice %arg19[%dma_start3A_516] : memref<5120xi32, #tpu.memory_space<vmem>> -> memref<320xi32, #tpu.memory_space<vmem>>
    %dma_start3A_518 = tpu.memref_slice %arg9[%add3A_515] : memref<327680xi32, #tpu.memory_space<hbm>> -> memref<320xi32, #tpu.memory_space<hbm>>
    %dma_start3A_519 = arith.constant 1600 : i32
    %dma_start3A_520 = tpu.memref_slice %arg19[%dma_start3A_519] : memref<5120xi32, #tpu.memory_space<vmem>> -> memref<320xi32, #tpu.memory_space<vmem>>
    %dma_start3A_521 = tpu.memref_slice %arg9[%add3A_515] : memref<327680xi32, #tpu.memory_space<hbm>> -> memref<320xi32, #tpu.memory_space<hbm>>
    tpu.enqueue_dma source(%dma_start3A_521 : memref<320xi32, #tpu.memory_space<hbm>>) target(%dma_start3A_520 : memref<320xi32, #tpu.memory_space<vmem>>) target_semaphore(%arg26 : memref<!tpu.dma_semaphore, #tpu.memory_space<semaphore_mem>>)
    %mul3A_522 = arith.constant 16 : i32
    %mul3A_523 = arith.muli %arg0, %mul3A_522 : i32
    %add3A_524 = arith.constant 6 : i32
    %add3A_525 = arith.addi %mul3A_523, %add3A_524 : i32
    %mul3A_526 = arith.constant 10240 : i32
    %mul3A_527 = arith.muli %add3A_525, %mul3A_526 : i32
    %add3A_528 = arith.addi %mul3A_527, %add3A_5 : i32
    %dma_start3A_529 = arith.constant 1920 : i32
    %dma_start3A_530 = tpu.memref_slice %arg18[%dma_start3A_529] : memref<5120xi32, #tpu.memory_space<vmem>> -> memref<320xi32, #tpu.memory_space<vmem>>
    %dma_start3A_531 = tpu.memref_slice %arg8[%add3A_528] : memref<327680xi32, #tpu.memory_space<hbm>> -> memref<320xi32, #tpu.memory_space<hbm>>
    %dma_start3A_532 = arith.constant 1920 : i32
    %dma_start3A_533 = tpu.memref_slice %arg18[%dma_start3A_532] : memref<5120xi32, #tpu.memory_space<vmem>> -> memref<320xi32, #tpu.memory_space<vmem>>
    %dma_start3A_534 = tpu.memref_slice %arg8[%add3A_528] : memref<327680xi32, #tpu.memory_space<hbm>> -> memref<320xi32, #tpu.memory_space<hbm>>
    tpu.enqueue_dma source(%dma_start3A_534 : memref<320xi32, #tpu.memory_space<hbm>>) target(%dma_start3A_533 : memref<320xi32, #tpu.memory_space<vmem>>) target_semaphore(%arg26 : memref<!tpu.dma_semaphore, #tpu.memory_space<semaphore_mem>>)
    %mul3A_535 = arith.constant 16 : i32
    %mul3A_536 = arith.muli %arg0, %mul3A_535 : i32
    %add3A_537 = arith.constant 6 : i32
    %add3A_538 = arith.addi %mul3A_536, %add3A_537 : i32
    %mul3A_539 = arith.constant 10240 : i32
    %mul3A_540 = arith.muli %add3A_538, %mul3A_539 : i32
    %add3A_541 = arith.addi %mul3A_540, %add3A_5 : i32
    %dma_start3A_542 = arith.constant 1920 : i32
    %dma_start3A_543 = tpu.memref_slice %arg19[%dma_start3A_542] : memref<5120xi32, #tpu.memory_space<vmem>> -> memref<320xi32, #tpu.memory_space<vmem>>
    %dma_start3A_544 = tpu.memref_slice %arg9[%add3A_541] : memref<327680xi32, #tpu.memory_space<hbm>> -> memref<320xi32, #tpu.memory_space<hbm>>
    %dma_start3A_545 = arith.constant 1920 : i32
    %dma_start3A_546 = tpu.memref_slice %arg19[%dma_start3A_545] : memref<5120xi32, #tpu.memory_space<vmem>> -> memref<320xi32, #tpu.memory_space<vmem>>
    %dma_start3A_547 = tpu.memref_slice %arg9[%add3A_541] : memref<327680xi32, #tpu.memory_space<hbm>> -> memref<320xi32, #tpu.memory_space<hbm>>
    tpu.enqueue_dma source(%dma_start3A_547 : memref<320xi32, #tpu.memory_space<hbm>>) target(%dma_start3A_546 : memref<320xi32, #tpu.memory_space<vmem>>) target_semaphore(%arg26 : memref<!tpu.dma_semaphore, #tpu.memory_space<semaphore_mem>>)
    %mul3A_548 = arith.constant 16 : i32
    %mul3A_549 = arith.muli %arg0, %mul3A_548 : i32
    %add3A_550 = arith.constant 7 : i32
    %add3A_551 = arith.addi %mul3A_549, %add3A_550 : i32
    %mul3A_552 = arith.constant 10240 : i32
    %mul3A_553 = arith.muli %add3A_551, %mul3A_552 : i32
    %add3A_554 = arith.addi %mul3A_553, %add3A_5 : i32
    %dma_start3A_555 = arith.constant 2240 : i32
    %dma_start3A_556 = tpu.memref_slice %arg18[%dma_start3A_555] : memref<5120xi32, #tpu.memory_space<vmem>> -> memref<320xi32, #tpu.memory_space<vmem>>
    %dma_start3A_557 = tpu.memref_slice %arg8[%add3A_554] : memref<327680xi32, #tpu.memory_space<hbm>> -> memref<320xi32, #tpu.memory_space<hbm>>
    %dma_start3A_558 = arith.constant 2240 : i32
    %dma_start3A_559 = tpu.memref_slice %arg18[%dma_start3A_558] : memref<5120xi32, #tpu.memory_space<vmem>> -> memref<320xi32, #tpu.memory_space<vmem>>
    %dma_start3A_560 = tpu.memref_slice %arg8[%add3A_554] : memref<327680xi32, #tpu.memory_space<hbm>> -> memref<320xi32, #tpu.memory_space<hbm>>
    tpu.enqueue_dma source(%dma_start3A_560 : memref<320xi32, #tpu.memory_space<hbm>>) target(%dma_start3A_559 : memref<320xi32, #tpu.memory_space<vmem>>) target_semaphore(%arg26 : memref<!tpu.dma_semaphore, #tpu.memory_space<semaphore_mem>>)
    %mul3A_561 = arith.constant 16 : i32
    %mul3A_562 = arith.muli %arg0, %mul3A_561 : i32
    %add3A_563 = arith.constant 7 : i32
    %add3A_564 = arith.addi %mul3A_562, %add3A_563 : i32
    %mul3A_565 = arith.constant 10240 : i32
    %mul3A_566 = arith.muli %add3A_564, %mul3A_565 : i32
    %add3A_567 = arith.addi %mul3A_566, %add3A_5 : i32
    %dma_start3A_568 = arith.constant 2240 : i32
    %dma_start3A_569 = tpu.memref_slice %arg19[%dma_start3A_568] : memref<5120xi32, #tpu.memory_space<vmem>> -> memref<320xi32, #tpu.memory_space<vmem>>
    %dma_start3A_570 = tpu.memref_slice %arg9[%add3A_567] : memref<327680xi32, #tpu.memory_space<hbm>> -> memref<320xi32, #tpu.memory_space<hbm>>
    %dma_start3A_571 = arith.constant 2240 : i32
    %dma_start3A_572 = tpu.memref_slice %arg19[%dma_start3A_571] : memref<5120xi32, #tpu.memory_space<vmem>> -> memref<320xi32, #tpu.memory_space<vmem>>
    %dma_start3A_573 = tpu.memref_slice %arg9[%add3A_567] : memref<327680xi32, #tpu.memory_space<hbm>> -> memref<320xi32, #tpu.memory_space<hbm>>
    tpu.enqueue_dma source(%dma_start3A_573 : memref<320xi32, #tpu.memory_space<hbm>>) target(%dma_start3A_572 : memref<320xi32, #tpu.memory_space<vmem>>) target_semaphore(%arg26 : memref<!tpu.dma_semaphore, #tpu.memory_space<semaphore_mem>>)
    %mul3A_574 = arith.constant 16 : i32
    %mul3A_575 = arith.muli %arg0, %mul3A_574 : i32
    %add3A_576 = arith.constant 8 : i32
    %add3A_577 = arith.addi %mul3A_575, %add3A_576 : i32
    %mul3A_578 = arith.constant 10240 : i32
    %mul3A_579 = arith.muli %add3A_577, %mul3A_578 : i32
    %add3A_580 = arith.addi %mul3A_579, %add3A_5 : i32
    %dma_start3A_581 = arith.constant 2560 : i32
    %dma_start3A_582 = tpu.memref_slice %arg18[%dma_start3A_581] : memref<5120xi32, #tpu.memory_space<vmem>> -> memref<320xi32, #tpu.memory_space<vmem>>
    %dma_start3A_583 = tpu.memref_slice %arg8[%add3A_580] : memref<327680xi32, #tpu.memory_space<hbm>> -> memref<320xi32, #tpu.memory_space<hbm>>
    %dma_start3A_584 = arith.constant 2560 : i32
    %dma_start3A_585 = tpu.memref_slice %arg18[%dma_start3A_584] : memref<5120xi32, #tpu.memory_space<vmem>> -> memref<320xi32, #tpu.memory_space<vmem>>
    %dma_start3A_586 = tpu.memref_slice %arg8[%add3A_580] : memref<327680xi32, #tpu.memory_space<hbm>> -> memref<320xi32, #tpu.memory_space<hbm>>
    tpu.enqueue_dma source(%dma_start3A_586 : memref<320xi32, #tpu.memory_space<hbm>>) target(%dma_start3A_585 : memref<320xi32, #tpu.memory_space<vmem>>) target_semaphore(%arg26 : memref<!tpu.dma_semaphore, #tpu.memory_space<semaphore_mem>>)
    %mul3A_587 = arith.constant 16 : i32
    %mul3A_588 = arith.muli %arg0, %mul3A_587 : i32
    %add3A_589 = arith.constant 8 : i32
    %add3A_590 = arith.addi %mul3A_588, %add3A_589 : i32
    %mul3A_591 = arith.constant 10240 : i32
    %mul3A_592 = arith.muli %add3A_590, %mul3A_591 : i32
    %add3A_593 = arith.addi %mul3A_592, %add3A_5 : i32
    %dma_start3A_594 = arith.constant 2560 : i32
    %dma_start3A_595 = tpu.memref_slice %arg19[%dma_start3A_594] : memref<5120xi32, #tpu.memory_space<vmem>> -> memref<320xi32, #tpu.memory_space<vmem>>
    %dma_start3A_596 = tpu.memref_slice %arg9[%add3A_593] : memref<327680xi32, #tpu.memory_space<hbm>> -> memref<320xi32, #tpu.memory_space<hbm>>
    %dma_start3A_597 = arith.constant 2560 : i32
    %dma_start3A_598 = tpu.memref_slice %arg19[%dma_start3A_597] : memref<5120xi32, #tpu.memory_space<vmem>> -> memref<320xi32, #tpu.memory_space<vmem>>
    %dma_start3A_599 = tpu.memref_slice %arg9[%add3A_593] : memref<327680xi32, #tpu.memory_space<hbm>> -> memref<320xi32, #tpu.memory_space<hbm>>
    tpu.enqueue_dma source(%dma_start3A_599 : memref<320xi32, #tpu.memory_space<hbm>>) target(%dma_start3A_598 : memref<320xi32, #tpu.memory_space<vmem>>) target_semaphore(%arg26 : memref<!tpu.dma_semaphore, #tpu.memory_space<semaphore_mem>>)
    %mul3A_600 = arith.constant 16 : i32
    %mul3A_601 = arith.muli %arg0, %mul3A_600 : i32
    %add3A_602 = arith.constant 9 : i32
    %add3A_603 = arith.addi %mul3A_601, %add3A_602 : i32
    %mul3A_604 = arith.constant 10240 : i32
    %mul3A_605 = arith.muli %add3A_603, %mul3A_604 : i32
    %add3A_606 = arith.addi %mul3A_605, %add3A_5 : i32
    %dma_start3A_607 = arith.constant 2880 : i32
    %dma_start3A_608 = tpu.memref_slice %arg18[%dma_start3A_607] : memref<5120xi32, #tpu.memory_space<vmem>> -> memref<320xi32, #tpu.memory_space<vmem>>
    %dma_start3A_609 = tpu.memref_slice %arg8[%add3A_606] : memref<327680xi32, #tpu.memory_space<hbm>> -> memref<320xi32, #tpu.memory_space<hbm>>
    %dma_start3A_610 = arith.constant 2880 : i32
    %dma_start3A_611 = tpu.memref_slice %arg18[%dma_start3A_610] : memref<5120xi32, #tpu.memory_space<vmem>> -> memref<320xi32, #tpu.memory_space<vmem>>
    %dma_start3A_612 = tpu.memref_slice %arg8[%add3A_606] : memref<327680xi32, #tpu.memory_space<hbm>> -> memref<320xi32, #tpu.memory_space<hbm>>
    tpu.enqueue_dma source(%dma_start3A_612 : memref<320xi32, #tpu.memory_space<hbm>>) target(%dma_start3A_611 : memref<320xi32, #tpu.memory_space<vmem>>) target_semaphore(%arg26 : memref<!tpu.dma_semaphore, #tpu.memory_space<semaphore_mem>>)
    %mul3A_613 = arith.constant 16 : i32
    %mul3A_614 = arith.muli %arg0, %mul3A_613 : i32
    %add3A_615 = arith.constant 9 : i32
    %add3A_616 = arith.addi %mul3A_614, %add3A_615 : i32
    %mul3A_617 = arith.constant 10240 : i32
    %mul3A_618 = arith.muli %add3A_616, %mul3A_617 : i32
    %add3A_619 = arith.addi %mul3A_618, %add3A_5 : i32
    %dma_start3A_620 = arith.constant 2880 : i32
    %dma_start3A_621 = tpu.memref_slice %arg19[%dma_start3A_620] : memref<5120xi32, #tpu.memory_space<vmem>> -> memref<320xi32, #tpu.memory_space<vmem>>
    %dma_start3A_622 = tpu.memref_slice %arg9[%add3A_619] : memref<327680xi32, #tpu.memory_space<hbm>> -> memref<320xi32, #tpu.memory_space<hbm>>
    %dma_start3A_623 = arith.constant 2880 : i32
    %dma_start3A_624 = tpu.memref_slice %arg19[%dma_start3A_623] : memref<5120xi32, #tpu.memory_space<vmem>> -> memref<320xi32, #tpu.memory_space<vmem>>
    %dma_start3A_625 = tpu.memref_slice %arg9[%add3A_619] : memref<327680xi32, #tpu.memory_space<hbm>> -> memref<320xi32, #tpu.memory_space<hbm>>
    tpu.enqueue_dma source(%dma_start3A_625 : memref<320xi32, #tpu.memory_space<hbm>>) target(%dma_start3A_624 : memref<320xi32, #tpu.memory_space<vmem>>) target_semaphore(%arg26 : memref<!tpu.dma_semaphore, #tpu.memory_space<semaphore_mem>>)
    %mul3A_626 = arith.constant 16 : i32
    %mul3A_627 = arith.muli %arg0, %mul3A_626 : i32
    %add3A_628 = arith.constant 10 : i32
    %add3A_629 = arith.addi %mul3A_627, %add3A_628 : i32
    %mul3A_630 = arith.constant 10240 : i32
    %mul3A_631 = arith.muli %add3A_629, %mul3A_630 : i32
    %add3A_632 = arith.addi %mul3A_631, %add3A_5 : i32
    %dma_start3A_633 = arith.constant 3200 : i32
    %dma_start3A_634 = tpu.memref_slice %arg18[%dma_start3A_633] : memref<5120xi32, #tpu.memory_space<vmem>> -> memref<320xi32, #tpu.memory_space<vmem>>
    %dma_start3A_635 = tpu.memref_slice %arg8[%add3A_632] : memref<327680xi32, #tpu.memory_space<hbm>> -> memref<320xi32, #tpu.memory_space<hbm>>
    %dma_start3A_636 = arith.constant 3200 : i32
    %dma_start3A_637 = tpu.memref_slice %arg18[%dma_start3A_636] : memref<5120xi32, #tpu.memory_space<vmem>> -> memref<320xi32, #tpu.memory_space<vmem>>
    %dma_start3A_638 = tpu.memref_slice %arg8[%add3A_632] : memref<327680xi32, #tpu.memory_space<hbm>> -> memref<320xi32, #tpu.memory_space<hbm>>
    tpu.enqueue_dma source(%dma_start3A_638 : memref<320xi32, #tpu.memory_space<hbm>>) target(%dma_start3A_637 : memref<320xi32, #tpu.memory_space<vmem>>) target_semaphore(%arg26 : memref<!tpu.dma_semaphore, #tpu.memory_space<semaphore_mem>>)
    %mul3A_639 = arith.constant 16 : i32
    %mul3A_640 = arith.muli %arg0, %mul3A_639 : i32
    %add3A_641 = arith.constant 10 : i32
    %add3A_642 = arith.addi %mul3A_640, %add3A_641 : i32
    %mul3A_643 = arith.constant 10240 : i32
    %mul3A_644 = arith.muli %add3A_642, %mul3A_643 : i32
    %add3A_645 = arith.addi %mul3A_644, %add3A_5 : i32
    %dma_start3A_646 = arith.constant 3200 : i32
    %dma_start3A_647 = tpu.memref_slice %arg19[%dma_start3A_646] : memref<5120xi32, #tpu.memory_space<vmem>> -> memref<320xi32, #tpu.memory_space<vmem>>
    %dma_start3A_648 = tpu.memref_slice %arg9[%add3A_645] : memref<327680xi32, #tpu.memory_space<hbm>> -> memref<320xi32, #tpu.memory_space<hbm>>
    %dma_start3A_649 = arith.constant 3200 : i32
    %dma_start3A_650 = tpu.memref_slice %arg19[%dma_start3A_649] : memref<5120xi32, #tpu.memory_space<vmem>> -> memref<320xi32, #tpu.memory_space<vmem>>
    %dma_start3A_651 = tpu.memref_slice %arg9[%add3A_645] : memref<327680xi32, #tpu.memory_space<hbm>> -> memref<320xi32, #tpu.memory_space<hbm>>
    tpu.enqueue_dma source(%dma_start3A_651 : memref<320xi32, #tpu.memory_space<hbm>>) target(%dma_start3A_650 : memref<320xi32, #tpu.memory_space<vmem>>) target_semaphore(%arg26 : memref<!tpu.dma_semaphore, #tpu.memory_space<semaphore_mem>>)
    %mul3A_652 = arith.constant 16 : i32
    %mul3A_653 = arith.muli %arg0, %mul3A_652 : i32
    %add3A_654 = arith.constant 11 : i32
    %add3A_655 = arith.addi %mul3A_653, %add3A_654 : i32
    %mul3A_656 = arith.constant 10240 : i32
    %mul3A_657 = arith.muli %add3A_655, %mul3A_656 : i32
    %add3A_658 = arith.addi %mul3A_657, %add3A_5 : i32
    %dma_start3A_659 = arith.constant 3520 : i32
    %dma_start3A_660 = tpu.memref_slice %arg18[%dma_start3A_659] : memref<5120xi32, #tpu.memory_space<vmem>> -> memref<320xi32, #tpu.memory_space<vmem>>
    %dma_start3A_661 = tpu.memref_slice %arg8[%add3A_658] : memref<327680xi32, #tpu.memory_space<hbm>> -> memref<320xi32, #tpu.memory_space<hbm>>
    %dma_start3A_662 = arith.constant 3520 : i32
    %dma_start3A_663 = tpu.memref_slice %arg18[%dma_start3A_662] : memref<5120xi32, #tpu.memory_space<vmem>> -> memref<320xi32, #tpu.memory_space<vmem>>
    %dma_start3A_664 = tpu.memref_slice %arg8[%add3A_658] : memref<327680xi32, #tpu.memory_space<hbm>> -> memref<320xi32, #tpu.memory_space<hbm>>
    tpu.enqueue_dma source(%dma_start3A_664 : memref<320xi32, #tpu.memory_space<hbm>>) target(%dma_start3A_663 : memref<320xi32, #tpu.memory_space<vmem>>) target_semaphore(%arg26 : memref<!tpu.dma_semaphore, #tpu.memory_space<semaphore_mem>>)
    %mul3A_665 = arith.constant 16 : i32
    %mul3A_666 = arith.muli %arg0, %mul3A_665 : i32
    %add3A_667 = arith.constant 11 : i32
    %add3A_668 = arith.addi %mul3A_666, %add3A_667 : i32
    %mul3A_669 = arith.constant 10240 : i32
    %mul3A_670 = arith.muli %add3A_668, %mul3A_669 : i32
    %add3A_671 = arith.addi %mul3A_670, %add3A_5 : i32
    %dma_start3A_672 = arith.constant 3520 : i32
    %dma_start3A_673 = tpu.memref_slice %arg19[%dma_start3A_672] : memref<5120xi32, #tpu.memory_space<vmem>> -> memref<320xi32, #tpu.memory_space<vmem>>
    %dma_start3A_674 = tpu.memref_slice %arg9[%add3A_671] : memref<327680xi32, #tpu.memory_space<hbm>> -> memref<320xi32, #tpu.memory_space<hbm>>
    %dma_start3A_675 = arith.constant 3520 : i32
    %dma_start3A_676 = tpu.memref_slice %arg19[%dma_start3A_675] : memref<5120xi32, #tpu.memory_space<vmem>> -> memref<320xi32, #tpu.memory_space<vmem>>
    %dma_start3A_677 = tpu.memref_slice %arg9[%add3A_671] : memref<327680xi32, #tpu.memory_space<hbm>> -> memref<320xi32, #tpu.memory_space<hbm>>
    tpu.enqueue_dma source(%dma_start3A_677 : memref<320xi32, #tpu.memory_space<hbm>>) target(%dma_start3A_676 : memref<320xi32, #tpu.memory_space<vmem>>) target_semaphore(%arg26 : memref<!tpu.dma_semaphore, #tpu.memory_space<semaphore_mem>>)
    %mul3A_678 = arith.constant 16 : i32
    %mul3A_679 = arith.muli %arg0, %mul3A_678 : i32
    %add3A_680 = arith.constant 12 : i32
    %add3A_681 = arith.addi %mul3A_679, %add3A_680 : i32
    %mul3A_682 = arith.constant 10240 : i32
    %mul3A_683 = arith.muli %add3A_681, %mul3A_682 : i32
    %add3A_684 = arith.addi %mul3A_683, %add3A_5 : i32
    %dma_start3A_685 = arith.constant 3840 : i32
    %dma_start3A_686 = tpu.memref_slice %arg18[%dma_start3A_685] : memref<5120xi32, #tpu.memory_space<vmem>> -> memref<320xi32, #tpu.memory_space<vmem>>
    %dma_start3A_687 = tpu.memref_slice %arg8[%add3A_684] : memref<327680xi32, #tpu.memory_space<hbm>> -> memref<320xi32, #tpu.memory_space<hbm>>
    %dma_start3A_688 = arith.constant 3840 : i32
    %dma_start3A_689 = tpu.memref_slice %arg18[%dma_start3A_688] : memref<5120xi32, #tpu.memory_space<vmem>> -> memref<320xi32, #tpu.memory_space<vmem>>
    %dma_start3A_690 = tpu.memref_slice %arg8[%add3A_684] : memref<327680xi32, #tpu.memory_space<hbm>> -> memref<320xi32, #tpu.memory_space<hbm>>
    tpu.enqueue_dma source(%dma_start3A_690 : memref<320xi32, #tpu.memory_space<hbm>>) target(%dma_start3A_689 : memref<320xi32, #tpu.memory_space<vmem>>) target_semaphore(%arg26 : memref<!tpu.dma_semaphore, #tpu.memory_space<semaphore_mem>>)
    %mul3A_691 = arith.constant 16 : i32
    %mul3A_692 = arith.muli %arg0, %mul3A_691 : i32
    %add3A_693 = arith.constant 12 : i32
    %add3A_694 = arith.addi %mul3A_692, %add3A_693 : i32
    %mul3A_695 = arith.constant 10240 : i32
    %mul3A_696 = arith.muli %add3A_694, %mul3A_695 : i32
    %add3A_697 = arith.addi %mul3A_696, %add3A_5 : i32
    %dma_start3A_698 = arith.constant 3840 : i32
    %dma_start3A_699 = tpu.memref_slice %arg19[%dma_start3A_698] : memref<5120xi32, #tpu.memory_space<vmem>> -> memref<320xi32, #tpu.memory_space<vmem>>
    %dma_start3A_700 = tpu.memref_slice %arg9[%add3A_697] : memref<327680xi32, #tpu.memory_space<hbm>> -> memref<320xi32, #tpu.memory_space<hbm>>
    %dma_start3A_701 = arith.constant 3840 : i32
    %dma_start3A_702 = tpu.memref_slice %arg19[%dma_start3A_701] : memref<5120xi32, #tpu.memory_space<vmem>> -> memref<320xi32, #tpu.memory_space<vmem>>
    %dma_start3A_703 = tpu.memref_slice %arg9[%add3A_697] : memref<327680xi32, #tpu.memory_space<hbm>> -> memref<320xi32, #tpu.memory_space<hbm>>
    tpu.enqueue_dma source(%dma_start3A_703 : memref<320xi32, #tpu.memory_space<hbm>>) target(%dma_start3A_702 : memref<320xi32, #tpu.memory_space<vmem>>) target_semaphore(%arg26 : memref<!tpu.dma_semaphore, #tpu.memory_space<semaphore_mem>>)
    %mul3A_704 = arith.constant 16 : i32
    %mul3A_705 = arith.muli %arg0, %mul3A_704 : i32
    %add3A_706 = arith.constant 13 : i32
    %add3A_707 = arith.addi %mul3A_705, %add3A_706 : i32
    %mul3A_708 = arith.constant 10240 : i32
    %mul3A_709 = arith.muli %add3A_707, %mul3A_708 : i32
    %add3A_710 = arith.addi %mul3A_709, %add3A_5 : i32
    %dma_start3A_711 = arith.constant 4160 : i32
    %dma_start3A_712 = tpu.memref_slice %arg18[%dma_start3A_711] : memref<5120xi32, #tpu.memory_space<vmem>> -> memref<320xi32, #tpu.memory_space<vmem>>
    %dma_start3A_713 = tpu.memref_slice %arg8[%add3A_710] : memref<327680xi32, #tpu.memory_space<hbm>> -> memref<320xi32, #tpu.memory_space<hbm>>
    %dma_start3A_714 = arith.constant 4160 : i32
    %dma_start3A_715 = tpu.memref_slice %arg18[%dma_start3A_714] : memref<5120xi32, #tpu.memory_space<vmem>> -> memref<320xi32, #tpu.memory_space<vmem>>
    %dma_start3A_716 = tpu.memref_slice %arg8[%add3A_710] : memref<327680xi32, #tpu.memory_space<hbm>> -> memref<320xi32, #tpu.memory_space<hbm>>
    tpu.enqueue_dma source(%dma_start3A_716 : memref<320xi32, #tpu.memory_space<hbm>>) target(%dma_start3A_715 : memref<320xi32, #tpu.memory_space<vmem>>) target_semaphore(%arg26 : memref<!tpu.dma_semaphore, #tpu.memory_space<semaphore_mem>>)
    %mul3A_717 = arith.constant 16 : i32
    %mul3A_718 = arith.muli %arg0, %mul3A_717 : i32
    %add3A_719 = arith.constant 13 : i32
    %add3A_720 = arith.addi %mul3A_718, %add3A_719 : i32
    %mul3A_721 = arith.constant 10240 : i32
    %mul3A_722 = arith.muli %add3A_720, %mul3A_721 : i32
    %add3A_723 = arith.addi %mul3A_722, %add3A_5 : i32
    %dma_start3A_724 = arith.constant 4160 : i32
    %dma_start3A_725 = tpu.memref_slice %arg19[%dma_start3A_724] : memref<5120xi32, #tpu.memory_space<vmem>> -> memref<320xi32, #tpu.memory_space<vmem>>
    %dma_start3A_726 = tpu.memref_slice %arg9[%add3A_723] : memref<327680xi32, #tpu.memory_space<hbm>> -> memref<320xi32, #tpu.memory_space<hbm>>
    %dma_start3A_727 = arith.constant 4160 : i32
    %dma_start3A_728 = tpu.memref_slice %arg19[%dma_start3A_727] : memref<5120xi32, #tpu.memory_space<vmem>> -> memref<320xi32, #tpu.memory_space<vmem>>
    %dma_start3A_729 = tpu.memref_slice %arg9[%add3A_723] : memref<327680xi32, #tpu.memory_space<hbm>> -> memref<320xi32, #tpu.memory_space<hbm>>
    tpu.enqueue_dma source(%dma_start3A_729 : memref<320xi32, #tpu.memory_space<hbm>>) target(%dma_start3A_728 : memref<320xi32, #tpu.memory_space<vmem>>) target_semaphore(%arg26 : memref<!tpu.dma_semaphore, #tpu.memory_space<semaphore_mem>>)
    %mul3A_730 = arith.constant 16 : i32
    %mul3A_731 = arith.muli %arg0, %mul3A_730 : i32
    %add3A_732 = arith.constant 14 : i32
    %add3A_733 = arith.addi %mul3A_731, %add3A_732 : i32
    %mul3A_734 = arith.constant 10240 : i32
    %mul3A_735 = arith.muli %add3A_733, %mul3A_734 : i32
    %add3A_736 = arith.addi %mul3A_735, %add3A_5 : i32
    %dma_start3A_737 = arith.constant 4480 : i32
    %dma_start3A_738 = tpu.memref_slice %arg18[%dma_start3A_737] : memref<5120xi32, #tpu.memory_space<vmem>> -> memref<320xi32, #tpu.memory_space<vmem>>
    %dma_start3A_739 = tpu.memref_slice %arg8[%add3A_736] : memref<327680xi32, #tpu.memory_space<hbm>> -> memref<320xi32, #tpu.memory_space<hbm>>
    %dma_start3A_740 = arith.constant 4480 : i32
    %dma_start3A_741 = tpu.memref_slice %arg18[%dma_start3A_740] : memref<5120xi32, #tpu.memory_space<vmem>> -> memref<320xi32, #tpu.memory_space<vmem>>
    %dma_start3A_742 = tpu.memref_slice %arg8[%add3A_736] : memref<327680xi32, #tpu.memory_space<hbm>> -> memref<320xi32, #tpu.memory_space<hbm>>
    tpu.enqueue_dma source(%dma_start3A_742 : memref<320xi32, #tpu.memory_space<hbm>>) target(%dma_start3A_741 : memref<320xi32, #tpu.memory_space<vmem>>) target_semaphore(%arg26 : memref<!tpu.dma_semaphore, #tpu.memory_space<semaphore_mem>>)
    %mul3A_743 = arith.constant 16 : i32
    %mul3A_744 = arith.muli %arg0, %mul3A_743 : i32
    %add3A_745 = arith.constant 14 : i32
    %add3A_746 = arith.addi %mul3A_744, %add3A_745 : i32
    %mul3A_747 = arith.constant 10240 : i32
    %mul3A_748 = arith.muli %add3A_746, %mul3A_747 : i32
    %add3A_749 = arith.addi %mul3A_748, %add3A_5 : i32
    %dma_start3A_750 = arith.constant 4480 : i32
    %dma_start3A_751 = tpu.memref_slice %arg19[%dma_start3A_750] : memref<5120xi32, #tpu.memory_space<vmem>> -> memref<320xi32, #tpu.memory_space<vmem>>
    %dma_start3A_752 = tpu.memref_slice %arg9[%add3A_749] : memref<327680xi32, #tpu.memory_space<hbm>> -> memref<320xi32, #tpu.memory_space<hbm>>
    %dma_start3A_753 = arith.constant 4480 : i32
    %dma_start3A_754 = tpu.memref_slice %arg19[%dma_start3A_753] : memref<5120xi32, #tpu.memory_space<vmem>> -> memref<320xi32, #tpu.memory_space<vmem>>
    %dma_start3A_755 = tpu.memref_slice %arg9[%add3A_749] : memref<327680xi32, #tpu.memory_space<hbm>> -> memref<320xi32, #tpu.memory_space<hbm>>
    tpu.enqueue_dma source(%dma_start3A_755 : memref<320xi32, #tpu.memory_space<hbm>>) target(%dma_start3A_754 : memref<320xi32, #tpu.memory_space<vmem>>) target_semaphore(%arg26 : memref<!tpu.dma_semaphore, #tpu.memory_space<semaphore_mem>>)
    %mul3A_756 = arith.constant 16 : i32
    %mul3A_757 = arith.muli %arg0, %mul3A_756 : i32
    %add3A_758 = arith.constant 15 : i32
    %add3A_759 = arith.addi %mul3A_757, %add3A_758 : i32
    %mul3A_760 = arith.constant 10240 : i32
    %mul3A_761 = arith.muli %add3A_759, %mul3A_760 : i32
    %add3A_762 = arith.addi %mul3A_761, %add3A_5 : i32
    %dma_start3A_763 = arith.constant 4800 : i32
    %dma_start3A_764 = tpu.memref_slice %arg18[%dma_start3A_763] : memref<5120xi32, #tpu.memory_space<vmem>> -> memref<320xi32, #tpu.memory_space<vmem>>
    %dma_start3A_765 = tpu.memref_slice %arg8[%add3A_762] : memref<327680xi32, #tpu.memory_space<hbm>> -> memref<320xi32, #tpu.memory_space<hbm>>
    %dma_start3A_766 = arith.constant 4800 : i32
    %dma_start3A_767 = tpu.memref_slice %arg18[%dma_start3A_766] : memref<5120xi32, #tpu.memory_space<vmem>> -> memref<320xi32, #tpu.memory_space<vmem>>
    %dma_start3A_768 = tpu.memref_slice %arg8[%add3A_762] : memref<327680xi32, #tpu.memory_space<hbm>> -> memref<320xi32, #tpu.memory_space<hbm>>
    tpu.enqueue_dma source(%dma_start3A_768 : memref<320xi32, #tpu.memory_space<hbm>>) target(%dma_start3A_767 : memref<320xi32, #tpu.memory_space<vmem>>) target_semaphore(%arg26 : memref<!tpu.dma_semaphore, #tpu.memory_space<semaphore_mem>>)
    %mul3A_769 = arith.constant 16 : i32
    %mul3A_770 = arith.muli %arg0, %mul3A_769 : i32
    %add3A_771 = arith.constant 15 : i32
    %add3A_772 = arith.addi %mul3A_770, %add3A_771 : i32
    %mul3A_773 = arith.constant 10240 : i32
    %mul3A_774 = arith.muli %add3A_772, %mul3A_773 : i32
    %add3A_775 = arith.addi %mul3A_774, %add3A_5 : i32
    %dma_start3A_776 = arith.constant 4800 : i32
    %dma_start3A_777 = tpu.memref_slice %arg19[%dma_start3A_776] : memref<5120xi32, #tpu.memory_space<vmem>> -> memref<320xi32, #tpu.memory_space<vmem>>
    %dma_start3A_778 = tpu.memref_slice %arg9[%add3A_775] : memref<327680xi32, #tpu.memory_space<hbm>> -> memref<320xi32, #tpu.memory_space<hbm>>
    %dma_start3A_779 = arith.constant 4800 : i32
    %dma_start3A_780 = tpu.memref_slice %arg19[%dma_start3A_779] : memref<5120xi32, #tpu.memory_space<vmem>> -> memref<320xi32, #tpu.memory_space<vmem>>
    %dma_start3A_781 = tpu.memref_slice %arg9[%add3A_775] : memref<327680xi32, #tpu.memory_space<hbm>> -> memref<320xi32, #tpu.memory_space<hbm>>
    tpu.enqueue_dma source(%dma_start3A_781 : memref<320xi32, #tpu.memory_space<hbm>>) target(%dma_start3A_780 : memref<320xi32, #tpu.memory_space<vmem>>) target_semaphore(%arg26 : memref<!tpu.dma_semaphore, #tpu.memory_space<semaphore_mem>>)
    %dma_wait3A_782 = arith.constant 0 : i32
    %dma_wait3A_783 = tpu.memref_slice %arg18[%dma_wait3A_782] : memref<5120xi32, #tpu.memory_space<vmem>> -> memref<320xi32, #tpu.memory_space<vmem>>
    %dma_wait3A_784 = tpu.memref_slice %arg8[%add3A_372] : memref<327680xi32, #tpu.memory_space<hbm>> -> memref<320xi32, #tpu.memory_space<hbm>>
    %dma_wait3A_785 = arith.constant 0 : i32
    %dma_wait3A_786 = tpu.memref_slice %arg18[%dma_wait3A_785] : memref<5120xi32, #tpu.memory_space<vmem>> -> memref<320xi32, #tpu.memory_space<vmem>>
    %dma_wait3A_787 = tpu.memref_slice %arg8[%add3A_372] : memref<327680xi32, #tpu.memory_space<hbm>> -> memref<320xi32, #tpu.memory_space<hbm>>
    tpu.wait_dma2 semaphore(%arg26 : memref<!tpu.dma_semaphore, #tpu.memory_space<semaphore_mem>>) src(%dma_wait3A_787 : memref<320xi32, #tpu.memory_space<hbm>>) dst(%dma_wait3A_786 : memref<320xi32, #tpu.memory_space<vmem>>)
    %dma_wait3A_788 = arith.constant 0 : i32
    %dma_wait3A_789 = tpu.memref_slice %arg19[%dma_wait3A_788] : memref<5120xi32, #tpu.memory_space<vmem>> -> memref<320xi32, #tpu.memory_space<vmem>>
    %dma_wait3A_790 = tpu.memref_slice %arg9[%add3A_385] : memref<327680xi32, #tpu.memory_space<hbm>> -> memref<320xi32, #tpu.memory_space<hbm>>
    %dma_wait3A_791 = arith.constant 0 : i32
    %dma_wait3A_792 = tpu.memref_slice %arg19[%dma_wait3A_791] : memref<5120xi32, #tpu.memory_space<vmem>> -> memref<320xi32, #tpu.memory_space<vmem>>
    %dma_wait3A_793 = tpu.memref_slice %arg9[%add3A_385] : memref<327680xi32, #tpu.memory_space<hbm>> -> memref<320xi32, #tpu.memory_space<hbm>>
    tpu.wait_dma2 semaphore(%arg26 : memref<!tpu.dma_semaphore, #tpu.memory_space<semaphore_mem>>) src(%dma_wait3A_793 : memref<320xi32, #tpu.memory_space<hbm>>) dst(%dma_wait3A_792 : memref<320xi32, #tpu.memory_space<vmem>>)
    %dma_wait3A_794 = arith.constant 320 : i32
    %dma_wait3A_795 = tpu.memref_slice %arg18[%dma_wait3A_794] : memref<5120xi32, #tpu.memory_space<vmem>> -> memref<320xi32, #tpu.memory_space<vmem>>
    %dma_wait3A_796 = tpu.memref_slice %arg8[%add3A_398] : memref<327680xi32, #tpu.memory_space<hbm>> -> memref<320xi32, #tpu.memory_space<hbm>>
    %dma_wait3A_797 = arith.constant 320 : i32
    %dma_wait3A_798 = tpu.memref_slice %arg18[%dma_wait3A_797] : memref<5120xi32, #tpu.memory_space<vmem>> -> memref<320xi32, #tpu.memory_space<vmem>>
    %dma_wait3A_799 = tpu.memref_slice %arg8[%add3A_398] : memref<327680xi32, #tpu.memory_space<hbm>> -> memref<320xi32, #tpu.memory_space<hbm>>
    tpu.wait_dma2 semaphore(%arg26 : memref<!tpu.dma_semaphore, #tpu.memory_space<semaphore_mem>>) src(%dma_wait3A_799 : memref<320xi32, #tpu.memory_space<hbm>>) dst(%dma_wait3A_798 : memref<320xi32, #tpu.memory_space<vmem>>)
    %dma_wait3A_800 = arith.constant 320 : i32
    %dma_wait3A_801 = tpu.memref_slice %arg19[%dma_wait3A_800] : memref<5120xi32, #tpu.memory_space<vmem>> -> memref<320xi32, #tpu.memory_space<vmem>>
    %dma_wait3A_802 = tpu.memref_slice %arg9[%add3A_411] : memref<327680xi32, #tpu.memory_space<hbm>> -> memref<320xi32, #tpu.memory_space<hbm>>
    %dma_wait3A_803 = arith.constant 320 : i32
    %dma_wait3A_804 = tpu.memref_slice %arg19[%dma_wait3A_803] : memref<5120xi32, #tpu.memory_space<vmem>> -> memref<320xi32, #tpu.memory_space<vmem>>
    %dma_wait3A_805 = tpu.memref_slice %arg9[%add3A_411] : memref<327680xi32, #tpu.memory_space<hbm>> -> memref<320xi32, #tpu.memory_space<hbm>>
    tpu.wait_dma2 semaphore(%arg26 : memref<!tpu.dma_semaphore, #tpu.memory_space<semaphore_mem>>) src(%dma_wait3A_805 : memref<320xi32, #tpu.memory_space<hbm>>) dst(%dma_wait3A_804 : memref<320xi32, #tpu.memory_space<vmem>>)
    %dma_wait3A_806 = arith.constant 640 : i32
    %dma_wait3A_807 = tpu.memref_slice %arg18[%dma_wait3A_806] : memref<5120xi32, #tpu.memory_space<vmem>> -> memref<320xi32, #tpu.memory_space<vmem>>
    %dma_wait3A_808 = tpu.memref_slice %arg8[%add3A_424] : memref<327680xi32, #tpu.memory_space<hbm>> -> memref<320xi32, #tpu.memory_space<hbm>>
    %dma_wait3A_809 = arith.constant 640 : i32
    %dma_wait3A_810 = tpu.memref_slice %arg18[%dma_wait3A_809] : memref<5120xi32, #tpu.memory_space<vmem>> -> memref<320xi32, #tpu.memory_space<vmem>>
    %dma_wait3A_811 = tpu.memref_slice %arg8[%add3A_424] : memref<327680xi32, #tpu.memory_space<hbm>> -> memref<320xi32, #tpu.memory_space<hbm>>
    tpu.wait_dma2 semaphore(%arg26 : memref<!tpu.dma_semaphore, #tpu.memory_space<semaphore_mem>>) src(%dma_wait3A_811 : memref<320xi32, #tpu.memory_space<hbm>>) dst(%dma_wait3A_810 : memref<320xi32, #tpu.memory_space<vmem>>)
    %dma_wait3A_812 = arith.constant 640 : i32
    %dma_wait3A_813 = tpu.memref_slice %arg19[%dma_wait3A_812] : memref<5120xi32, #tpu.memory_space<vmem>> -> memref<320xi32, #tpu.memory_space<vmem>>
    %dma_wait3A_814 = tpu.memref_slice %arg9[%add3A_437] : memref<327680xi32, #tpu.memory_space<hbm>> -> memref<320xi32, #tpu.memory_space<hbm>>
    %dma_wait3A_815 = arith.constant 640 : i32
    %dma_wait3A_816 = tpu.memref_slice %arg19[%dma_wait3A_815] : memref<5120xi32, #tpu.memory_space<vmem>> -> memref<320xi32, #tpu.memory_space<vmem>>
    %dma_wait3A_817 = tpu.memref_slice %arg9[%add3A_437] : memref<327680xi32, #tpu.memory_space<hbm>> -> memref<320xi32, #tpu.memory_space<hbm>>
    tpu.wait_dma2 semaphore(%arg26 : memref<!tpu.dma_semaphore, #tpu.memory_space<semaphore_mem>>) src(%dma_wait3A_817 : memref<320xi32, #tpu.memory_space<hbm>>) dst(%dma_wait3A_816 : memref<320xi32, #tpu.memory_space<vmem>>)
    %dma_wait3A_818 = arith.constant 960 : i32
    %dma_wait3A_819 = tpu.memref_slice %arg18[%dma_wait3A_818] : memref<5120xi32, #tpu.memory_space<vmem>> -> memref<320xi32, #tpu.memory_space<vmem>>
    %dma_wait3A_820 = tpu.memref_slice %arg8[%add3A_450] : memref<327680xi32, #tpu.memory_space<hbm>> -> memref<320xi32, #tpu.memory_space<hbm>>
    %dma_wait3A_821 = arith.constant 960 : i32
    %dma_wait3A_822 = tpu.memref_slice %arg18[%dma_wait3A_821] : memref<5120xi32, #tpu.memory_space<vmem>> -> memref<320xi32, #tpu.memory_space<vmem>>
    %dma_wait3A_823 = tpu.memref_slice %arg8[%add3A_450] : memref<327680xi32, #tpu.memory_space<hbm>> -> memref<320xi32, #tpu.memory_space<hbm>>
    tpu.wait_dma2 semaphore(%arg26 : memref<!tpu.dma_semaphore, #tpu.memory_space<semaphore_mem>>) src(%dma_wait3A_823 : memref<320xi32, #tpu.memory_space<hbm>>) dst(%dma_wait3A_822 : memref<320xi32, #tpu.memory_space<vmem>>)
    %dma_wait3A_824 = arith.constant 960 : i32
    %dma_wait3A_825 = tpu.memref_slice %arg19[%dma_wait3A_824] : memref<5120xi32, #tpu.memory_space<vmem>> -> memref<320xi32, #tpu.memory_space<vmem>>
    %dma_wait3A_826 = tpu.memref_slice %arg9[%add3A_463] : memref<327680xi32, #tpu.memory_space<hbm>> -> memref<320xi32, #tpu.memory_space<hbm>>
    %dma_wait3A_827 = arith.constant 960 : i32
    %dma_wait3A_828 = tpu.memref_slice %arg19[%dma_wait3A_827] : memref<5120xi32, #tpu.memory_space<vmem>> -> memref<320xi32, #tpu.memory_space<vmem>>
    %dma_wait3A_829 = tpu.memref_slice %arg9[%add3A_463] : memref<327680xi32, #tpu.memory_space<hbm>> -> memref<320xi32, #tpu.memory_space<hbm>>
    tpu.wait_dma2 semaphore(%arg26 : memref<!tpu.dma_semaphore, #tpu.memory_space<semaphore_mem>>) src(%dma_wait3A_829 : memref<320xi32, #tpu.memory_space<hbm>>) dst(%dma_wait3A_828 : memref<320xi32, #tpu.memory_space<vmem>>)
    %dma_wait3A_830 = arith.constant 1280 : i32
    %dma_wait3A_831 = tpu.memref_slice %arg18[%dma_wait3A_830] : memref<5120xi32, #tpu.memory_space<vmem>> -> memref<320xi32, #tpu.memory_space<vmem>>
    %dma_wait3A_832 = tpu.memref_slice %arg8[%add3A_476] : memref<327680xi32, #tpu.memory_space<hbm>> -> memref<320xi32, #tpu.memory_space<hbm>>
    %dma_wait3A_833 = arith.constant 1280 : i32
    %dma_wait3A_834 = tpu.memref_slice %arg18[%dma_wait3A_833] : memref<5120xi32, #tpu.memory_space<vmem>> -> memref<320xi32, #tpu.memory_space<vmem>>
    %dma_wait3A_835 = tpu.memref_slice %arg8[%add3A_476] : memref<327680xi32, #tpu.memory_space<hbm>> -> memref<320xi32, #tpu.memory_space<hbm>>
    tpu.wait_dma2 semaphore(%arg26 : memref<!tpu.dma_semaphore, #tpu.memory_space<semaphore_mem>>) src(%dma_wait3A_835 : memref<320xi32, #tpu.memory_space<hbm>>) dst(%dma_wait3A_834 : memref<320xi32, #tpu.memory_space<vmem>>)
    %dma_wait3A_836 = arith.constant 1280 : i32
    %dma_wait3A_837 = tpu.memref_slice %arg19[%dma_wait3A_836] : memref<5120xi32, #tpu.memory_space<vmem>> -> memref<320xi32, #tpu.memory_space<vmem>>
    %dma_wait3A_838 = tpu.memref_slice %arg9[%add3A_489] : memref<327680xi32, #tpu.memory_space<hbm>> -> memref<320xi32, #tpu.memory_space<hbm>>
    %dma_wait3A_839 = arith.constant 1280 : i32
    %dma_wait3A_840 = tpu.memref_slice %arg19[%dma_wait3A_839] : memref<5120xi32, #tpu.memory_space<vmem>> -> memref<320xi32, #tpu.memory_space<vmem>>
    %dma_wait3A_841 = tpu.memref_slice %arg9[%add3A_489] : memref<327680xi32, #tpu.memory_space<hbm>> -> memref<320xi32, #tpu.memory_space<hbm>>
    tpu.wait_dma2 semaphore(%arg26 : memref<!tpu.dma_semaphore, #tpu.memory_space<semaphore_mem>>) src(%dma_wait3A_841 : memref<320xi32, #tpu.memory_space<hbm>>) dst(%dma_wait3A_840 : memref<320xi32, #tpu.memory_space<vmem>>)
    %dma_wait3A_842 = arith.constant 1600 : i32
    %dma_wait3A_843 = tpu.memref_slice %arg18[%dma_wait3A_842] : memref<5120xi32, #tpu.memory_space<vmem>> -> memref<320xi32, #tpu.memory_space<vmem>>
    %dma_wait3A_844 = tpu.memref_slice %arg8[%add3A_502] : memref<327680xi32, #tpu.memory_space<hbm>> -> memref<320xi32, #tpu.memory_space<hbm>>
    %dma_wait3A_845 = arith.constant 1600 : i32
    %dma_wait3A_846 = tpu.memref_slice %arg18[%dma_wait3A_845] : memref<5120xi32, #tpu.memory_space<vmem>> -> memref<320xi32, #tpu.memory_space<vmem>>
    %dma_wait3A_847 = tpu.memref_slice %arg8[%add3A_502] : memref<327680xi32, #tpu.memory_space<hbm>> -> memref<320xi32, #tpu.memory_space<hbm>>
    tpu.wait_dma2 semaphore(%arg26 : memref<!tpu.dma_semaphore, #tpu.memory_space<semaphore_mem>>) src(%dma_wait3A_847 : memref<320xi32, #tpu.memory_space<hbm>>) dst(%dma_wait3A_846 : memref<320xi32, #tpu.memory_space<vmem>>)
    %dma_wait3A_848 = arith.constant 1600 : i32
    %dma_wait3A_849 = tpu.memref_slice %arg19[%dma_wait3A_848] : memref<5120xi32, #tpu.memory_space<vmem>> -> memref<320xi32, #tpu.memory_space<vmem>>
    %dma_wait3A_850 = tpu.memref_slice %arg9[%add3A_515] : memref<327680xi32, #tpu.memory_space<hbm>> -> memref<320xi32, #tpu.memory_space<hbm>>
    %dma_wait3A_851 = arith.constant 1600 : i32
    %dma_wait3A_852 = tpu.memref_slice %arg19[%dma_wait3A_851] : memref<5120xi32, #tpu.memory_space<vmem>> -> memref<320xi32, #tpu.memory_space<vmem>>
    %dma_wait3A_853 = tpu.memref_slice %arg9[%add3A_515] : memref<327680xi32, #tpu.memory_space<hbm>> -> memref<320xi32, #tpu.memory_space<hbm>>
    tpu.wait_dma2 semaphore(%arg26 : memref<!tpu.dma_semaphore, #tpu.memory_space<semaphore_mem>>) src(%dma_wait3A_853 : memref<320xi32, #tpu.memory_space<hbm>>) dst(%dma_wait3A_852 : memref<320xi32, #tpu.memory_space<vmem>>)
    %dma_wait3A_854 = arith.constant 1920 : i32
    %dma_wait3A_855 = tpu.memref_slice %arg18[%dma_wait3A_854] : memref<5120xi32, #tpu.memory_space<vmem>> -> memref<320xi32, #tpu.memory_space<vmem>>
    %dma_wait3A_856 = tpu.memref_slice %arg8[%add3A_528] : memref<327680xi32, #tpu.memory_space<hbm>> -> memref<320xi32, #tpu.memory_space<hbm>>
    %dma_wait3A_857 = arith.constant 1920 : i32
    %dma_wait3A_858 = tpu.memref_slice %arg18[%dma_wait3A_857] : memref<5120xi32, #tpu.memory_space<vmem>> -> memref<320xi32, #tpu.memory_space<vmem>>
    %dma_wait3A_859 = tpu.memref_slice %arg8[%add3A_528] : memref<327680xi32, #tpu.memory_space<hbm>> -> memref<320xi32, #tpu.memory_space<hbm>>
    tpu.wait_dma2 semaphore(%arg26 : memref<!tpu.dma_semaphore, #tpu.memory_space<semaphore_mem>>) src(%dma_wait3A_859 : memref<320xi32, #tpu.memory_space<hbm>>) dst(%dma_wait3A_858 : memref<320xi32, #tpu.memory_space<vmem>>)
    %dma_wait3A_860 = arith.constant 1920 : i32
    %dma_wait3A_861 = tpu.memref_slice %arg19[%dma_wait3A_860] : memref<5120xi32, #tpu.memory_space<vmem>> -> memref<320xi32, #tpu.memory_space<vmem>>
    %dma_wait3A_862 = tpu.memref_slice %arg9[%add3A_541] : memref<327680xi32, #tpu.memory_space<hbm>> -> memref<320xi32, #tpu.memory_space<hbm>>
    %dma_wait3A_863 = arith.constant 1920 : i32
    %dma_wait3A_864 = tpu.memref_slice %arg19[%dma_wait3A_863] : memref<5120xi32, #tpu.memory_space<vmem>> -> memref<320xi32, #tpu.memory_space<vmem>>
    %dma_wait3A_865 = tpu.memref_slice %arg9[%add3A_541] : memref<327680xi32, #tpu.memory_space<hbm>> -> memref<320xi32, #tpu.memory_space<hbm>>
    tpu.wait_dma2 semaphore(%arg26 : memref<!tpu.dma_semaphore, #tpu.memory_space<semaphore_mem>>) src(%dma_wait3A_865 : memref<320xi32, #tpu.memory_space<hbm>>) dst(%dma_wait3A_864 : memref<320xi32, #tpu.memory_space<vmem>>)
    %dma_wait3A_866 = arith.constant 2240 : i32
    %dma_wait3A_867 = tpu.memref_slice %arg18[%dma_wait3A_866] : memref<5120xi32, #tpu.memory_space<vmem>> -> memref<320xi32, #tpu.memory_space<vmem>>
    %dma_wait3A_868 = tpu.memref_slice %arg8[%add3A_554] : memref<327680xi32, #tpu.memory_space<hbm>> -> memref<320xi32, #tpu.memory_space<hbm>>
    %dma_wait3A_869 = arith.constant 2240 : i32
    %dma_wait3A_870 = tpu.memref_slice %arg18[%dma_wait3A_869] : memref<5120xi32, #tpu.memory_space<vmem>> -> memref<320xi32, #tpu.memory_space<vmem>>
    %dma_wait3A_871 = tpu.memref_slice %arg8[%add3A_554] : memref<327680xi32, #tpu.memory_space<hbm>> -> memref<320xi32, #tpu.memory_space<hbm>>
    tpu.wait_dma2 semaphore(%arg26 : memref<!tpu.dma_semaphore, #tpu.memory_space<semaphore_mem>>) src(%dma_wait3A_871 : memref<320xi32, #tpu.memory_space<hbm>>) dst(%dma_wait3A_870 : memref<320xi32, #tpu.memory_space<vmem>>)
    %dma_wait3A_872 = arith.constant 2240 : i32
    %dma_wait3A_873 = tpu.memref_slice %arg19[%dma_wait3A_872] : memref<5120xi32, #tpu.memory_space<vmem>> -> memref<320xi32, #tpu.memory_space<vmem>>
    %dma_wait3A_874 = tpu.memref_slice %arg9[%add3A_567] : memref<327680xi32, #tpu.memory_space<hbm>> -> memref<320xi32, #tpu.memory_space<hbm>>
    %dma_wait3A_875 = arith.constant 2240 : i32
    %dma_wait3A_876 = tpu.memref_slice %arg19[%dma_wait3A_875] : memref<5120xi32, #tpu.memory_space<vmem>> -> memref<320xi32, #tpu.memory_space<vmem>>
    %dma_wait3A_877 = tpu.memref_slice %arg9[%add3A_567] : memref<327680xi32, #tpu.memory_space<hbm>> -> memref<320xi32, #tpu.memory_space<hbm>>
    tpu.wait_dma2 semaphore(%arg26 : memref<!tpu.dma_semaphore, #tpu.memory_space<semaphore_mem>>) src(%dma_wait3A_877 : memref<320xi32, #tpu.memory_space<hbm>>) dst(%dma_wait3A_876 : memref<320xi32, #tpu.memory_space<vmem>>)
    %dma_wait3A_878 = arith.constant 2560 : i32
    %dma_wait3A_879 = tpu.memref_slice %arg18[%dma_wait3A_878] : memref<5120xi32, #tpu.memory_space<vmem>> -> memref<320xi32, #tpu.memory_space<vmem>>
    %dma_wait3A_880 = tpu.memref_slice %arg8[%add3A_580] : memref<327680xi32, #tpu.memory_space<hbm>> -> memref<320xi32, #tpu.memory_space<hbm>>
    %dma_wait3A_881 = arith.constant 2560 : i32
    %dma_wait3A_882 = tpu.memref_slice %arg18[%dma_wait3A_881] : memref<5120xi32, #tpu.memory_space<vmem>> -> memref<320xi32, #tpu.memory_space<vmem>>
    %dma_wait3A_883 = tpu.memref_slice %arg8[%add3A_580] : memref<327680xi32, #tpu.memory_space<hbm>> -> memref<320xi32, #tpu.memory_space<hbm>>
    tpu.wait_dma2 semaphore(%arg26 : memref<!tpu.dma_semaphore, #tpu.memory_space<semaphore_mem>>) src(%dma_wait3A_883 : memref<320xi32, #tpu.memory_space<hbm>>) dst(%dma_wait3A_882 : memref<320xi32, #tpu.memory_space<vmem>>)
    %dma_wait3A_884 = arith.constant 2560 : i32
    %dma_wait3A_885 = tpu.memref_slice %arg19[%dma_wait3A_884] : memref<5120xi32, #tpu.memory_space<vmem>> -> memref<320xi32, #tpu.memory_space<vmem>>
    %dma_wait3A_886 = tpu.memref_slice %arg9[%add3A_593] : memref<327680xi32, #tpu.memory_space<hbm>> -> memref<320xi32, #tpu.memory_space<hbm>>
    %dma_wait3A_887 = arith.constant 2560 : i32
    %dma_wait3A_888 = tpu.memref_slice %arg19[%dma_wait3A_887] : memref<5120xi32, #tpu.memory_space<vmem>> -> memref<320xi32, #tpu.memory_space<vmem>>
    %dma_wait3A_889 = tpu.memref_slice %arg9[%add3A_593] : memref<327680xi32, #tpu.memory_space<hbm>> -> memref<320xi32, #tpu.memory_space<hbm>>
    tpu.wait_dma2 semaphore(%arg26 : memref<!tpu.dma_semaphore, #tpu.memory_space<semaphore_mem>>) src(%dma_wait3A_889 : memref<320xi32, #tpu.memory_space<hbm>>) dst(%dma_wait3A_888 : memref<320xi32, #tpu.memory_space<vmem>>)
    %dma_wait3A_890 = arith.constant 2880 : i32
    %dma_wait3A_891 = tpu.memref_slice %arg18[%dma_wait3A_890] : memref<5120xi32, #tpu.memory_space<vmem>> -> memref<320xi32, #tpu.memory_space<vmem>>
    %dma_wait3A_892 = tpu.memref_slice %arg8[%add3A_606] : memref<327680xi32, #tpu.memory_space<hbm>> -> memref<320xi32, #tpu.memory_space<hbm>>
    %dma_wait3A_893 = arith.constant 2880 : i32
    %dma_wait3A_894 = tpu.memref_slice %arg18[%dma_wait3A_893] : memref<5120xi32, #tpu.memory_space<vmem>> -> memref<320xi32, #tpu.memory_space<vmem>>
    %dma_wait3A_895 = tpu.memref_slice %arg8[%add3A_606] : memref<327680xi32, #tpu.memory_space<hbm>> -> memref<320xi32, #tpu.memory_space<hbm>>
    tpu.wait_dma2 semaphore(%arg26 : memref<!tpu.dma_semaphore, #tpu.memory_space<semaphore_mem>>) src(%dma_wait3A_895 : memref<320xi32, #tpu.memory_space<hbm>>) dst(%dma_wait3A_894 : memref<320xi32, #tpu.memory_space<vmem>>)
    %dma_wait3A_896 = arith.constant 2880 : i32
    %dma_wait3A_897 = tpu.memref_slice %arg19[%dma_wait3A_896] : memref<5120xi32, #tpu.memory_space<vmem>> -> memref<320xi32, #tpu.memory_space<vmem>>
    %dma_wait3A_898 = tpu.memref_slice %arg9[%add3A_619] : memref<327680xi32, #tpu.memory_space<hbm>> -> memref<320xi32, #tpu.memory_space<hbm>>
    %dma_wait3A_899 = arith.constant 2880 : i32
    %dma_wait3A_900 = tpu.memref_slice %arg19[%dma_wait3A_899] : memref<5120xi32, #tpu.memory_space<vmem>> -> memref<320xi32, #tpu.memory_space<vmem>>
    %dma_wait3A_901 = tpu.memref_slice %arg9[%add3A_619] : memref<327680xi32, #tpu.memory_space<hbm>> -> memref<320xi32, #tpu.memory_space<hbm>>
    tpu.wait_dma2 semaphore(%arg26 : memref<!tpu.dma_semaphore, #tpu.memory_space<semaphore_mem>>) src(%dma_wait3A_901 : memref<320xi32, #tpu.memory_space<hbm>>) dst(%dma_wait3A_900 : memref<320xi32, #tpu.memory_space<vmem>>)
    %dma_wait3A_902 = arith.constant 3200 : i32
    %dma_wait3A_903 = tpu.memref_slice %arg18[%dma_wait3A_902] : memref<5120xi32, #tpu.memory_space<vmem>> -> memref<320xi32, #tpu.memory_space<vmem>>
    %dma_wait3A_904 = tpu.memref_slice %arg8[%add3A_632] : memref<327680xi32, #tpu.memory_space<hbm>> -> memref<320xi32, #tpu.memory_space<hbm>>
    %dma_wait3A_905 = arith.constant 3200 : i32
    %dma_wait3A_906 = tpu.memref_slice %arg18[%dma_wait3A_905] : memref<5120xi32, #tpu.memory_space<vmem>> -> memref<320xi32, #tpu.memory_space<vmem>>
    %dma_wait3A_907 = tpu.memref_slice %arg8[%add3A_632] : memref<327680xi32, #tpu.memory_space<hbm>> -> memref<320xi32, #tpu.memory_space<hbm>>
    tpu.wait_dma2 semaphore(%arg26 : memref<!tpu.dma_semaphore, #tpu.memory_space<semaphore_mem>>) src(%dma_wait3A_907 : memref<320xi32, #tpu.memory_space<hbm>>) dst(%dma_wait3A_906 : memref<320xi32, #tpu.memory_space<vmem>>)
    %dma_wait3A_908 = arith.constant 3200 : i32
    %dma_wait3A_909 = tpu.memref_slice %arg19[%dma_wait3A_908] : memref<5120xi32, #tpu.memory_space<vmem>> -> memref<320xi32, #tpu.memory_space<vmem>>
    %dma_wait3A_910 = tpu.memref_slice %arg9[%add3A_645] : memref<327680xi32, #tpu.memory_space<hbm>> -> memref<320xi32, #tpu.memory_space<hbm>>
    %dma_wait3A_911 = arith.constant 3200 : i32
    %dma_wait3A_912 = tpu.memref_slice %arg19[%dma_wait3A_911] : memref<5120xi32, #tpu.memory_space<vmem>> -> memref<320xi32, #tpu.memory_space<vmem>>
    %dma_wait3A_913 = tpu.memref_slice %arg9[%add3A_645] : memref<327680xi32, #tpu.memory_space<hbm>> -> memref<320xi32, #tpu.memory_space<hbm>>
    tpu.wait_dma2 semaphore(%arg26 : memref<!tpu.dma_semaphore, #tpu.memory_space<semaphore_mem>>) src(%dma_wait3A_913 : memref<320xi32, #tpu.memory_space<hbm>>) dst(%dma_wait3A_912 : memref<320xi32, #tpu.memory_space<vmem>>)
    %dma_wait3A_914 = arith.constant 3520 : i32
    %dma_wait3A_915 = tpu.memref_slice %arg18[%dma_wait3A_914] : memref<5120xi32, #tpu.memory_space<vmem>> -> memref<320xi32, #tpu.memory_space<vmem>>
    %dma_wait3A_916 = tpu.memref_slice %arg8[%add3A_658] : memref<327680xi32, #tpu.memory_space<hbm>> -> memref<320xi32, #tpu.memory_space<hbm>>
    %dma_wait3A_917 = arith.constant 3520 : i32
    %dma_wait3A_918 = tpu.memref_slice %arg18[%dma_wait3A_917] : memref<5120xi32, #tpu.memory_space<vmem>> -> memref<320xi32, #tpu.memory_space<vmem>>
    %dma_wait3A_919 = tpu.memref_slice %arg8[%add3A_658] : memref<327680xi32, #tpu.memory_space<hbm>> -> memref<320xi32, #tpu.memory_space<hbm>>
    tpu.wait_dma2 semaphore(%arg26 : memref<!tpu.dma_semaphore, #tpu.memory_space<semaphore_mem>>) src(%dma_wait3A_919 : memref<320xi32, #tpu.memory_space<hbm>>) dst(%dma_wait3A_918 : memref<320xi32, #tpu.memory_space<vmem>>)
    %dma_wait3A_920 = arith.constant 3520 : i32
    %dma_wait3A_921 = tpu.memref_slice %arg19[%dma_wait3A_920] : memref<5120xi32, #tpu.memory_space<vmem>> -> memref<320xi32, #tpu.memory_space<vmem>>
    %dma_wait3A_922 = tpu.memref_slice %arg9[%add3A_671] : memref<327680xi32, #tpu.memory_space<hbm>> -> memref<320xi32, #tpu.memory_space<hbm>>
    %dma_wait3A_923 = arith.constant 3520 : i32
    %dma_wait3A_924 = tpu.memref_slice %arg19[%dma_wait3A_923] : memref<5120xi32, #tpu.memory_space<vmem>> -> memref<320xi32, #tpu.memory_space<vmem>>
    %dma_wait3A_925 = tpu.memref_slice %arg9[%add3A_671] : memref<327680xi32, #tpu.memory_space<hbm>> -> memref<320xi32, #tpu.memory_space<hbm>>
    tpu.wait_dma2 semaphore(%arg26 : memref<!tpu.dma_semaphore, #tpu.memory_space<semaphore_mem>>) src(%dma_wait3A_925 : memref<320xi32, #tpu.memory_space<hbm>>) dst(%dma_wait3A_924 : memref<320xi32, #tpu.memory_space<vmem>>)
    %dma_wait3A_926 = arith.constant 3840 : i32
    %dma_wait3A_927 = tpu.memref_slice %arg18[%dma_wait3A_926] : memref<5120xi32, #tpu.memory_space<vmem>> -> memref<320xi32, #tpu.memory_space<vmem>>
    %dma_wait3A_928 = tpu.memref_slice %arg8[%add3A_684] : memref<327680xi32, #tpu.memory_space<hbm>> -> memref<320xi32, #tpu.memory_space<hbm>>
    %dma_wait3A_929 = arith.constant 3840 : i32
    %dma_wait3A_930 = tpu.memref_slice %arg18[%dma_wait3A_929] : memref<5120xi32, #tpu.memory_space<vmem>> -> memref<320xi32, #tpu.memory_space<vmem>>
    %dma_wait3A_931 = tpu.memref_slice %arg8[%add3A_684] : memref<327680xi32, #tpu.memory_space<hbm>> -> memref<320xi32, #tpu.memory_space<hbm>>
    tpu.wait_dma2 semaphore(%arg26 : memref<!tpu.dma_semaphore, #tpu.memory_space<semaphore_mem>>) src(%dma_wait3A_931 : memref<320xi32, #tpu.memory_space<hbm>>) dst(%dma_wait3A_930 : memref<320xi32, #tpu.memory_space<vmem>>)
    %dma_wait3A_932 = arith.constant 3840 : i32
    %dma_wait3A_933 = tpu.memref_slice %arg19[%dma_wait3A_932] : memref<5120xi32, #tpu.memory_space<vmem>> -> memref<320xi32, #tpu.memory_space<vmem>>
    %dma_wait3A_934 = tpu.memref_slice %arg9[%add3A_697] : memref<327680xi32, #tpu.memory_space<hbm>> -> memref<320xi32, #tpu.memory_space<hbm>>
    %dma_wait3A_935 = arith.constant 3840 : i32
    %dma_wait3A_936 = tpu.memref_slice %arg19[%dma_wait3A_935] : memref<5120xi32, #tpu.memory_space<vmem>> -> memref<320xi32, #tpu.memory_space<vmem>>
    %dma_wait3A_937 = tpu.memref_slice %arg9[%add3A_697] : memref<327680xi32, #tpu.memory_space<hbm>> -> memref<320xi32, #tpu.memory_space<hbm>>
    tpu.wait_dma2 semaphore(%arg26 : memref<!tpu.dma_semaphore, #tpu.memory_space<semaphore_mem>>) src(%dma_wait3A_937 : memref<320xi32, #tpu.memory_space<hbm>>) dst(%dma_wait3A_936 : memref<320xi32, #tpu.memory_space<vmem>>)
    %dma_wait3A_938 = arith.constant 4160 : i32
    %dma_wait3A_939 = tpu.memref_slice %arg18[%dma_wait3A_938] : memref<5120xi32, #tpu.memory_space<vmem>> -> memref<320xi32, #tpu.memory_space<vmem>>
    %dma_wait3A_940 = tpu.memref_slice %arg8[%add3A_710] : memref<327680xi32, #tpu.memory_space<hbm>> -> memref<320xi32, #tpu.memory_space<hbm>>
    %dma_wait3A_941 = arith.constant 4160 : i32
    %dma_wait3A_942 = tpu.memref_slice %arg18[%dma_wait3A_941] : memref<5120xi32, #tpu.memory_space<vmem>> -> memref<320xi32, #tpu.memory_space<vmem>>
    %dma_wait3A_943 = tpu.memref_slice %arg8[%add3A_710] : memref<327680xi32, #tpu.memory_space<hbm>> -> memref<320xi32, #tpu.memory_space<hbm>>
    tpu.wait_dma2 semaphore(%arg26 : memref<!tpu.dma_semaphore, #tpu.memory_space<semaphore_mem>>) src(%dma_wait3A_943 : memref<320xi32, #tpu.memory_space<hbm>>) dst(%dma_wait3A_942 : memref<320xi32, #tpu.memory_space<vmem>>)
    %dma_wait3A_944 = arith.constant 4160 : i32
    %dma_wait3A_945 = tpu.memref_slice %arg19[%dma_wait3A_944] : memref<5120xi32, #tpu.memory_space<vmem>> -> memref<320xi32, #tpu.memory_space<vmem>>
    %dma_wait3A_946 = tpu.memref_slice %arg9[%add3A_723] : memref<327680xi32, #tpu.memory_space<hbm>> -> memref<320xi32, #tpu.memory_space<hbm>>
    %dma_wait3A_947 = arith.constant 4160 : i32
    %dma_wait3A_948 = tpu.memref_slice %arg19[%dma_wait3A_947] : memref<5120xi32, #tpu.memory_space<vmem>> -> memref<320xi32, #tpu.memory_space<vmem>>
    %dma_wait3A_949 = tpu.memref_slice %arg9[%add3A_723] : memref<327680xi32, #tpu.memory_space<hbm>> -> memref<320xi32, #tpu.memory_space<hbm>>
    tpu.wait_dma2 semaphore(%arg26 : memref<!tpu.dma_semaphore, #tpu.memory_space<semaphore_mem>>) src(%dma_wait3A_949 : memref<320xi32, #tpu.memory_space<hbm>>) dst(%dma_wait3A_948 : memref<320xi32, #tpu.memory_space<vmem>>)
    %dma_wait3A_950 = arith.constant 4480 : i32
    %dma_wait3A_951 = tpu.memref_slice %arg18[%dma_wait3A_950] : memref<5120xi32, #tpu.memory_space<vmem>> -> memref<320xi32, #tpu.memory_space<vmem>>
    %dma_wait3A_952 = tpu.memref_slice %arg8[%add3A_736] : memref<327680xi32, #tpu.memory_space<hbm>> -> memref<320xi32, #tpu.memory_space<hbm>>
    %dma_wait3A_953 = arith.constant 4480 : i32
    %dma_wait3A_954 = tpu.memref_slice %arg18[%dma_wait3A_953] : memref<5120xi32, #tpu.memory_space<vmem>> -> memref<320xi32, #tpu.memory_space<vmem>>
    %dma_wait3A_955 = tpu.memref_slice %arg8[%add3A_736] : memref<327680xi32, #tpu.memory_space<hbm>> -> memref<320xi32, #tpu.memory_space<hbm>>
    tpu.wait_dma2 semaphore(%arg26 : memref<!tpu.dma_semaphore, #tpu.memory_space<semaphore_mem>>) src(%dma_wait3A_955 : memref<320xi32, #tpu.memory_space<hbm>>) dst(%dma_wait3A_954 : memref<320xi32, #tpu.memory_space<vmem>>)
    %dma_wait3A_956 = arith.constant 4480 : i32
    %dma_wait3A_957 = tpu.memref_slice %arg19[%dma_wait3A_956] : memref<5120xi32, #tpu.memory_space<vmem>> -> memref<320xi32, #tpu.memory_space<vmem>>
    %dma_wait3A_958 = tpu.memref_slice %arg9[%add3A_749] : memref<327680xi32, #tpu.memory_space<hbm>> -> memref<320xi32, #tpu.memory_space<hbm>>
    %dma_wait3A_959 = arith.constant 4480 : i32
    %dma_wait3A_960 = tpu.memref_slice %arg19[%dma_wait3A_959] : memref<5120xi32, #tpu.memory_space<vmem>> -> memref<320xi32, #tpu.memory_space<vmem>>
    %dma_wait3A_961 = tpu.memref_slice %arg9[%add3A_749] : memref<327680xi32, #tpu.memory_space<hbm>> -> memref<320xi32, #tpu.memory_space<hbm>>
    tpu.wait_dma2 semaphore(%arg26 : memref<!tpu.dma_semaphore, #tpu.memory_space<semaphore_mem>>) src(%dma_wait3A_961 : memref<320xi32, #tpu.memory_space<hbm>>) dst(%dma_wait3A_960 : memref<320xi32, #tpu.memory_space<vmem>>)
    %dma_wait3A_962 = arith.constant 4800 : i32
    %dma_wait3A_963 = tpu.memref_slice %arg18[%dma_wait3A_962] : memref<5120xi32, #tpu.memory_space<vmem>> -> memref<320xi32, #tpu.memory_space<vmem>>
    %dma_wait3A_964 = tpu.memref_slice %arg8[%add3A_762] : memref<327680xi32, #tpu.memory_space<hbm>> -> memref<320xi32, #tpu.memory_space<hbm>>
    %dma_wait3A_965 = arith.constant 4800 : i32
    %dma_wait3A_966 = tpu.memref_slice %arg18[%dma_wait3A_965] : memref<5120xi32, #tpu.memory_space<vmem>> -> memref<320xi32, #tpu.memory_space<vmem>>
    %dma_wait3A_967 = tpu.memref_slice %arg8[%add3A_762] : memref<327680xi32, #tpu.memory_space<hbm>> -> memref<320xi32, #tpu.memory_space<hbm>>
    tpu.wait_dma2 semaphore(%arg26 : memref<!tpu.dma_semaphore, #tpu.memory_space<semaphore_mem>>) src(%dma_wait3A_967 : memref<320xi32, #tpu.memory_space<hbm>>) dst(%dma_wait3A_966 : memref<320xi32, #tpu.memory_space<vmem>>)
    %dma_wait3A_968 = arith.constant 4800 : i32
    %dma_wait3A_969 = tpu.memref_slice %arg19[%dma_wait3A_968] : memref<5120xi32, #tpu.memory_space<vmem>> -> memref<320xi32, #tpu.memory_space<vmem>>
    %dma_wait3A_970 = tpu.memref_slice %arg9[%add3A_775] : memref<327680xi32, #tpu.memory_space<hbm>> -> memref<320xi32, #tpu.memory_space<hbm>>
    %dma_wait3A_971 = arith.constant 4800 : i32
    %dma_wait3A_972 = tpu.memref_slice %arg19[%dma_wait3A_971] : memref<5120xi32, #tpu.memory_space<vmem>> -> memref<320xi32, #tpu.memory_space<vmem>>
    %dma_wait3A_973 = tpu.memref_slice %arg9[%add3A_775] : memref<327680xi32, #tpu.memory_space<hbm>> -> memref<320xi32, #tpu.memory_space<hbm>>
    tpu.wait_dma2 semaphore(%arg26 : memref<!tpu.dma_semaphore, #tpu.memory_space<semaphore_mem>>) src(%dma_wait3A_973 : memref<320xi32, #tpu.memory_space<hbm>>) dst(%dma_wait3A_972 : memref<320xi32, #tpu.memory_space<vmem>>)
    %scan3A_974 = arith.constant 0 : i32
    %scan3A_975 = arith.constant 0 : i32
    %scan3A_976 = arith.constant 320 : i32
    %scan3A_977 = arith.addi %scan3A_975, %scan3A_976 : i32
    %scan3A_978 = arith.constant 1 : i32
    %scan3A_979 = scf.for %scan3A_1048 = %scan3A_975 to %scan3A_977 step %scan3A_978 iter_args(%scan3A_1049 = %scan3A_974) -> (i32)  : i32 {
      %jit3A = arith.constant 20 : i32
      %eq3A = arith.constant 0 : i32
      %eq3A_1050 = arith.cmpi eq, %jit3A, %eq3A : i32
      %jit3A_1051 = arith.constant 1 : i32
      %select_n3A = arith.select %eq3A_1050, %jit3A_1051, %jit3A : i32
      %rem3A = arith.remsi %scan3A_1048, %select_n3A : i32
      %ne3A = arith.constant 0 : i32
      %ne3A_1052 = arith.cmpi ne, %rem3A, %ne3A : i32
      %lt3A = arith.constant 0 : i32
      %lt3A_1053 = arith.cmpi slt, %rem3A, %lt3A : i32
      %lt3A_1054 = arith.constant 0 : i32
      %lt3A_1055 = arith.cmpi slt, %select_n3A, %lt3A_1054 : i32
      %ne3A_1056 = arith.xori %lt3A_1053, %lt3A_1055 : i1
      %and3A = arith.andi %ne3A_1056, %ne3A_1052 : i1
      %add3A_1057 = arith.addi %rem3A, %select_n3A : i32
      %select_n3A_1058 = arith.select %and3A, %add3A_1057, %rem3A : i32
      %mul3A_1059 = arith.constant 16 : i32
      %mul3A_1060 = arith.muli %select_n3A_1058, %mul3A_1059 : i32
      %add3A_1061 = arith.addi %add3A_5, %mul3A_1060 : i32
      %jit3A_1062 = arith.constant 20 : i32
      %div3A = arith.divsi %scan3A_1048, %jit3A_1062 : i32
      %sign3A = arith.constant 0 : i32
      %sign3A_1063 = arith.cmpi sgt, %scan3A_1048, %sign3A : i32
      %sign3A_1064 = arith.extui %sign3A_1063 : i1 to i32
      %sign3A_1065 = arith.constant 0 : i32
      %sign3A_1066 = arith.cmpi slt, %scan3A_1048, %sign3A_1065 : i32
      %sign3A_1067 = arith.extui %sign3A_1066 : i1 to i32
      %sign3A_1068 = arith.subi %sign3A_1064, %sign3A_1067 : i32
      %sign3A_1069 = arith.constant 0 : i32
      %sign3A_1070 = arith.cmpi sgt, %jit3A_1062, %sign3A_1069 : i32
      %sign3A_1071 = arith.extui %sign3A_1070 : i1 to i32
      %sign3A_1072 = arith.constant 0 : i32
      %sign3A_1073 = arith.cmpi slt, %jit3A_1062, %sign3A_1072 : i32
      %sign3A_1074 = arith.extui %sign3A_1073 : i1 to i32
      %sign3A_1075 = arith.subi %sign3A_1071, %sign3A_1074 : i32
      %ne3A_1076 = arith.cmpi ne, %sign3A_1068, %sign3A_1075 : i32
      %rem3A_1077 = arith.remsi %scan3A_1048, %jit3A_1062 : i32
      %ne3A_1078 = arith.constant 0 : i32
      %ne3A_1079 = arith.cmpi ne, %rem3A_1077, %ne3A_1078 : i32
      %and3A_1080 = arith.andi %ne3A_1076, %ne3A_1079 : i1
      %sub3A = arith.constant 1 : i32
      %sub3A_1081 = arith.subi %div3A, %sub3A : i32
      %select_n3A_1082 = arith.select %and3A_1080, %sub3A_1081, %div3A : i32
      %mul3A_1083 = arith.constant 320 : i32
      %mul3A_1084 = arith.muli %select_n3A_1082, %mul3A_1083 : i32
      %jit3A_1085 = arith.constant 20 : i32
      %eq3A_1086 = arith.constant 0 : i32
      %eq3A_1087 = arith.cmpi eq, %jit3A_1085, %eq3A_1086 : i32
      %jit3A_1088 = arith.constant 1 : i32
      %select_n3A_1089 = arith.select %eq3A_1087, %jit3A_1088, %jit3A_1085 : i32
      %rem3A_1090 = arith.remsi %scan3A_1048, %select_n3A_1089 : i32
      %ne3A_1091 = arith.constant 0 : i32
      %ne3A_1092 = arith.cmpi ne, %rem3A_1090, %ne3A_1091 : i32
      %lt3A_1093 = arith.constant 0 : i32
      %lt3A_1094 = arith.cmpi slt, %rem3A_1090, %lt3A_1093 : i32
      %lt3A_1095 = arith.constant 0 : i32
      %lt3A_1096 = arith.cmpi slt, %select_n3A_1089, %lt3A_1095 : i32
      %ne3A_1097 = arith.xori %lt3A_1094, %lt3A_1096 : i1
      %and3A_1098 = arith.andi %ne3A_1097, %ne3A_1092 : i1
      %add3A_1099 = arith.addi %rem3A_1090, %select_n3A_1089 : i32
      %select_n3A_1100 = arith.select %and3A_1098, %add3A_1099, %rem3A_1090 : i32
      %mul3A_1101 = arith.constant 16 : i32
      %mul3A_1102 = arith.muli %select_n3A_1100, %mul3A_1101 : i32
      %add3A_1103 = arith.addi %mul3A_1084, %mul3A_1102 : i32
      %get3A = arith.index_cast %add3A_1103 : i32 to index
      %get3A_1104 = tpu.vector_load %arg18[%get3A] {strides = array<i32>} : memref<5120xi32, #tpu.memory_space<vmem>>, vector<16xi32>,
      %get3A_1105 = arith.index_cast %add3A_1061 : i32 to index
      %get3A_1106 = tpu.vector_load %arg15[%get3A_1105] {strides = array<i32>} : memref<10256xi32, #tpu.memory_space<vmem>>, vector<16xi32>,
      %lt3A_1107 = arith.cmpi slt, %get3A_1104, %get3A_1106 : vector<16xi32>
      %select_n3A_1108 = arith.select %lt3A_1107, %get3A_1104, %get3A_1106 : vector<16xi1>, vector<16xi32>
      %swap3A = arith.index_cast %add3A_1061 : i32 to index
      %swap3A_1109 = tpu.vector_load %arg15[%swap3A] {strides = array<i32>} : memref<10256xi32, #tpu.memory_space<vmem>>, vector<16xi32>,
      tpu.vector_store %arg15[%swap3A], %select_n3A_1108 {strides = array<i32>} : memref<10256xi32, #tpu.memory_space<vmem>>, vector<16xi32>,
      %get3A_1110 = arith.index_cast %add3A_1103 : i32 to index
      %get3A_1111 = tpu.vector_load %arg19[%get3A_1110] {strides = array<i32>} : memref<5120xi32, #tpu.memory_space<vmem>>, vector<16xi32>,
      %get3A_1112 = arith.index_cast %add3A_1061 : i32 to index
      %get3A_1113 = tpu.vector_load %arg16[%get3A_1112] {strides = array<i32>} : memref<10240xi32, #tpu.memory_space<vmem>>, vector<16xi32>,
      %select_n3A_1114 = arith.select %lt3A_1107, %get3A_1111, %get3A_1113 : vector<16xi1>, vector<16xi32>
      %swap3A_1115 = arith.index_cast %add3A_1061 : i32 to index
      %swap3A_1116 = tpu.vector_load %arg16[%swap3A_1115] {strides = array<i32>} : memref<10240xi32, #tpu.memory_space<vmem>>, vector<16xi32>,
      tpu.vector_store %arg16[%swap3A_1115], %select_n3A_1114 {strides = array<i32>} : memref<10240xi32, #tpu.memory_space<vmem>>, vector<16xi32>,
      %scan3A_1117 = arith.constant 0 : i32
      scf.yield %scan3A_1117 : i32
    }
    %scan3A_980 = arith.constant 320 : i32
    %scan3A_981 = arith.constant 0 : i32
    %scan3A_982 = arith.constant 0 : i32
    %scan3A_983 = arith.constant 20 : i32
    %scan3A_984 = arith.addi %scan3A_982, %scan3A_983 : i32
    %scan3A_985 = arith.constant 1 : i32
    %scan3A_986 = scf.for %scan3A_1048 = %scan3A_982 to %scan3A_984 step %scan3A_985 iter_args(%scan3A_1049 = %scan3A_981) -> (i32)  : i32 {
      %mul3A_1050 = arith.constant 16 : i32
      %mul3A_1051 = arith.muli %scan3A_1048, %mul3A_1050 : i32
      %mul3A_1052 = arith.constant 16 : i32
      %mul3A_1053 = arith.muli %scan3A_1048, %mul3A_1052 : i32
      %add3A_1054 = arith.addi %add3A_5, %mul3A_1053 : i32
      %get3A = arith.index_cast %add3A_1054 : i32 to index
      %get3A_1055 = tpu.vector_load %arg15[%get3A] {strides = array<i32>} : memref<10256xi32, #tpu.memory_space<vmem>>, vector<16xi32>,
      %lt3A = arith.constant 320000 : i32
      %lt3A_1056 = vector.broadcast %lt3A : i32 to vector<16xi32>
      %lt3A_1057 = arith.cmpi slt, %get3A_1055, %lt3A_1056 : vector<16xi32>
      %mul3A_1058 = arith.constant 16 : i32
      %mul3A_1059 = arith.muli %scan3A_1048, %mul3A_1058 : i32
      %add3A_1060 = arith.addi %add3A_5, %mul3A_1059 : i32
      %add3A_1061 = vector.broadcast %add3A_1060 : i32 to vector<16xi32>
      %add3A_1062 = arith.addi %add3A_1061, %iota3A : vector<16xi32>
      %get3A_1063 = arith.index_cast %add3A_1054 : i32 to index
      %get3A_1064 = tpu.vector_load %arg16[%get3A_1063] {strides = array<i32>} : memref<10240xi32, #tpu.memory_space<vmem>>, vector<16xi32>,
      %select_n3A = arith.select %lt3A_1057, %get3A_1064, %add3A_1062 : vector<16xi1>, vector<16xi32>
      %swap3A = arith.index_cast %mul3A_1051 : i32 to index
      %swap3A_1065 = tpu.vector_load %arg20[%swap3A] {strides = array<i32>} : memref<320xi32, #tpu.memory_space<vmem>>, vector<16xi32>,
      tpu.vector_store %arg20[%swap3A], %select_n3A {strides = array<i32>} : memref<320xi32, #tpu.memory_space<vmem>>, vector<16xi32>,
      %scan3A_1066 = arith.constant 0 : i32
      scf.yield %scan3A_1066 : i32
    }
    %scan3A_987 = arith.constant 20 : i32
    %dma_start3A_988 = arith.constant 0 : i32
    %dma_start3A_989 = tpu.memref_slice %arg20[%dma_start3A_988] : memref<320xi32, #tpu.memory_space<vmem>> -> memref<64xi32, #tpu.memory_space<vmem>>
    %dma_start3A_990 = arith.constant 0 : i32
    %dma_start3A_991 = arith.constant 0 : i32
    %dma_start3A_992 = tpu.memref_slice %arg5[%dma_start3A_990, %dma_start3A_991] : memref<10240x128xf32, #tpu.memory_space<hbm>> -> memref<10240x128xf32, #tpu.memory_space<hbm>>
    tpu.enqueue_indirect_dma source(%dma_start3A_992 : memref<10240x128xf32, #tpu.memory_space<hbm>>) target(%arg21 : memref<64x128xf32, #tpu.memory_space<vmem>>) offsets(%dma_start3A_989 : memref<64xi32, #tpu.memory_space<vmem>>) semaphore(%arg26 : memref<!tpu.dma_semaphore, #tpu.memory_space<semaphore_mem>>)
    %dma_wait3A_993 = arith.constant 0 : i32
    %dma_wait3A_994 = tpu.memref_slice %arg20[%dma_wait3A_993] : memref<320xi32, #tpu.memory_space<vmem>> -> memref<64xi32, #tpu.memory_space<vmem>>
    %dma_wait3A_995 = arith.constant 0 : i32
    %dma_wait3A_996 = arith.constant 0 : i32
    %dma_wait3A_997 = tpu.memref_slice %arg5[%dma_wait3A_995, %dma_wait3A_996] : memref<10240x128xf32, #tpu.memory_space<hbm>> -> memref<10240x128xf32, #tpu.memory_space<hbm>>
    tpu.wait_indirect_dma semaphore(%arg26 : memref<!tpu.dma_semaphore, #tpu.memory_space<semaphore_mem>>) src(%dma_wait3A_997 : memref<10240x128xf32, #tpu.memory_space<hbm>>) dst(%arg21 : memref<64x128xf32, #tpu.memory_space<vmem>>)
    %dma_start3A_998 = arith.constant 64 : i32
    %dma_start3A_999 = tpu.memref_slice %arg20[%dma_start3A_998] : memref<320xi32, #tpu.memory_space<vmem>> -> memref<64xi32, #tpu.memory_space<vmem>>
    %dma_start3A_1000 = arith.constant 0 : i32
    %dma_start3A_1001 = arith.constant 0 : i32
    %dma_start3A_1002 = tpu.memref_slice %arg5[%dma_start3A_1000, %dma_start3A_1001] : memref<10240x128xf32, #tpu.memory_space<hbm>> -> memref<10240x128xf32, #tpu.memory_space<hbm>>
    tpu.enqueue_indirect_dma source(%dma_start3A_1002 : memref<10240x128xf32, #tpu.memory_space<hbm>>) target(%arg22 : memref<64x128xf32, #tpu.memory_space<vmem>>) offsets(%dma_start3A_999 : memref<64xi32, #tpu.memory_space<vmem>>) semaphore(%arg26 : memref<!tpu.dma_semaphore, #tpu.memory_space<semaphore_mem>>)
    %add3A_1003 = arith.constant 0 : i32
    %add3A_1004 = arith.addi %add3A_5, %add3A_1003 : i32
    "tpu.region"() ({
      %run_scoped3A = tpu.sem_alloc : memref<!tpu.dma_semaphore, #tpu.memory_space<semaphore_mem>>
      %dma_start3A_1048 = arith.constant 0 : i32
      %dma_start3A_1049 = tpu.memref_slice %arg6[%add3A_1004, %dma_start3A_1048] : memref<10240x128xf32, #tpu.memory_space<hbm>> -> memref<64x128xf32, #tpu.memory_space<hbm>>
      %dma_start3A_1050 = arith.constant 0 : i32
      %dma_start3A_1051 = tpu.memref_slice %arg6[%add3A_1004, %dma_start3A_1050] : memref<10240x128xf32, #tpu.memory_space<hbm>> -> memref<64x128xf32, #tpu.memory_space<hbm>>
      tpu.enqueue_dma source(%arg21 : memref<64x128xf32, #tpu.memory_space<vmem>>) target(%dma_start3A_1051 : memref<64x128xf32, #tpu.memory_space<hbm>>) target_semaphore(%run_scoped3A : memref<!tpu.dma_semaphore, #tpu.memory_space<semaphore_mem>>)
      %dma_wait3A_1052 = arith.constant 0 : i32
      %dma_wait3A_1053 = tpu.memref_slice %arg6[%add3A_1004, %dma_wait3A_1052] : memref<10240x128xf32, #tpu.memory_space<hbm>> -> memref<64x128xf32, #tpu.memory_space<hbm>>
      %dma_wait3A_1054 = arith.constant 0 : i32
      %dma_wait3A_1055 = tpu.memref_slice %arg6[%add3A_1004, %dma_wait3A_1054] : memref<10240x128xf32, #tpu.memory_space<hbm>> -> memref<64x128xf32, #tpu.memory_space<hbm>>
      tpu.wait_dma2 semaphore(%run_scoped3A : memref<!tpu.dma_semaphore, #tpu.memory_space<semaphore_mem>>) src(%arg21 : memref<64x128xf32, #tpu.memory_space<vmem>>) dst(%dma_wait3A_1055 : memref<64x128xf32, #tpu.memory_space<hbm>>)
      tpu.yield
    }) : () -> ()
    %dma_wait3A_1005 = arith.constant 64 : i32
    %dma_wait3A_1006 = tpu.memref_slice %arg20[%dma_wait3A_1005] : memref<320xi32, #tpu.memory_space<vmem>> -> memref<64xi32, #tpu.memory_space<vmem>>
    %dma_wait3A_1007 = arith.constant 0 : i32
    %dma_wait3A_1008 = arith.constant 0 : i32
    %dma_wait3A_1009 = tpu.memref_slice %arg5[%dma_wait3A_1007, %dma_wait3A_1008] : memref<10240x128xf32, #tpu.memory_space<hbm>> -> memref<10240x128xf32, #tpu.memory_space<hbm>>
    tpu.wait_indirect_dma semaphore(%arg26 : memref<!tpu.dma_semaphore, #tpu.memory_space<semaphore_mem>>) src(%dma_wait3A_1009 : memref<10240x128xf32, #tpu.memory_space<hbm>>) dst(%arg22 : memref<64x128xf32, #tpu.memory_space<vmem>>)
    %dma_start3A_1010 = arith.constant 128 : i32
    %dma_start3A_1011 = tpu.memref_slice %arg20[%dma_start3A_1010] : memref<320xi32, #tpu.memory_space<vmem>> -> memref<64xi32, #tpu.memory_space<vmem>>
    %dma_start3A_1012 = arith.constant 0 : i32
    %dma_start3A_1013 = arith.constant 0 : i32
    %dma_start3A_1014 = tpu.memref_slice %arg5[%dma_start3A_1012, %dma_start3A_1013] : memref<10240x128xf32, #tpu.memory_space<hbm>> -> memref<10240x128xf32, #tpu.memory_space<hbm>>
    tpu.enqueue_indirect_dma source(%dma_start3A_1014 : memref<10240x128xf32, #tpu.memory_space<hbm>>) target(%arg21 : memref<64x128xf32, #tpu.memory_space<vmem>>) offsets(%dma_start3A_1011 : memref<64xi32, #tpu.memory_space<vmem>>) semaphore(%arg26 : memref<!tpu.dma_semaphore, #tpu.memory_space<semaphore_mem>>)
    %add3A_1015 = arith.constant 64 : i32
    %add3A_1016 = arith.addi %add3A_5, %add3A_1015 : i32
    "tpu.region"() ({
      %run_scoped3A = tpu.sem_alloc : memref<!tpu.dma_semaphore, #tpu.memory_space<semaphore_mem>>
      %dma_start3A_1048 = arith.constant 0 : i32
      %dma_start3A_1049 = tpu.memref_slice %arg6[%add3A_1016, %dma_start3A_1048] : memref<10240x128xf32, #tpu.memory_space<hbm>> -> memref<64x128xf32, #tpu.memory_space<hbm>>
      %dma_start3A_1050 = arith.constant 0 : i32
      %dma_start3A_1051 = tpu.memref_slice %arg6[%add3A_1016, %dma_start3A_1050] : memref<10240x128xf32, #tpu.memory_space<hbm>> -> memref<64x128xf32, #tpu.memory_space<hbm>>
      tpu.enqueue_dma source(%arg22 : memref<64x128xf32, #tpu.memory_space<vmem>>) target(%dma_start3A_1051 : memref<64x128xf32, #tpu.memory_space<hbm>>) target_semaphore(%run_scoped3A : memref<!tpu.dma_semaphore, #tpu.memory_space<semaphore_mem>>)
      %dma_wait3A_1052 = arith.constant 0 : i32
      %dma_wait3A_1053 = tpu.memref_slice %arg6[%add3A_1016, %dma_wait3A_1052] : memref<10240x128xf32, #tpu.memory_space<hbm>> -> memref<64x128xf32, #tpu.memory_space<hbm>>
      %dma_wait3A_1054 = arith.constant 0 : i32
      %dma_wait3A_1055 = tpu.memref_slice %arg6[%add3A_1016, %dma_wait3A_1054] : memref<10240x128xf32, #tpu.memory_space<hbm>> -> memref<64x128xf32, #tpu.memory_space<hbm>>
      tpu.wait_dma2 semaphore(%run_scoped3A : memref<!tpu.dma_semaphore, #tpu.memory_space<semaphore_mem>>) src(%arg22 : memref<64x128xf32, #tpu.memory_space<vmem>>) dst(%dma_wait3A_1055 : memref<64x128xf32, #tpu.memory_space<hbm>>)
      tpu.yield
    }) : () -> ()
    %dma_wait3A_1017 = arith.constant 128 : i32
    %dma_wait3A_1018 = tpu.memref_slice %arg20[%dma_wait3A_1017] : memref<320xi32, #tpu.memory_space<vmem>> -> memref<64xi32, #tpu.memory_space<vmem>>
    %dma_wait3A_1019 = arith.constant 0 : i32
    %dma_wait3A_1020 = arith.constant 0 : i32
    %dma_wait3A_1021 = tpu.memref_slice %arg5[%dma_wait3A_1019, %dma_wait3A_1020] : memref<10240x128xf32, #tpu.memory_space<hbm>> -> memref<10240x128xf32, #tpu.memory_space<hbm>>
    tpu.wait_indirect_dma semaphore(%arg26 : memref<!tpu.dma_semaphore, #tpu.memory_space<semaphore_mem>>) src(%dma_wait3A_1021 : memref<10240x128xf32, #tpu.memory_space<hbm>>) dst(%arg21 : memref<64x128xf32, #tpu.memory_space<vmem>>)
    %dma_start3A_1022 = arith.constant 192 : i32
    %dma_start3A_1023 = tpu.memref_slice %arg20[%dma_start3A_1022] : memref<320xi32, #tpu.memory_space<vmem>> -> memref<64xi32, #tpu.memory_space<vmem>>
    %dma_start3A_1024 = arith.constant 0 : i32
    %dma_start3A_1025 = arith.constant 0 : i32
    %dma_start3A_1026 = tpu.memref_slice %arg5[%dma_start3A_1024, %dma_start3A_1025] : memref<10240x128xf32, #tpu.memory_space<hbm>> -> memref<10240x128xf32, #tpu.memory_space<hbm>>
    tpu.enqueue_indirect_dma source(%dma_start3A_1026 : memref<10240x128xf32, #tpu.memory_space<hbm>>) target(%arg22 : memref<64x128xf32, #tpu.memory_space<vmem>>) offsets(%dma_start3A_1023 : memref<64xi32, #tpu.memory_space<vmem>>) semaphore(%arg26 : memref<!tpu.dma_semaphore, #tpu.memory_space<semaphore_mem>>)
    %add3A_1027 = arith.constant 128 : i32
    %add3A_1028 = arith.addi %add3A_5, %add3A_1027 : i32
    "tpu.region"() ({
      %run_scoped3A = tpu.sem_alloc : memref<!tpu.dma_semaphore, #tpu.memory_space<semaphore_mem>>
      %dma_start3A_1048 = arith.constant 0 : i32
      %dma_start3A_1049 = tpu.memref_slice %arg6[%add3A_1028, %dma_start3A_1048] : memref<10240x128xf32, #tpu.memory_space<hbm>> -> memref<64x128xf32, #tpu.memory_space<hbm>>
      %dma_start3A_1050 = arith.constant 0 : i32
      %dma_start3A_1051 = tpu.memref_slice %arg6[%add3A_1028, %dma_start3A_1050] : memref<10240x128xf32, #tpu.memory_space<hbm>> -> memref<64x128xf32, #tpu.memory_space<hbm>>
      tpu.enqueue_dma source(%arg21 : memref<64x128xf32, #tpu.memory_space<vmem>>) target(%dma_start3A_1051 : memref<64x128xf32, #tpu.memory_space<hbm>>) target_semaphore(%run_scoped3A : memref<!tpu.dma_semaphore, #tpu.memory_space<semaphore_mem>>)
      %dma_wait3A_1052 = arith.constant 0 : i32
      %dma_wait3A_1053 = tpu.memref_slice %arg6[%add3A_1028, %dma_wait3A_1052] : memref<10240x128xf32, #tpu.memory_space<hbm>> -> memref<64x128xf32, #tpu.memory_space<hbm>>
      %dma_wait3A_1054 = arith.constant 0 : i32
      %dma_wait3A_1055 = tpu.memref_slice %arg6[%add3A_1028, %dma_wait3A_1054] : memref<10240x128xf32, #tpu.memory_space<hbm>> -> memref<64x128xf32, #tpu.memory_space<hbm>>
      tpu.wait_dma2 semaphore(%run_scoped3A : memref<!tpu.dma_semaphore, #tpu.memory_space<semaphore_mem>>) src(%arg21 : memref<64x128xf32, #tpu.memory_space<vmem>>) dst(%dma_wait3A_1055 : memref<64x128xf32, #tpu.memory_space<hbm>>)
      tpu.yield
    }) : () -> ()
    %dma_wait3A_1029 = arith.constant 192 : i32
    %dma_wait3A_1030 = tpu.memref_slice %arg20[%dma_wait3A_1029] : memref<320xi32, #tpu.memory_space<vmem>> -> memref<64xi32, #tpu.memory_space<vmem>>
    %dma_wait3A_1031 = arith.constant 0 : i32
    %dma_wait3A_1032 = arith.constant 0 : i32
    %dma_wait3A_1033 = tpu.memref_slice %arg5[%dma_wait3A_1031, %dma_wait3A_1032] : memref<10240x128xf32, #tpu.memory_space<hbm>> -> memref<10240x128xf32, #tpu.memory_space<hbm>>
    tpu.wait_indirect_dma semaphore(%arg26 : memref<!tpu.dma_semaphore, #tpu.memory_space<semaphore_mem>>) src(%dma_wait3A_1033 : memref<10240x128xf32, #tpu.memory_space<hbm>>) dst(%arg22 : memref<64x128xf32, #tpu.memory_space<vmem>>)
    %dma_start3A_1034 = arith.constant 256 : i32
    %dma_start3A_1035 = tpu.memref_slice %arg20[%dma_start3A_1034] : memref<320xi32, #tpu.memory_space<vmem>> -> memref<64xi32, #tpu.memory_space<vmem>>
    %dma_start3A_1036 = arith.constant 0 : i32
    %dma_start3A_1037 = arith.constant 0 : i32
    %dma_start3A_1038 = tpu.memref_slice %arg5[%dma_start3A_1036, %dma_start3A_1037] : memref<10240x128xf32, #tpu.memory_space<hbm>> -> memref<10240x128xf32, #tpu.memory_space<hbm>>
    tpu.enqueue_indirect_dma source(%dma_start3A_1038 : memref<10240x128xf32, #tpu.memory_space<hbm>>) target(%arg21 : memref<64x128xf32, #tpu.memory_space<vmem>>) offsets(%dma_start3A_1035 : memref<64xi32, #tpu.memory_space<vmem>>) semaphore(%arg26 : memref<!tpu.dma_semaphore, #tpu.memory_space<semaphore_mem>>)
    %add3A_1039 = arith.constant 192 : i32
    %add3A_1040 = arith.addi %add3A_5, %add3A_1039 : i32
    "tpu.region"() ({
      %run_scoped3A = tpu.sem_alloc : memref<!tpu.dma_semaphore, #tpu.memory_space<semaphore_mem>>
      %dma_start3A_1048 = arith.constant 0 : i32
      %dma_start3A_1049 = tpu.memref_slice %arg6[%add3A_1040, %dma_start3A_1048] : memref<10240x128xf32, #tpu.memory_space<hbm>> -> memref<64x128xf32, #tpu.memory_space<hbm>>
      %dma_start3A_1050 = arith.constant 0 : i32
      %dma_start3A_1051 = tpu.memref_slice %arg6[%add3A_1040, %dma_start3A_1050] : memref<10240x128xf32, #tpu.memory_space<hbm>> -> memref<64x128xf32, #tpu.memory_space<hbm>>
      tpu.enqueue_dma source(%arg22 : memref<64x128xf32, #tpu.memory_space<vmem>>) target(%dma_start3A_1051 : memref<64x128xf32, #tpu.memory_space<hbm>>) target_semaphore(%run_scoped3A : memref<!tpu.dma_semaphore, #tpu.memory_space<semaphore_mem>>)
      %dma_wait3A_1052 = arith.constant 0 : i32
      %dma_wait3A_1053 = tpu.memref_slice %arg6[%add3A_1040, %dma_wait3A_1052] : memref<10240x128xf32, #tpu.memory_space<hbm>> -> memref<64x128xf32, #tpu.memory_space<hbm>>
      %dma_wait3A_1054 = arith.constant 0 : i32
      %dma_wait3A_1055 = tpu.memref_slice %arg6[%add3A_1040, %dma_wait3A_1054] : memref<10240x128xf32, #tpu.memory_space<hbm>> -> memref<64x128xf32, #tpu.memory_space<hbm>>
      tpu.wait_dma2 semaphore(%run_scoped3A : memref<!tpu.dma_semaphore, #tpu.memory_space<semaphore_mem>>) src(%arg22 : memref<64x128xf32, #tpu.memory_space<vmem>>) dst(%dma_wait3A_1055 : memref<64x128xf32, #tpu.memory_space<hbm>>)
      tpu.yield
    }) : () -> ()
    %dma_wait3A_1041 = arith.constant 256 : i32
    %dma_wait3A_1042 = tpu.memref_slice %arg20[%dma_wait3A_1041] : memref<320xi32, #tpu.memory_space<vmem>> -> memref<64xi32, #tpu.memory_space<vmem>>
    %dma_wait3A_1043 = arith.constant 0 : i32
    %dma_wait3A_1044 = arith.constant 0 : i32
    %dma_wait3A_1045 = tpu.memref_slice %arg5[%dma_wait3A_1043, %dma_wait3A_1044] : memref<10240x128xf32, #tpu.memory_space<hbm>> -> memref<10240x128xf32, #tpu.memory_space<hbm>>
    tpu.wait_indirect_dma semaphore(%arg26 : memref<!tpu.dma_semaphore, #tpu.memory_space<semaphore_mem>>) src(%dma_wait3A_1045 : memref<10240x128xf32, #tpu.memory_space<hbm>>) dst(%arg21 : memref<64x128xf32, #tpu.memory_space<vmem>>)
    %add3A_1046 = arith.constant 256 : i32
    %add3A_1047 = arith.addi %add3A_5, %add3A_1046 : i32
    "tpu.region"() ({
      %run_scoped3A = tpu.sem_alloc : memref<!tpu.dma_semaphore, #tpu.memory_space<semaphore_mem>>
      %dma_start3A_1048 = arith.constant 0 : i32
      %dma_start3A_1049 = tpu.memref_slice %arg6[%add3A_1047, %dma_start3A_1048] : memref<10240x128xf32, #tpu.memory_space<hbm>> -> memref<64x128xf32, #tpu.memory_space<hbm>>
      %dma_start3A_1050 = arith.constant 0 : i32
      %dma_start3A_1051 = tpu.memref_slice %arg6[%add3A_1047, %dma_start3A_1050] : memref<10240x128xf32, #tpu.memory_space<hbm>> -> memref<64x128xf32, #tpu.memory_space<hbm>>
      tpu.enqueue_dma source(%arg21 : memref<64x128xf32, #tpu.memory_space<vmem>>) target(%dma_start3A_1051 : memref<64x128xf32, #tpu.memory_space<hbm>>) target_semaphore(%run_scoped3A : memref<!tpu.dma_semaphore, #tpu.memory_space<semaphore_mem>>)
      %dma_wait3A_1052 = arith.constant 0 : i32
      %dma_wait3A_1053 = tpu.memref_slice %arg6[%add3A_1047, %dma_wait3A_1052] : memref<10240x128xf32, #tpu.memory_space<hbm>> -> memref<64x128xf32, #tpu.memory_space<hbm>>
      %dma_wait3A_1054 = arith.constant 0 : i32
      %dma_wait3A_1055 = tpu.memref_slice %arg6[%add3A_1047, %dma_wait3A_1054] : memref<10240x128xf32, #tpu.memory_space<hbm>> -> memref<64x128xf32, #tpu.memory_space<hbm>>
      tpu.wait_dma2 semaphore(%run_scoped3A : memref<!tpu.dma_semaphore, #tpu.memory_space<semaphore_mem>>) src(%arg21 : memref<64x128xf32, #tpu.memory_space<vmem>>) dst(%dma_wait3A_1055 : memref<64x128xf32, #tpu.memory_space<hbm>>)
      tpu.yield
    }) : () -> ()
    return
  }
}

module attributes {stable_mosaic.version = 14 : i64} {
  func.func @_norm_body(%arg0: i32, %arg1: memref<1024x128xf32, #tpu.memory_space<vmem>>, %arg2: memref<8x128xf32, #tpu.memory_space<vmem>>) attributes {dimension_semantics = [#tpu.dimension_semantics<arbitrary>], iteration_bounds = array<i64: 10>, scalar_prefetch = 0 : i64, scratch_operands = 0 : i64, tpu.core_type = #tpu.core_type<tc>, window_params = [{transform_indices = @transform_0, window_bounds = array<i64: 1024, 128>}, {transform_indices = @transform_1, window_bounds = array<i64: 8, 128>}]} {
    %get3A = arith.constant 0 : index
    %get3A_0 = arith.constant 0 : index
    %get3A_1 = vector.load %arg1[%get3A, %get3A_0] : memref<1024x128xf32, #tpu.memory_space<vmem>>, vector<1024x128xf32>
    %mul3A = arith.mulf %get3A_1, %get3A_1 : vector<1024x128xf32>
    %reduce_sum3A = arith.constant dense<0.000000e+00> : vector<1024xf32>
    %reduce_sum3A_2 = vector.multi_reduction <add>, %mul3A, %reduce_sum3A [1] : vector<1024x128xf32> to vector<1024xf32>
    %sqrt3A = math.sqrt %reduce_sum3A_2 : vector<1024xf32>
    %reshape3A = vector.shape_cast %sqrt3A : vector<1024xf32> to vector<8x128xf32>
    %swap3A = arith.constant 0 : index
    %swap3A_3 = arith.constant 0 : index
    %swap3A_4 = vector.load %arg2[%swap3A, %swap3A_3] : memref<8x128xf32, #tpu.memory_space<vmem>>, vector<8x128xf32>
    tpu.vector_store %arg2[%swap3A, %swap3A_3], %reshape3A {strides = array<i32>} : memref<8x128xf32, #tpu.memory_space<vmem>>, vector<8x128xf32>,
    return
  }
  func.func @transform_0(%arg0: i32) -> (i32, i32) {
    %c0_i32 = arith.constant 0 : i32
    %c0_i32_0 = arith.constant 0 : i32
    return %arg0, %c0_i32 : i32, i32
  }
  func.func @transform_1(%arg0: i32) -> (i32, i32) {
    %c0_i32 = arith.constant 0 : i32
    %c0_i32_0 = arith.constant 0 : i32
    return %arg0, %c0_i32 : i32, i32
  }
}

module attributes {stable_mosaic.version = 14 : i64} {
  func.func @_lstm_body(%arg0: i32, %arg1: memref<2000x128xf32, #tpu.memory_space<vmem>>, %arg2: memref<2000x128xf32, #tpu.memory_space<vmem>>, %arg3: memref<3x2000x128xf32, #tpu.memory_space<vmem>>, %arg4: memref<3x2000x128xf32, #tpu.memory_space<vmem>>, %arg5: memref<256x512xf32, #tpu.memory_space<vmem>>, %arg6: memref<128x512xf32, #tpu.memory_space<vmem>>, %arg7: memref<1x512xf32, #tpu.memory_space<vmem>>, %arg8: memref<1x512xf32, #tpu.memory_space<vmem>>, %arg9: memref<128x512xf32, #tpu.memory_space<vmem>>, %arg10: memref<128x512xf32, #tpu.memory_space<vmem>>, %arg11: memref<1x512xf32, #tpu.memory_space<vmem>>, %arg12: memref<1x512xf32, #tpu.memory_space<vmem>>, %arg13: memref<128x512xf32, #tpu.memory_space<vmem>>, %arg14: memref<128x512xf32, #tpu.memory_space<vmem>>, %arg15: memref<1x512xf32, #tpu.memory_space<vmem>>, %arg16: memref<1x512xf32, #tpu.memory_space<vmem>>, %arg17: memref<1x2000x128xf32, #tpu.memory_space<vmem>>, %arg18: memref<3x2000x128xf32, #tpu.memory_space<vmem>>, %arg19: memref<3x2000x128xf32, #tpu.memory_space<vmem>>) attributes {dimension_semantics = [#tpu.dimension_semantics<arbitrary>], iteration_bounds = array<i64: 5>, scalar_prefetch = 0 : i64, scratch_operands = 0 : i64, tpu.core_type = #tpu.core_type<tc>, window_params = [{transform_indices = @transform_0, window_bounds = array<i64: 2000, 128>}, {transform_indices = @transform_1, window_bounds = array<i64: 2000, 128>}, {transform_indices = @transform_2, window_bounds = array<i64: 3, 2000, 128>}, {transform_indices = @transform_3, window_bounds = array<i64: 3, 2000, 128>}, {pipeline_mode = #tpu.pipeline_mode<synchronous>, transform_indices = @transform_4, window_bounds = array<i64: 256, 512>}, {pipeline_mode = #tpu.pipeline_mode<synchronous>, transform_indices = @transform_5, window_bounds = array<i64: 128, 512>}, {pipeline_mode = #tpu.pipeline_mode<synchronous>, transform_indices = @transform_6, window_bounds = array<i64: 1, 512>}, {pipeline_mode = #tpu.pipeline_mode<synchronous>, transform_indices = @transform_7, window_bounds = array<i64: 1, 512>}, {pipeline_mode = #tpu.pipeline_mode<synchronous>, transform_indices = @transform_8, window_bounds = array<i64: 128, 512>}, {pipeline_mode = #tpu.pipeline_mode<synchronous>, transform_indices = @transform_9, window_bounds = array<i64: 128, 512>}, {pipeline_mode = #tpu.pipeline_mode<synchronous>, transform_indices = @transform_10, window_bounds = array<i64: 1, 512>}, {pipeline_mode = #tpu.pipeline_mode<synchronous>, transform_indices = @transform_11, window_bounds = array<i64: 1, 512>}, {pipeline_mode = #tpu.pipeline_mode<synchronous>, transform_indices = @transform_12, window_bounds = array<i64: 128, 512>}, {pipeline_mode = #tpu.pipeline_mode<synchronous>, transform_indices = @transform_13, window_bounds = array<i64: 128, 512>}, {pipeline_mode = #tpu.pipeline_mode<synchronous>, transform_indices = @transform_14, window_bounds = array<i64: 1, 512>}, {pipeline_mode = #tpu.pipeline_mode<synchronous>, transform_indices = @transform_15, window_bounds = array<i64: 1, 512>}, {transform_indices = @transform_16, window_bounds = array<i64: 1, 2000, 128>}, {transform_indices = @transform_17, window_bounds = array<i64: 3, 2000, 128>}, {transform_indices = @transform_18, window_bounds = array<i64: 3, 2000, 128>}]} {
    %get3A = arith.constant 0 : index
    %get3A_0 = arith.constant 0 : index
    %get3A_1 = vector.load %arg1[%get3A, %get3A_0] : memref<2000x128xf32, #tpu.memory_space<vmem>>, vector<2000x128xf32>
    %get3A_2 = arith.constant 0 : index
    %get3A_3 = arith.constant 0 : index
    %get3A_4 = vector.load %arg2[%get3A_2, %get3A_3] : memref<2000x128xf32, #tpu.memory_space<vmem>>, vector<2000x128xf32>
    %concatenate3A = tpu.concatenate %get3A_1, %get3A_4 in 1 : vector<2000x128xf32>, vector<2000x128xf32> -> vector<2000x256xf32>
    %get3A_5 = arith.constant 0 : index
    %get3A_6 = arith.constant 0 : index
    %get3A_7 = arith.constant 0 : index
    %get3A_8 = vector.load %arg3[%get3A_5, %get3A_6, %get3A_7] : memref<3x2000x128xf32, #tpu.memory_space<vmem>>, vector<1x2000x128xf32>
    %get3A_9 = vector.shape_cast %get3A_8 : vector<1x2000x128xf32> to vector<2000x128xf32>
    %get3A_10 = arith.constant 0 : index
    %get3A_11 = arith.constant 0 : index
    %get3A_12 = arith.constant 0 : index
    %get3A_13 = vector.load %arg4[%get3A_10, %get3A_11, %get3A_12] : memref<3x2000x128xf32, #tpu.memory_space<vmem>>, vector<1x2000x128xf32>
    %get3A_14 = vector.shape_cast %get3A_13 : vector<1x2000x128xf32> to vector<2000x128xf32>
    %get3A_15 = arith.constant 0 : index
    %get3A_16 = arith.constant 0 : index
    %get3A_17 = vector.load %arg5[%get3A_15, %get3A_16] : memref<256x512xf32, #tpu.memory_space<vmem>>, vector<256x512xf32>
    %get3A_18 = arith.constant 0 : index
    %get3A_19 = arith.constant 0 : index
    %get3A_20 = vector.load %arg6[%get3A_18, %get3A_19] : memref<128x512xf32, #tpu.memory_space<vmem>>, vector<128x512xf32>
    %get3A_21 = arith.constant 0 : index
    %get3A_22 = arith.constant 0 : index
    %get3A_23 = vector.load %arg7[%get3A_21, %get3A_22] : memref<1x512xf32, #tpu.memory_space<vmem>>, vector<1x512xf32>
    %get3A_24 = arith.constant 0 : index
    %get3A_25 = arith.constant 0 : index
    %get3A_26 = vector.load %arg8[%get3A_24, %get3A_25] : memref<1x512xf32, #tpu.memory_space<vmem>>, vector<1x512xf32>
    %dot_general3A = arith.constant dense<0.000000e+00> : vector<2000x512xf32>
    %dot_general3A_27 = tpu.matmul %concatenate3A, %get3A_17, %dot_general3A {dimension_numbers = #tpu.dot_dimension_numbers<[1], [0], [0], [1], [0, 0, 1, 1], [], []>, transpose_lhs_hint = false} : vector<2000x256xf32>, vector<256x512xf32>, vector<2000x512xf32> -> vector<2000x512xf32>
    %dot_general3A_28 = arith.constant dense<0.000000e+00> : vector<2000x512xf32>
    %dot_general3A_29 = tpu.matmul %get3A_9, %get3A_20, %dot_general3A_28 {dimension_numbers = #tpu.dot_dimension_numbers<[1], [0], [0], [1], [0, 0, 1, 1], [], []>, transpose_lhs_hint = false} : vector<2000x128xf32>, vector<128x512xf32>, vector<2000x512xf32> -> vector<2000x512xf32>
    %add3A = arith.addf %dot_general3A_27, %dot_general3A_29 : vector<2000x512xf32>
    %add3A_30 = vector.broadcast %get3A_23 : vector<1x512xf32> to vector<2000x512xf32>
    %add3A_31 = arith.addf %add3A, %add3A_30 : vector<2000x512xf32>
    %add3A_32 = vector.broadcast %get3A_26 : vector<1x512xf32> to vector<2000x512xf32>
    %add3A_33 = arith.addf %add3A_31, %add3A_32 : vector<2000x512xf32>
    %slice3A = vector.extract_strided_slice %add3A_33 {offsets = [0, 0], sizes = [2000, 128], strides = [1, 1]} : vector<2000x512xf32> to vector<2000x128xf32>
    %logistic3A = arith.negf %slice3A : vector<2000x128xf32>
    %logistic3A_34 = math.exp %logistic3A : vector<2000x128xf32>
    %logistic3A_35 = arith.constant 1.000000e+00 : f32
    %logistic3A_36 = vector.broadcast %logistic3A_35 : f32 to vector<2000x128xf32>
    %logistic3A_37 = arith.addf %logistic3A_36, %logistic3A_34 : vector<2000x128xf32>
    %logistic3A_38 = arith.divf %logistic3A_36, %logistic3A_37 : vector<2000x128xf32>
    %slice3A_39 = vector.extract_strided_slice %add3A_33 {offsets = [0, 128], sizes = [2000, 128], strides = [1, 1]} : vector<2000x512xf32> to vector<2000x128xf32>
    %logistic3A_40 = arith.negf %slice3A_39 : vector<2000x128xf32>
    %logistic3A_41 = math.exp %logistic3A_40 : vector<2000x128xf32>
    %logistic3A_42 = arith.constant 1.000000e+00 : f32
    %logistic3A_43 = vector.broadcast %logistic3A_42 : f32 to vector<2000x128xf32>
    %logistic3A_44 = arith.addf %logistic3A_43, %logistic3A_41 : vector<2000x128xf32>
    %logistic3A_45 = arith.divf %logistic3A_43, %logistic3A_44 : vector<2000x128xf32>
    %slice3A_46 = vector.extract_strided_slice %add3A_33 {offsets = [0, 256], sizes = [2000, 128], strides = [1, 1]} : vector<2000x512xf32> to vector<2000x128xf32>
    %tanh3A = math.tanh %slice3A_46 : vector<2000x128xf32>
    %slice3A_47 = vector.extract_strided_slice %add3A_33 {offsets = [0, 384], sizes = [2000, 128], strides = [1, 1]} : vector<2000x512xf32> to vector<2000x128xf32>
    %logistic3A_48 = arith.negf %slice3A_47 : vector<2000x128xf32>
    %logistic3A_49 = math.exp %logistic3A_48 : vector<2000x128xf32>
    %logistic3A_50 = arith.constant 1.000000e+00 : f32
    %logistic3A_51 = vector.broadcast %logistic3A_50 : f32 to vector<2000x128xf32>
    %logistic3A_52 = arith.addf %logistic3A_51, %logistic3A_49 : vector<2000x128xf32>
    %logistic3A_53 = arith.divf %logistic3A_51, %logistic3A_52 : vector<2000x128xf32>
    %mul3A = arith.mulf %logistic3A_45, %get3A_14 : vector<2000x128xf32>
    %mul3A_54 = arith.mulf %logistic3A_38, %tanh3A : vector<2000x128xf32>
    %add3A_55 = arith.addf %mul3A, %mul3A_54 : vector<2000x128xf32>
    %tanh3A_56 = math.tanh %add3A_55 : vector<2000x128xf32>
    %mul3A_57 = arith.mulf %logistic3A_53, %tanh3A_56 : vector<2000x128xf32>
    %get3A_58 = arith.constant 1 : index
    %get3A_59 = arith.constant 0 : index
    %get3A_60 = arith.constant 0 : index
    %get3A_61 = vector.load %arg3[%get3A_58, %get3A_59, %get3A_60] : memref<3x2000x128xf32, #tpu.memory_space<vmem>>, vector<1x2000x128xf32>
    %get3A_62 = vector.shape_cast %get3A_61 : vector<1x2000x128xf32> to vector<2000x128xf32>
    %get3A_63 = arith.constant 1 : index
    %get3A_64 = arith.constant 0 : index
    %get3A_65 = arith.constant 0 : index
    %get3A_66 = vector.load %arg4[%get3A_63, %get3A_64, %get3A_65] : memref<3x2000x128xf32, #tpu.memory_space<vmem>>, vector<1x2000x128xf32>
    %get3A_67 = vector.shape_cast %get3A_66 : vector<1x2000x128xf32> to vector<2000x128xf32>
    %get3A_68 = arith.constant 0 : index
    %get3A_69 = arith.constant 0 : index
    %get3A_70 = vector.load %arg9[%get3A_68, %get3A_69] : memref<128x512xf32, #tpu.memory_space<vmem>>, vector<128x512xf32>
    %get3A_71 = arith.constant 0 : index
    %get3A_72 = arith.constant 0 : index
    %get3A_73 = vector.load %arg10[%get3A_71, %get3A_72] : memref<128x512xf32, #tpu.memory_space<vmem>>, vector<128x512xf32>
    %get3A_74 = arith.constant 0 : index
    %get3A_75 = arith.constant 0 : index
    %get3A_76 = vector.load %arg11[%get3A_74, %get3A_75] : memref<1x512xf32, #tpu.memory_space<vmem>>, vector<1x512xf32>
    %get3A_77 = arith.constant 0 : index
    %get3A_78 = arith.constant 0 : index
    %get3A_79 = vector.load %arg12[%get3A_77, %get3A_78] : memref<1x512xf32, #tpu.memory_space<vmem>>, vector<1x512xf32>
    %dot_general3A_80 = arith.constant dense<0.000000e+00> : vector<2000x512xf32>
    %dot_general3A_81 = tpu.matmul %mul3A_57, %get3A_70, %dot_general3A_80 {dimension_numbers = #tpu.dot_dimension_numbers<[1], [0], [0], [1], [0, 0, 1, 1], [], []>, transpose_lhs_hint = false} : vector<2000x128xf32>, vector<128x512xf32>, vector<2000x512xf32> -> vector<2000x512xf32>
    %dot_general3A_82 = arith.constant dense<0.000000e+00> : vector<2000x512xf32>
    %dot_general3A_83 = tpu.matmul %get3A_62, %get3A_73, %dot_general3A_82 {dimension_numbers = #tpu.dot_dimension_numbers<[1], [0], [0], [1], [0, 0, 1, 1], [], []>, transpose_lhs_hint = false} : vector<2000x128xf32>, vector<128x512xf32>, vector<2000x512xf32> -> vector<2000x512xf32>
    %add3A_84 = arith.addf %dot_general3A_81, %dot_general3A_83 : vector<2000x512xf32>
    %add3A_85 = vector.broadcast %get3A_76 : vector<1x512xf32> to vector<2000x512xf32>
    %add3A_86 = arith.addf %add3A_84, %add3A_85 : vector<2000x512xf32>
    %add3A_87 = vector.broadcast %get3A_79 : vector<1x512xf32> to vector<2000x512xf32>
    %add3A_88 = arith.addf %add3A_86, %add3A_87 : vector<2000x512xf32>
    %slice3A_89 = vector.extract_strided_slice %add3A_88 {offsets = [0, 0], sizes = [2000, 128], strides = [1, 1]} : vector<2000x512xf32> to vector<2000x128xf32>
    %logistic3A_90 = arith.negf %slice3A_89 : vector<2000x128xf32>
    %logistic3A_91 = math.exp %logistic3A_90 : vector<2000x128xf32>
    %logistic3A_92 = arith.constant 1.000000e+00 : f32
    %logistic3A_93 = vector.broadcast %logistic3A_92 : f32 to vector<2000x128xf32>
    %logistic3A_94 = arith.addf %logistic3A_93, %logistic3A_91 : vector<2000x128xf32>
    %logistic3A_95 = arith.divf %logistic3A_93, %logistic3A_94 : vector<2000x128xf32>
    %slice3A_96 = vector.extract_strided_slice %add3A_88 {offsets = [0, 128], sizes = [2000, 128], strides = [1, 1]} : vector<2000x512xf32> to vector<2000x128xf32>
    %logistic3A_97 = arith.negf %slice3A_96 : vector<2000x128xf32>
    %logistic3A_98 = math.exp %logistic3A_97 : vector<2000x128xf32>
    %logistic3A_99 = arith.constant 1.000000e+00 : f32
    %logistic3A_100 = vector.broadcast %logistic3A_99 : f32 to vector<2000x128xf32>
    %logistic3A_101 = arith.addf %logistic3A_100, %logistic3A_98 : vector<2000x128xf32>
    %logistic3A_102 = arith.divf %logistic3A_100, %logistic3A_101 : vector<2000x128xf32>
    %slice3A_103 = vector.extract_strided_slice %add3A_88 {offsets = [0, 256], sizes = [2000, 128], strides = [1, 1]} : vector<2000x512xf32> to vector<2000x128xf32>
    %tanh3A_104 = math.tanh %slice3A_103 : vector<2000x128xf32>
    %slice3A_105 = vector.extract_strided_slice %add3A_88 {offsets = [0, 384], sizes = [2000, 128], strides = [1, 1]} : vector<2000x512xf32> to vector<2000x128xf32>
    %logistic3A_106 = arith.negf %slice3A_105 : vector<2000x128xf32>
    %logistic3A_107 = math.exp %logistic3A_106 : vector<2000x128xf32>
    %logistic3A_108 = arith.constant 1.000000e+00 : f32
    %logistic3A_109 = vector.broadcast %logistic3A_108 : f32 to vector<2000x128xf32>
    %logistic3A_110 = arith.addf %logistic3A_109, %logistic3A_107 : vector<2000x128xf32>
    %logistic3A_111 = arith.divf %logistic3A_109, %logistic3A_110 : vector<2000x128xf32>
    %mul3A_112 = arith.mulf %logistic3A_102, %get3A_67 : vector<2000x128xf32>
    %mul3A_113 = arith.mulf %logistic3A_95, %tanh3A_104 : vector<2000x128xf32>
    %add3A_114 = arith.addf %mul3A_112, %mul3A_113 : vector<2000x128xf32>
    %tanh3A_115 = math.tanh %add3A_114 : vector<2000x128xf32>
    %mul3A_116 = arith.mulf %logistic3A_111, %tanh3A_115 : vector<2000x128xf32>
    %get3A_117 = arith.constant 2 : index
    %get3A_118 = arith.constant 0 : index
    %get3A_119 = arith.constant 0 : index
    %get3A_120 = vector.load %arg3[%get3A_117, %get3A_118, %get3A_119] : memref<3x2000x128xf32, #tpu.memory_space<vmem>>, vector<1x2000x128xf32>
    %get3A_121 = vector.shape_cast %get3A_120 : vector<1x2000x128xf32> to vector<2000x128xf32>
    %get3A_122 = arith.constant 2 : index
    %get3A_123 = arith.constant 0 : index
    %get3A_124 = arith.constant 0 : index
    %get3A_125 = vector.load %arg4[%get3A_122, %get3A_123, %get3A_124] : memref<3x2000x128xf32, #tpu.memory_space<vmem>>, vector<1x2000x128xf32>
    %get3A_126 = vector.shape_cast %get3A_125 : vector<1x2000x128xf32> to vector<2000x128xf32>
    %get3A_127 = arith.constant 0 : index
    %get3A_128 = arith.constant 0 : index
    %get3A_129 = vector.load %arg13[%get3A_127, %get3A_128] : memref<128x512xf32, #tpu.memory_space<vmem>>, vector<128x512xf32>
    %get3A_130 = arith.constant 0 : index
    %get3A_131 = arith.constant 0 : index
    %get3A_132 = vector.load %arg14[%get3A_130, %get3A_131] : memref<128x512xf32, #tpu.memory_space<vmem>>, vector<128x512xf32>
    %get3A_133 = arith.constant 0 : index
    %get3A_134 = arith.constant 0 : index
    %get3A_135 = vector.load %arg15[%get3A_133, %get3A_134] : memref<1x512xf32, #tpu.memory_space<vmem>>, vector<1x512xf32>
    %get3A_136 = arith.constant 0 : index
    %get3A_137 = arith.constant 0 : index
    %get3A_138 = vector.load %arg16[%get3A_136, %get3A_137] : memref<1x512xf32, #tpu.memory_space<vmem>>, vector<1x512xf32>
    %dot_general3A_139 = arith.constant dense<0.000000e+00> : vector<2000x512xf32>
    %dot_general3A_140 = tpu.matmul %mul3A_116, %get3A_129, %dot_general3A_139 {dimension_numbers = #tpu.dot_dimension_numbers<[1], [0], [0], [1], [0, 0, 1, 1], [], []>, transpose_lhs_hint = false} : vector<2000x128xf32>, vector<128x512xf32>, vector<2000x512xf32> -> vector<2000x512xf32>
    %dot_general3A_141 = arith.constant dense<0.000000e+00> : vector<2000x512xf32>
    %dot_general3A_142 = tpu.matmul %get3A_121, %get3A_132, %dot_general3A_141 {dimension_numbers = #tpu.dot_dimension_numbers<[1], [0], [0], [1], [0, 0, 1, 1], [], []>, transpose_lhs_hint = false} : vector<2000x128xf32>, vector<128x512xf32>, vector<2000x512xf32> -> vector<2000x512xf32>
    %add3A_143 = arith.addf %dot_general3A_140, %dot_general3A_142 : vector<2000x512xf32>
    %add3A_144 = vector.broadcast %get3A_135 : vector<1x512xf32> to vector<2000x512xf32>
    %add3A_145 = arith.addf %add3A_143, %add3A_144 : vector<2000x512xf32>
    %add3A_146 = vector.broadcast %get3A_138 : vector<1x512xf32> to vector<2000x512xf32>
    %add3A_147 = arith.addf %add3A_145, %add3A_146 : vector<2000x512xf32>
    %slice3A_148 = vector.extract_strided_slice %add3A_147 {offsets = [0, 0], sizes = [2000, 128], strides = [1, 1]} : vector<2000x512xf32> to vector<2000x128xf32>
    %logistic3A_149 = arith.negf %slice3A_148 : vector<2000x128xf32>
    %logistic3A_150 = math.exp %logistic3A_149 : vector<2000x128xf32>
    %logistic3A_151 = arith.constant 1.000000e+00 : f32
    %logistic3A_152 = vector.broadcast %logistic3A_151 : f32 to vector<2000x128xf32>
    %logistic3A_153 = arith.addf %logistic3A_152, %logistic3A_150 : vector<2000x128xf32>
    %logistic3A_154 = arith.divf %logistic3A_152, %logistic3A_153 : vector<2000x128xf32>
    %slice3A_155 = vector.extract_strided_slice %add3A_147 {offsets = [0, 128], sizes = [2000, 128], strides = [1, 1]} : vector<2000x512xf32> to vector<2000x128xf32>
    %logistic3A_156 = arith.negf %slice3A_155 : vector<2000x128xf32>
    %logistic3A_157 = math.exp %logistic3A_156 : vector<2000x128xf32>
    %logistic3A_158 = arith.constant 1.000000e+00 : f32
    %logistic3A_159 = vector.broadcast %logistic3A_158 : f32 to vector<2000x128xf32>
    %logistic3A_160 = arith.addf %logistic3A_159, %logistic3A_157 : vector<2000x128xf32>
    %logistic3A_161 = arith.divf %logistic3A_159, %logistic3A_160 : vector<2000x128xf32>
    %slice3A_162 = vector.extract_strided_slice %add3A_147 {offsets = [0, 256], sizes = [2000, 128], strides = [1, 1]} : vector<2000x512xf32> to vector<2000x128xf32>
    %tanh3A_163 = math.tanh %slice3A_162 : vector<2000x128xf32>
    %slice3A_164 = vector.extract_strided_slice %add3A_147 {offsets = [0, 384], sizes = [2000, 128], strides = [1, 1]} : vector<2000x512xf32> to vector<2000x128xf32>
    %logistic3A_165 = arith.negf %slice3A_164 : vector<2000x128xf32>
    %logistic3A_166 = math.exp %logistic3A_165 : vector<2000x128xf32>
    %logistic3A_167 = arith.constant 1.000000e+00 : f32
    %logistic3A_168 = vector.broadcast %logistic3A_167 : f32 to vector<2000x128xf32>
    %logistic3A_169 = arith.addf %logistic3A_168, %logistic3A_166 : vector<2000x128xf32>
    %logistic3A_170 = arith.divf %logistic3A_168, %logistic3A_169 : vector<2000x128xf32>
    %mul3A_171 = arith.mulf %logistic3A_161, %get3A_126 : vector<2000x128xf32>
    %mul3A_172 = arith.mulf %logistic3A_154, %tanh3A_163 : vector<2000x128xf32>
    %add3A_173 = arith.addf %mul3A_171, %mul3A_172 : vector<2000x128xf32>
    %tanh3A_174 = math.tanh %add3A_173 : vector<2000x128xf32>
    %mul3A_175 = arith.mulf %logistic3A_170, %tanh3A_174 : vector<2000x128xf32>
    %swap3A = arith.constant 0 : index
    %swap3A_176 = arith.constant 0 : index
    %swap3A_177 = arith.constant 0 : index
    %swap3A_178 = vector.load %arg18[%swap3A, %swap3A_176, %swap3A_177] : memref<3x2000x128xf32, #tpu.memory_space<vmem>>, vector<1x2000x128xf32>
    %swap3A_179 = vector.shape_cast %swap3A_178 : vector<1x2000x128xf32> to vector<2000x128xf32>
    %swap3A_180 = vector.shape_cast %mul3A_57 : vector<2000x128xf32> to vector<1x2000x128xf32>
    tpu.vector_store %arg18[%swap3A, %swap3A_176, %swap3A_177], %swap3A_180 {strides = array<i32>} : memref<3x2000x128xf32, #tpu.memory_space<vmem>>, vector<1x2000x128xf32>,
    %swap3A_181 = arith.constant 1 : index
    %swap3A_182 = arith.constant 0 : index
    %swap3A_183 = arith.constant 0 : index
    %swap3A_184 = vector.load %arg18[%swap3A_181, %swap3A_182, %swap3A_183] : memref<3x2000x128xf32, #tpu.memory_space<vmem>>, vector<1x2000x128xf32>
    %swap3A_185 = vector.shape_cast %swap3A_184 : vector<1x2000x128xf32> to vector<2000x128xf32>
    %swap3A_186 = vector.shape_cast %mul3A_116 : vector<2000x128xf32> to vector<1x2000x128xf32>
    tpu.vector_store %arg18[%swap3A_181, %swap3A_182, %swap3A_183], %swap3A_186 {strides = array<i32>} : memref<3x2000x128xf32, #tpu.memory_space<vmem>>, vector<1x2000x128xf32>,
    %swap3A_187 = arith.constant 2 : index
    %swap3A_188 = arith.constant 0 : index
    %swap3A_189 = arith.constant 0 : index
    %swap3A_190 = vector.load %arg18[%swap3A_187, %swap3A_188, %swap3A_189] : memref<3x2000x128xf32, #tpu.memory_space<vmem>>, vector<1x2000x128xf32>
    %swap3A_191 = vector.shape_cast %swap3A_190 : vector<1x2000x128xf32> to vector<2000x128xf32>
    %swap3A_192 = vector.shape_cast %mul3A_175 : vector<2000x128xf32> to vector<1x2000x128xf32>
    tpu.vector_store %arg18[%swap3A_187, %swap3A_188, %swap3A_189], %swap3A_192 {strides = array<i32>} : memref<3x2000x128xf32, #tpu.memory_space<vmem>>, vector<1x2000x128xf32>,
    %swap3A_193 = arith.constant 0 : index
    %swap3A_194 = arith.constant 0 : index
    %swap3A_195 = arith.constant 0 : index
    %swap3A_196 = vector.load %arg19[%swap3A_193, %swap3A_194, %swap3A_195] : memref<3x2000x128xf32, #tpu.memory_space<vmem>>, vector<1x2000x128xf32>
    %swap3A_197 = vector.shape_cast %swap3A_196 : vector<1x2000x128xf32> to vector<2000x128xf32>
    %swap3A_198 = vector.shape_cast %add3A_55 : vector<2000x128xf32> to vector<1x2000x128xf32>
    tpu.vector_store %arg19[%swap3A_193, %swap3A_194, %swap3A_195], %swap3A_198 {strides = array<i32>} : memref<3x2000x128xf32, #tpu.memory_space<vmem>>, vector<1x2000x128xf32>,
    %swap3A_199 = arith.constant 1 : index
    %swap3A_200 = arith.constant 0 : index
    %swap3A_201 = arith.constant 0 : index
    %swap3A_202 = vector.load %arg19[%swap3A_199, %swap3A_200, %swap3A_201] : memref<3x2000x128xf32, #tpu.memory_space<vmem>>, vector<1x2000x128xf32>
    %swap3A_203 = vector.shape_cast %swap3A_202 : vector<1x2000x128xf32> to vector<2000x128xf32>
    %swap3A_204 = vector.shape_cast %add3A_114 : vector<2000x128xf32> to vector<1x2000x128xf32>
    tpu.vector_store %arg19[%swap3A_199, %swap3A_200, %swap3A_201], %swap3A_204 {strides = array<i32>} : memref<3x2000x128xf32, #tpu.memory_space<vmem>>, vector<1x2000x128xf32>,
    %swap3A_205 = arith.constant 2 : index
    %swap3A_206 = arith.constant 0 : index
    %swap3A_207 = arith.constant 0 : index
    %swap3A_208 = vector.load %arg19[%swap3A_205, %swap3A_206, %swap3A_207] : memref<3x2000x128xf32, #tpu.memory_space<vmem>>, vector<1x2000x128xf32>
    %swap3A_209 = vector.shape_cast %swap3A_208 : vector<1x2000x128xf32> to vector<2000x128xf32>
    %swap3A_210 = vector.shape_cast %add3A_173 : vector<2000x128xf32> to vector<1x2000x128xf32>
    tpu.vector_store %arg19[%swap3A_205, %swap3A_206, %swap3A_207], %swap3A_210 {strides = array<i32>} : memref<3x2000x128xf32, #tpu.memory_space<vmem>>, vector<1x2000x128xf32>,
    %swap3A_211 = arith.constant 0 : index
    %swap3A_212 = arith.constant 0 : index
    %swap3A_213 = arith.constant 0 : index
    %swap3A_214 = vector.load %arg17[%swap3A_211, %swap3A_212, %swap3A_213] : memref<1x2000x128xf32, #tpu.memory_space<vmem>>, vector<1x2000x128xf32>
    %swap3A_215 = vector.shape_cast %swap3A_214 : vector<1x2000x128xf32> to vector<2000x128xf32>
    %swap3A_216 = vector.shape_cast %mul3A_175 : vector<2000x128xf32> to vector<1x2000x128xf32>
    tpu.vector_store %arg17[%swap3A_211, %swap3A_212, %swap3A_213], %swap3A_216 {strides = array<i32>} : memref<1x2000x128xf32, #tpu.memory_space<vmem>>, vector<1x2000x128xf32>,
    return
  }
  func.func @transform_0(%arg0: i32) -> (i32, i32) {
    %c0_i32 = arith.constant 0 : i32
    %c0_i32_0 = arith.constant 0 : i32
    return %arg0, %c0_i32 : i32, i32
  }
  func.func @transform_1(%arg0: i32) -> (i32, i32) {
    %c0_i32 = arith.constant 0 : i32
    %c0_i32_0 = arith.constant 0 : i32
    return %arg0, %c0_i32 : i32, i32
  }
  func.func @transform_2(%arg0: i32) -> (i32, i32, i32) {
    %c0_i32 = arith.constant 0 : i32
    %c0_i32_0 = arith.constant 0 : i32
    %c0_i32_1 = arith.constant 0 : i32
    return %c0_i32, %arg0, %c0_i32_0 : i32, i32, i32
  }
  func.func @transform_3(%arg0: i32) -> (i32, i32, i32) {
    %c0_i32 = arith.constant 0 : i32
    %c0_i32_0 = arith.constant 0 : i32
    %c0_i32_1 = arith.constant 0 : i32
    return %c0_i32, %arg0, %c0_i32_0 : i32, i32, i32
  }
  func.func @transform_4(%arg0: i32) -> (i32, i32) {
    %c0_i32 = arith.constant 0 : i32
    %c0_i32_0 = arith.constant 0 : i32
    %c0_i32_1 = arith.constant 0 : i32
    return %c0_i32, %c0_i32_0 : i32, i32
  }
  func.func @transform_5(%arg0: i32) -> (i32, i32) {
    %c0_i32 = arith.constant 0 : i32
    %c0_i32_0 = arith.constant 0 : i32
    %c0_i32_1 = arith.constant 0 : i32
    return %c0_i32, %c0_i32_0 : i32, i32
  }
  func.func @transform_6(%arg0: i32) -> (i32, i32) {
    %c0_i32 = arith.constant 0 : i32
    %c0_i32_0 = arith.constant 0 : i32
    %c0_i32_1 = arith.constant 0 : i32
    return %c0_i32, %c0_i32_0 : i32, i32
  }
  func.func @transform_7(%arg0: i32) -> (i32, i32) {
    %c0_i32 = arith.constant 0 : i32
    %c0_i32_0 = arith.constant 0 : i32
    %c0_i32_1 = arith.constant 0 : i32
    return %c0_i32, %c0_i32_0 : i32, i32
  }
  func.func @transform_8(%arg0: i32) -> (i32, i32) {
    %c0_i32 = arith.constant 0 : i32
    %c0_i32_0 = arith.constant 0 : i32
    %c0_i32_1 = arith.constant 0 : i32
    return %c0_i32, %c0_i32_0 : i32, i32
  }
  func.func @transform_9(%arg0: i32) -> (i32, i32) {
    %c0_i32 = arith.constant 0 : i32
    %c0_i32_0 = arith.constant 0 : i32
    %c0_i32_1 = arith.constant 0 : i32
    return %c0_i32, %c0_i32_0 : i32, i32
  }
  func.func @transform_10(%arg0: i32) -> (i32, i32) {
    %c0_i32 = arith.constant 0 : i32
    %c0_i32_0 = arith.constant 0 : i32
    %c0_i32_1 = arith.constant 0 : i32
    return %c0_i32, %c0_i32_0 : i32, i32
  }
  func.func @transform_11(%arg0: i32) -> (i32, i32) {
    %c0_i32 = arith.constant 0 : i32
    %c0_i32_0 = arith.constant 0 : i32
    %c0_i32_1 = arith.constant 0 : i32
    return %c0_i32, %c0_i32_0 : i32, i32
  }
  func.func @transform_12(%arg0: i32) -> (i32, i32) {
    %c0_i32 = arith.constant 0 : i32
    %c0_i32_0 = arith.constant 0 : i32
    %c0_i32_1 = arith.constant 0 : i32
    return %c0_i32, %c0_i32_0 : i32, i32
  }
  func.func @transform_13(%arg0: i32) -> (i32, i32) {
    %c0_i32 = arith.constant 0 : i32
    %c0_i32_0 = arith.constant 0 : i32
    %c0_i32_1 = arith.constant 0 : i32
    return %c0_i32, %c0_i32_0 : i32, i32
  }
  func.func @transform_14(%arg0: i32) -> (i32, i32) {
    %c0_i32 = arith.constant 0 : i32
    %c0_i32_0 = arith.constant 0 : i32
    %c0_i32_1 = arith.constant 0 : i32
    return %c0_i32, %c0_i32_0 : i32, i32
  }
  func.func @transform_15(%arg0: i32) -> (i32, i32) {
    %c0_i32 = arith.constant 0 : i32
    %c0_i32_0 = arith.constant 0 : i32
    %c0_i32_1 = arith.constant 0 : i32
    return %c0_i32, %c0_i32_0 : i32, i32
  }
  func.func @transform_16(%arg0: i32) -> (i32, i32, i32) {
    %c0_i32 = arith.constant 0 : i32
    %c0_i32_0 = arith.constant 0 : i32
    %c0_i32_1 = arith.constant 0 : i32
    return %c0_i32, %arg0, %c0_i32_0 : i32, i32, i32
  }
  func.func @transform_17(%arg0: i32) -> (i32, i32, i32) {
    %c0_i32 = arith.constant 0 : i32
    %c0_i32_0 = arith.constant 0 : i32
    %c0_i32_1 = arith.constant 0 : i32
    return %c0_i32, %arg0, %c0_i32_0 : i32, i32, i32
  }
  func.func @transform_18(%arg0: i32) -> (i32, i32, i32) {
    %c0_i32 = arith.constant 0 : i32
    %c0_i32_0 = arith.constant 0 : i32
    %c0_i32_1 = arith.constant 0 : i32
    return %c0_i32, %arg0, %c0_i32_0 : i32, i32, i32
  }
}

</mosaic_0001>

<sc_bundles>
// kernel: kernel.5.cloned.1.call-start
scs
__scs_entry_jumppad:
0x0: {  	(pc) =	sbr.rel $0x88, $3  }
0x1: {  	(tag) =	ssettag $0x0;
	lr =	simm.s32 $0x1  }
0x2: {  	[smem:$0x3F91] =	sst lr;
	_ =	strace $0xD0000000  }
0x3: {  	_ = 	snop  }
0x4: {  	_ = 	snop  }
0x5: {  	_ = 	snop  }
0x6: {  	_ = 	snop  }
0x7: {  	_ = 	snop  }
__scs_overlays_trampoline_lowered:
0x8: {  	[smem:$0x3FA0] =	sst s0  }
0x9: {  	[smem:$0x3FA1] =	sst s1  }
0xa: {  	[smem:$0x3FA2] =	sst s2  }
0xb: {  	[smem:$0x3FA3] =	sst s3  }
0xc: {  	[smem:$0x3FA4] =	sst s4  }
0xd: {  	[smem:$0x3FA5] =	sst s5  }
0xe: {  	[smem:$0x3FA6] =	sst s6  }
0xf: {  	[smem:$0x3FA7] =	sst s7  }
0x10: {  	[smem:$0x3FA8] =	sst s8  }
0x11: {  	[smem:$0x3FA9] =	sst s9;
	s0 =	simm.s32 @!p0 $0x0  }
0x12: {  	s1 =	sld [smem:$0x3F8F];
	s0 =	simm.s32 @p0 $0x1  }
0x13: {  	[smem:$0x3FAA] =	sst s0;
	s0 =	simm.s32 @!p1 $0x0  }
0x14: {  	s2 =	sld [smem:$0x3F8E];
	s0 =	simm.s32 @p1 $0x1  }
0x15: {  	[smem:$0x3FAB] =	sst s0;
	s0 =	simm.s32 @!p2 $0x0  }
0x16: {  	s3 =	sld [smem:$0x3FDB];
	s0 =	simm.s32 @p2 $0x1  }
0x17: {  	s4 =	simm.s32 $0x1BF5;
	[smem:$0x3FAD] =	sst s0  }
0x18: {  	s0 =	sld [smem:$0x3F90];
	_ =	swait.ge [sflag:s4], $0x0  }
0x19: {  	s7 =	sld [smem:$0x3F91]  }
0x1a: {  	s8 =	sadd.s32 $0xFFFFE003, lr  }
0x1b: {  	s9 =	sadd.s32 $0xFFFFFEF7, lr;
	s5 =	simm.s32 $0xFFFFFFFF;
	p2 =	slt.u32 s8, $0xFFFFF086  }
0x1c: {  	p1 =	slt.u32 s9, $0xF7A;
	s5 =	simm.s32 @!p2 $0x0  }
0x1d: {  	s5 =	simm.s32 @p1 $0x1;
	p0 =	seq.s32 s7, s2  }
0x1e: {  	s7 =	smul.u32 @!p0 $0xF7A, s2;
	p2 =	seq.s32 @!p0 s5, $0x0  }
0x1f: {  	s9 =	smul.u32 $0xF7A, s1;
	s8 =	simm.s32 @!p0 $0x1BF5;
	p2 =	por !p2, p0  }
0x20: {  	[sflag:s8] =	ssyncset.s32 @!p0 $0xFFFFF086;
	s6 =	sadd.s32 @!p0 s3, s7;
	s7 =	simm.s32 @!p0 $0x108  }
0x21: {  	s3 =	sadd.s32 s3, s9;
	s6 =	sadd.s32 @!p0 $0x88, s6;
	s7 =	simm.s32 @p2 $0x1082  }
0x22: {  	[simem:s7], [sflag:s8] =	dma.local @!p0 [hbm:s6], $0xF7A  }
0x23: {  	s9 =	sor.u32 $0xD0000000, s2;
	s6 =	simm.s32 $0x108;
	_ =	swait.ge @!p0 [sflag:s8], $0x0  }
0x24: {  	s3 =	sadd.s32 $0x88, s3;
	s6 =	simm.s32 @!p1 $0x1082;
	[sflag:s4] =	ssyncset.s32 $0xFFFFF086  }
0x25: {  	[simem:s6], [sflag:s4] =	dma.local [hbm:s3], $0xF7A  }
0x26: {  	[smem:$0x3F91] =	sst s1;
	(tag) =	ssettag s2;
	_ =	strace s9  }
0x27: {  	s1 =	sld [smem:$0x3FA1]  }
0x28: {  	s2 =	sld [smem:$0x3FA2]  }
0x29: {  	s4 =	sld [smem:$0x3FA4]  }
0x2a: {  	p0 =	seq.s32 s5, $0x0;
	s5 =	sld [smem:$0x3FA5]  }
0x2b: {  	s6 =	sld [smem:$0x3FA6]  }
0x2c: {  	s7 =	sld [smem:$0x3FA7]  }
0x2d: {  	s3 =	simm.s32 $0x108;
	s8 =	sld [smem:$0x3FA8]  }
0x2e: {  	s3 =	simm.s32 @!p0 $0x1082;
	s9 =	sld [smem:$0x3FA9]  }
0x2f: {  	lr =	sadd.s32 s0, s3;
	s0 =	sld [smem:$0x3FA0]  }
0x30: {  	s3 =	sld [smem:$0x3FA3]  }
0x31: {  	[smem:$0x3FAC] =	sst s10  }
0x32: {  	s10 =	sld [smem:$0x3FAA];
	_ =	sdelay $0x3  }
0x33: {  	p0 =	seq.s32 s10, $0x1;
	s10 =	sld [smem:$0x3FAC];
	_ =	sdelay $0x3  }
0x34: {  	[smem:$0x3FAC] =	sst s10  }
0x35: {  	s10 =	sld [smem:$0x3FAB];
	_ =	sdelay $0x3  }
0x36: {  	p1 =	seq.s32 s10, $0x1;
	s10 =	sld [smem:$0x3FAC];
	_ =	sdelay $0x3  }
0x37: {  	[smem:$0x3FAC] =	sst s10  }
0x38: {  	s10 =	sld [smem:$0x3FAD]  }
0x39: {  	_ = 	snop;
	(pc) =	sbr.ind lr, $3  }
0x3a: {  	_ = 	snop  }
0x3b: {  	_ = 	snop  }
0x3c: {  	p2 =	seq.s32 s10, $0x1;
	s10 =	sld [smem:$0x3FAC]  }
0x3d: {  	_ =	shalt  }
0x3e: {  	_ =	shalt  }
0x3f: {  	_ =	shalt  }
0x40: {  	_ =	shalt  }
0x41: {  	_ =	shalt  }
0x42: {  	_ =	shalt  }
0x43: {  	_ =	shalt  }
0x44: {  	_ =	shalt  }
0x45: {  	_ =	shalt  }
0x46: {  	_ =	shalt  }
0x47: {  	_ =	shalt  }
0x48: {  	_ =	shalt  }
0x49: {  	_ =	shalt  }
0x4a: {  	_ =	shalt  }
0x4b: {  	_ =	shalt  }
0x4c: {  	_ =	shalt  }
0x4d: {  	_ =	shalt  }
0x4e: {  	_ =	shalt  }
0x4f: {  	_ =	shalt  }
0x50: {  	_ =	shalt  }
0x51: {  	_ =	shalt  }
0x52: {  	_ =	shalt  }
0x53: {  	_ =	shalt  }
0x54: {  	_ =	shalt  }
0x55: {  	_ =	shalt  }
0x56: {  	_ =	shalt  }
0x57: {  	_ =	shalt  }
0x58: {  	_ =	shalt  }
0x59: {  	_ =	shalt  }
0x5a: {  	_ =	shalt  }
0x5b: {  	_ =	shalt  }
0x5c: {  	_ =	shalt  }
0x5d: {  	_ =	shalt  }
0x5e: {  	_ =	shalt  }
0x5f: {  	_ =	shalt  }
0x60: {  	_ =	shalt  }
0x61: {  	_ =	shalt  }
0x62: {  	_ =	shalt  }
0x63: {  	_ =	shalt  }
0x64: {  	_ =	shalt  }
0x65: {  	_ =	shalt  }
0x66: {  	_ =	shalt  }
0x67: {  	_ =	shalt  }
0x68: {  	_ =	shalt  }
0x69: {  	_ =	shalt  }
0x6a: {  	_ =	shalt  }
0x6b: {  	_ =	shalt  }
0x6c: {  	_ =	shalt  }
0x6d: {  	_ =	shalt  }
0x6e: {  	_ =	shalt  }
0x6f: {  	_ =	shalt  }
0x70: {  	_ =	shalt  }
0x71: {  	_ =	shalt  }
0x72: {  	_ =	shalt  }
0x73: {  	_ =	shalt  }
0x74: {  	_ =	shalt  }
0x75: {  	_ =	shalt  }
0x76: {  	_ =	shalt  }
0x77: {  	_ =	shalt  }
0x78: {  	_ =	shalt  }
0x79: {  	_ =	shalt  }
0x7a: {  	_ =	shalt  }
0x7b: {  	_ =	shalt  }
0x7c: {  	_ =	shalt  }
0x7d: {  	_ =	shalt  }
0x7e: {  	_ =	shalt  }
0x7f: {  	_ =	shalt  }
0x80: {  	_ =	shalt  }
0x81: {  	_ =	shalt  }
0x82: {  	_ =	shalt  }
0x83: {  	_ =	shalt  }
0x84: {  	_ =	shalt  }
0x85: {  	_ =	shalt  }
0x86: {  	_ =	shalt  }
0x87: {  	_ =	shalt  }
.Lfunc_end0:
.L_simem_size_0:
called_computation_lowered:
.L_overlay_start_0:
0x88: {  	s2 =	sld [smem:$0x3FD9]  }
0x89: {  	s3 =	sld [smem:$0x3FFE];
	_ =	sdelay $0x1  }
0x8a: {  	s1 =	srdreg.scid  }
0x8b: {  	s0 =	sand.u32 $0x1, s1  }
0x8c: {  	s14 =	sshll.u32 s0, $0xA;
	s2 =	sadd.s32 s3, s2  }
0x8d: {  	s2 =	sadd.s32 s2, s14  }
0x8e: {  	[smem:$0x3FB8] =	sst s2  }
0x8f: {  	_ = 	snop  }
0x90: {  	s2 =	sld [smem:$0x3FD0];
	_ =	sdelay $0x2  }
0x91: {  	s15 =	simm.s32 $0xA;
	s4 =	simm.s32 $0x10  }
0x92: {  	[smem:s4], [sflag:s15] =	dma.local [hbm:s2], $0x1  }
0x93: {  	_ =	swait.eq [sflag:s15], $0x1  }
0x94: {  	s16 =	sld [smem:$0x10];
	[sflag:s15] =	ssyncset.done $0x0  }
0x95: {  	s17 =	sld [smem:$0x11];
	[sflag:s15] =	ssyncadd.s32 $0xFFFFFFFF  }
0x96: {  	s18 =	sld [smem:$0x12];
	(tm) =	ssettm $0x1  }
0x97: {  	s5 =	sld [smem:$0x3FFB];
	_ =	sdelay $0x3  }
0x98: {  	_ =	strace s5  }
0x99: {  	s5 =	sld [smem:$0x3FFC];
	_ =	sdelay $0x3  }
0x9a: {  	_ =	strace s5  }
0x9b: {  	s5 =	sld [smem:$0x3FFD];
	_ =	sdelay $0x3  }
0x9c: {  	_ =	strace s5  }
0x9d: {  	_ =	strace $0x8FFFFFFF  }
0x9e: {  	s19 =	sld [smem:$0x3FDB];
	_ =	sdelay $0x1  }
0x9f: {  	s6 =	simm.s32 $_scs_section_size  }
0xa0: {  	s7 =	simm.s32 $_size__tile_overlayer_lowered;
	s8 =	simm.s32 $_tile_overlayer_lowered  }
0xa1: {  	s22 =	simm.s32 $0x1BFF;
	s21 =	sshll.u32 s8, $0x1;
	s5 =	sadd.s32 s6, s19  }
0xa2: {  	s9 =	simm.s32 $0x0;
	s20 =	sshll.u32 s7, $0x1;
	s7 =	sadd.s32 s21, s5  }
0xa3: {  	[timem:s9], [sflag:s22] =	dma.local [hbm:s7], s20  }
0xa4: {  	_ =	swait.ge [sflag:s22], s20  }
0xa5: {  	s6 =	ssub.s32 $0x0, s20;
	[sflag:s22] =	ssyncset.done $0x0  }
0xa6: {  	[sflag:s22] =	ssyncadd.s32 s6;
	_ =	sdelay $0x1  }
0xa7: {  	s23 =	simm.s32 $0x1B8B  }
0xa8: {  	_ =	swait.ge [sflag:s23], $0x1  }
0xa9: {  	[sflag:s23] =	ssyncset.done $0x0  }
0xaa: {  	s25 =	simm.s32 $0x1B8E;
	s24 =	sld [smem:$0x3FFE];
	[sflag:s23] =	ssyncadd.s32 $0xFFFFFFFF  }
0xab: {  	s26 =	simm.s32 $execute0_lowered;
	[smem:$0x3FD2] =	sst s25  }
0xac: {  	s7 =	sshll.u32 s26, $0x1;
	_ =	strace $0x80000046;
	[dreg:$0x1] =	wrdreg $0xFFFFFFFF  }
0xad: {  	s28 =	simm.s32 $_size_execute0_lowered;
	s5 =	sadd.s32 s5, s7;
	[dreg:$0x0] =	wrdreg $0x0  }
0xae: {  	s7 =	sshll.u32 s28, $0x1;
	[dreg:$0x2] =	wrdreg s5  }
0xaf: {  	[dreg:$0x3] =	wrdreg s7  }
0xb0: {  	[dreg:$0x4] =	wrdreg $0xC0  }
0xb1: {  	_ =	task [dreg:s9], $0x5FFFF  }
0xb2: {  	[dreg:$0x1] =	wrdreg $0xFFFFFFFF  }
0xb3: {  	[dreg:$0x0] =	wrdreg $0x60  }
0xb4: {  	[dreg:$0x2] =	wrdreg s24  }
0xb5: {  	[dreg:$0x3] =	wrdreg s18  }
0xb6: {  	[dreg:$0x4] =	wrdreg s17  }
0xb7: {  	[dreg:$0x5] =	wrdreg s16  }
0xb8: {  	[dreg:$0x6] =	wrdreg $0x9  }
0xb9: {  	_ =	task.clear_ibuf [dreg:s9], $0x7FFFF;
	_ =	strace $0x90000046  }
0xba: {  	s29 =	simm.s32 $0x9;
	_ =	strace $0x80000048  }
0xbb: {  	_ =	swait.ge [sflag:s29], $0x1  }
0xbc: {  	[sflag:s29] =	ssyncadd.s32 $0xFFFFFFFF  }
0xbd: {  	_ =	strace $0x90000048  }
0xbe: {  	_ =	sfence  }
0xbf: {  	s30 =	sld [smem:$0x0];
	_ =	sdelay $0x2  }
0xc0: {  	s31 =	sshll.u32 s1, $0xD;
	s1 =	sshrl.u32 s1, $0x2  }
0xc1: {  	s3 =	sand.u32 $0x4000, s31;
	s1 =	sadd.s32 s1, s30  }
0xc2: {  	s0 =	sor.u32 s3, s0;
	s1 =	sshll.u32 s1, $0x11  }
0xc3: {  	s0 =	sor.u32 s1, s0  }
0xc4: {  	s0 =	sadd.s32 $0x8F2B, s0  }
0xc5: {  	[sflag:s0] =	ssyncadd.remote.s32 $0x1  }
0xc6: {  	_ =	sfence.sel $0xFFFF  }
0xc7: {  	[dreg:$0x0] =	wrdreg $0xFFFFFFFF;
	(pc) =	sbr.abs _section_cstart, $3  }
0xc8: {  	[dreg:$0x1] =	wrdreg $0xFFFFFFFF  }
0xc9: {  	_ =	task.clear_ibuf [dreg:s9], $0x2FFFF;
	_ =	strace $0x9FFFFFFF  }
0xca: {  	(tm) =	ssettm $0x7FFFFFFF  }
0xcb: {  	_ =	shalt  }
tec
execute0_lowered:
.L_overlay_start_1:
0x0: {  	(tag) =	ssettag $0x1  }
0x1: {  	s0 =	rddreg [dreg:$0x0]  }
0x2: {  	s1 =	srdreg.scid;
	s26 =	stileid.u32  }
0x3: {  	s8 =	rddreg [dreg:$0x3];
	s6 =	sand.u32 $0x1, s1;
	s2 =	smul.u32 $0x140, s26  }
0x4: {  	s29 =	rddreg [dreg:$0x1];
	s1 =	simm.s32 $0x0;
	s3 =	smul.u32 $0x1400, s6  }
0x5: {  	s7 =	sadd.s32 $0x16200, s0;
	s4 =	sshll.u32 s6, $0x4;
	s9 =	smul.u32 $0x28000, s6  }
0x6: {  	s10 =	ssub.s32 $0x2, s6;
	s4 =	sor.u32 s26, s4;
	s2 =	sadd.s32 s2, s3  }
0x7: {  	s11 =	sshrl.u32 s10, $0x1;
	s12 =	smul.u32 $0x500, s4;
	s9 =	sor.u32 s9, s2  }
0x8: {  	[smem:$0x7FF] =	sst s1;
	s4 =	ssub.s32 s10, s11;
	s10 =	sshrl.u32 s9, $0x3  }
0x9: {  	s16 =	sadd.s32 s8, s12;
	s18 =	sadd.s32 $0x2800, s9;
	s14 =	sadd.s32 $0x5000, s9  }
0xa: {  	s15 =	sadd.s32 $0x7800, s9;
	s31 =	sadd.s32 s7, s12;
	[dreg:$0x5] =	wrdreg s16  }
0xb: {  	s9 =	sadd.s32 $0x14000, s9;
	s17 =	sadd.s32 s8, s10;
	[dreg:$0x18] =	wrdreg s31  }
0xc: {  	s11 =	sshrl.u32 s18, $0x3;
	s31 =	sadd.s32 s7, s10;
	[dreg:$0x6] =	wrdreg s17  }
0xd: {  	s14 =	sshrl.u32 s14, $0x3;
	s16 =	sadd.s32 s8, s11;
	[dreg:$0x1a] =	wrdreg s31  }
0xe: {  	s15 =	sshrl.u32 s15, $0x3;
	s19 =	sadd.s32 s8, s14;
	[dreg:$0x7] =	wrdreg s16  }
0xf: {  	s9 =	sshrl.u32 s9, $0x3;
	s20 =	sadd.s32 s8, s15;
	[dreg:$0x8] =	wrdreg s19  }
0x10: {  	s13 =	sadd.s32 $0x2A200, s0;
	s24 =	sadd.s32 s8, s9;
	[dreg:$0x9] =	wrdreg s20  }
0x11: {  	s31 =	sadd.s32 s7, s14;
	s16 =	sadd.s32 $0x1400, s10;
	[dreg:$0x10] =	wrdreg s24  }
0x12: {  	s24 =	sadd.s32 $0x4600, s10;
	[dreg:$0x1e] =	wrdreg s31;
	s17 =	sadd.s32 s8, s16  }
0x13: {  	s21 =	sshrl.u32 s2, $0x3;
	s30 =	sadd.s32 s8, s24;
	[dreg:$0xa] =	wrdreg s17  }
0x14: {  	s18 =	sshrl.u32 s3, $0x3;
	s17 =	sadd.s32 s13, s21;
	[dreg:$0x16] =	wrdreg s30  }
0x15: {  	s5 =	sadd.s32 $0x20200, s0;
	s13 =	sadd.s32 s13, s18;
	[dreg:$0xb] =	wrdreg s17  }
0x16: {  	s30 =	sadd.s32 s5, s12;
	[dreg:$0xc] =	wrdreg s13  }
0x17: {  	s18 =	sadd.s32 $0x2300, s10;
	s12 =	sadd.s32 s7, s11;
	[dreg:$0x19] =	wrdreg s30  }
0x18: {  	s21 =	sadd.s32 $0x3700, s10;
	s19 =	sadd.s32 s8, s18;
	[dreg:$0x1c] =	wrdreg s12  }
0x19: {  	s25 =	sadd.s32 s8, s21;
	[dreg:$0xf] =	wrdreg s19  }
0x1a: {  	s30 =	sadd.s32 s5, s11;
	[dreg:$0x13] =	wrdreg s25  }
0x1b: {  	s11 =	sadd.s32 s7, s15;
	[dreg:$0x1d] =	wrdreg s30  }
0x1c: {  	s12 =	sadd.s32 s5, s15;
	[smem:$0x7DA] =	sst s11  }
0x1d: {  	s13 =	sadd.s32 $0x1900, s10;
	s15 =	sadd.s32 s5, s16;
	[smem:$0x7DB] =	sst s12  }
0x1e: {  	s17 =	sadd.s32 $0x1E00, s10;
	s22 =	sadd.s32 s8, s13;
	[smem:$0x7DD] =	sst s15  }
0x1f: {  	s23 =	sadd.s32 s8, s17;
	[dreg:$0xd] =	wrdreg s22  }
0x20: {  	s30 =	sadd.s32 s5, s13;
	[dreg:$0xe] =	wrdreg s23  }
0x21: {  	s31 =	sadd.s32 s7, s17;
	[smem:$0x7DF] =	sst s30  }
0x22: {  	s11 =	sadd.s32 s7, s18;
	[smem:$0x7E0] =	sst s31  }
0x23: {  	s19 =	sadd.s32 $0x2D00, s10;
	s12 =	sadd.s32 s5, s18;
	[smem:$0x7E2] =	sst s11  }
0x24: {  	s20 =	sadd.s32 s8, s19;
	[smem:$0x7E3] =	sst s12  }
0x25: {  	[dreg:$0x11] =	wrdreg s20;
	s20 =	sadd.s32 $0x3200, s10  }
0x26: {  	s12 =	rddreg [dreg:$0x2];
	s22 =	sadd.s32 s8, s20  }
0x27: {  	s15 =	sadd.s32 s7, s19;
	[dreg:$0x12] =	wrdreg s22;
	s22 =	sadd.s32 $0x3C00, s10  }
0x28: {  	[smem:$0x7E6] =	sst s15;
	s23 =	sadd.s32 s8, s22  }
0x29: {  	s18 =	sadd.s32 s5, s20;
	[dreg:$0x14] =	wrdreg s23;
	s23 =	sadd.s32 $0x4100, s10  }
0x2a: {  	[smem:$0x7E9] =	sst s18;
	s25 =	sadd.s32 s8, s23  }
0x2b: {  	s30 =	sadd.s32 s7, s23;
	[dreg:$0x15] =	wrdreg s25  }
0x2c: {  	s31 =	sadd.s32 s5, s23;
	[smem:$0x7EE] =	sst s30  }
0x2d: {  	s25 =	sadd.s32 $0x4B00, s10;
	s10 =	sadd.s32 s5, s10;
	[smem:$0x7EF] =	sst s31  }
0x2e: {  	s8 =	sadd.s32 s8, s25;
	[dreg:$0x1b] =	wrdreg s10  }
0x2f: {  	s10 =	sadd.s32 s5, s14;
	[dreg:$0x17] =	wrdreg s8  }
0x30: {  	s14 =	sadd.s32 s7, s16;
	[dreg:$0x1f] =	wrdreg s10  }
0x31: {  	s16 =	sadd.s32 s7, s13;
	[smem:$0x7DC] =	sst s14  }
0x32: {  	s13 =	sadd.s32 s7, s9;
	[smem:$0x7DE] =	sst s16  }
0x33: {  	s10 =	sadd.s32 s5, s17;
	[smem:$0x7E4] =	sst s13  }
0x34: {  	s14 =	sadd.s32 s5, s9;
	[smem:$0x7E1] =	sst s10  }
0x35: {  	s16 =	sadd.s32 s5, s19;
	[smem:$0x7E5] =	sst s14  }
0x36: {  	s17 =	sadd.s32 s7, s20;
	[smem:$0x7E7] =	sst s16  }
0x37: {  	s19 =	sadd.s32 s7, s21;
	[smem:$0x7E8] =	sst s17  }
0x38: {  	s20 =	sadd.s32 s5, s21;
	[smem:$0x7EA] =	sst s19  }
0x39: {  	s6 =	smul.u32 $0x5000, s6;
	s21 =	sadd.s32 s7, s22;
	[smem:$0x7EB] =	sst s20  }
0x3a: {  	s11 =	smul.u32 $0x4E20, s26;
	s22 =	sadd.s32 s5, s22;
	[smem:$0x7EC] =	sst s21  }
0x3b: {  	s9 =	sadd.s32 s7, s24;
	s7 =	sadd.s32 s7, s25;
	[smem:$0x7ED] =	sst s22  }
0x3c: {  	s13 =	sshll.u32 s2, $0x4;
	[smem:$0x7F0] =	sst s9;
	s10 =	sadd.s32 s5, s24  }
0x3d: {  	[smem:$0x7F2] =	sst s7;
	s14 =	smul.u32 $0x500, s26;
	s5 =	sadd.s32 s5, s25  }
0x3e: {  	s28 =	sadd.s32 s12, s13;
	s16 =	sshrl.u32 s11, $0x3;
	[smem:$0x7F1] =	sst s10  }
0x3f: {  	s19 =	sadd.s32 $0xC500, s3;
	s20 =	smax.u32 s4, $0x1;
	[smem:$0x7F3] =	sst s5  }
0x40: {  	s22 =	sadd.s32 $0x30, s11;
	_ =	strace $0x80000047;
	[smem:$0x7F7] =	sst s19  }
0x41: {  	s24 =	sadd.s32 $0xC500, s2;
	s12 =	simm.s32 $0x1;
	[smem:$0x7F8] =	sst s20  }
0x42: {  	s13 =	simm.s32 $0xC500;
	s25 =	sadd.s32 $0x400, s28;
	[smem:$0x7F9] =	sst s22  }
0x43: {  	s26 =	sadd.s32 $0x800, s28;
	s30 =	sadd.s32 $0xC00, s28;
	[smem:$0x7FA] =	sst s25  }
0x44: {  	s31 =	sadd.s32 $0x1000, s28;
	s15 =	sadd.s32 s14, s6;
	[smem:$0x7FB] =	sst s26  }
0x45: {  	s6 =	sadd.s32 s16, s0;
	[smem:$0x7FC] =	sst s30;
	s21 =	sshrl.u32 s15, $0x2  }
0x46: {  	s0 =	sadd.s32 $0x15C00, s0;
	[smem:$0x7FD] =	sst s31;
	s23 =	sadd.s32 $0xED80, s21  }
0x47: {  	s14 =	simm.s32 $0x2;
	[smem:$0x7F4] =	sst s0;
	s0 =	sadd.s32 $0x11600, s21;
	v1 =	vmov s23  }
0x48: {  	v7 =	vmov s2;
	s16 =	simm.s32 $0xED80;
	s19 =	simm.s32 $0x17B80;
	s17 =	sadd.s32 $0xBE00, s6;
	v2 =	vmov s0  }
0x49: {  	s20 =	simm.s32 $0x19B80;
	s18 =	sadd.s32 $0x2000, s6;
	[smem:$0x7F5] =	sst s17  }
0x4a: {  	v3 =	vimm.f32 $-1.000000000e+00;
	v4 =	vlaneseq.u32;
	s15 =	sadd.s32 $0x300, s11;
	s11 =	simm.s32 $0x9D00;
	[smem:$0x7F6] =	sst s18  }
0x4b: {  	v5 =	vimm.s32 $0x4E200;
	v6 =	vor.u32 $0x80000000, v4;
	v0 =	vmov s24;
	s17 =	simm.s32 $0x11600;
	s18 =	simm.s32 $0x40;
	s21 =	simm.s32 $0x0  }
.LBB2_1:
0x4c: {  	s0 =	sld [smem:$0x7F5];
	_ =	sdelay $0x1  }
0x4d: {  	s30 =	sld [smem:$0x7F6]  }
0x4e: {  	[tilespmem:s1], [sflag:$0x1] =	stream.linear.gather [hbm4b:s0+s1], $0x4E20, $0x38;
	[tilespmem:$0x1C600] =	vst v63  }
0x4f: {  	s3 =	simm.s32 $0x4E80;
	s31 =	sld [smem:$0x7F4]  }
0x50: {  	[tilespmem:s3], [sflag:$0x1] =	stream.linear.gather [hbm4b:s30+s1], $0x4E20, $0x38;
	[tilespmem:$0x1C600] =	vst v63  }
0x51: {  	_ = 	snop  }
0x52: {  	[tilespmem:s11], [sflag:$0x1] =	stream.linear.gather [hbm4b:s31+s1], $0x2800, $0x38;
	[tilespmem:$0x1C600] =	vst v63  }
0x53: {  	_ =	swait.ge [sflag:s12], $0x4E20  }
0x54: {  	[sflag:s12] =	ssyncset.done $0x0  }
0x55: {  	[sflag:s12] =	ssyncadd.s32 $0xFFFFB1E0  }
0x56: {  	_ =	swait.ge [sflag:s12], $0x4E20  }
0x57: {  	[sflag:s12] =	ssyncset.done $0x0  }
0x58: {  	[sflag:s12] =	ssyncadd.s32 $0xFFFFB1E0  }
0x59: {  	_ =	swait.ge [sflag:s12], $0x2800  }
0x5a: {  	[sflag:s12] =	ssyncset.done $0x0  }
0x5b: {  	s0 =	simm.s32 $0x0;
	[sflag:s12] =	ssyncadd.s32 $0xFFFFD800  }
.LBB2_2:
0x5c: {  	p0 =	sne.s32 s0, $0xA000  }
.Ltmp0:
0x5d: {  	_ = 	snop;
	(pc) =	sbr.rel @p0 .LBB2_2-.Ltmp0, $4  }
0x5e: {  	_ = 	snop  }
0x5f: {  	s3 =	sshra.s32 s0, $0x2  }
0x60: {  	[tilespmem:s3+$0xC500] =	vst v3  }
0x61: {  	s0 =	sadd.s32 $0x40, s0;
	[tilespmem:s3+$0xED80] =	vst v5  }
0x62: {  	s5 =	simm.s32 $0x0;
	s6 =	simm.s32 $0x20  }
0x63: {  	s22 =	simm.s32 $0x4EA0;
	s23 =	simm.s32 $0x300;
	s24 =	simm.s32 $0x5180  }
.LBB2_4:
0x64: {  	v8 =	vld [tilespmem:s6+$0x10];
	_ =	sdelay $0x1  }
0x65: {  	v9 =	vld [tilespmem:s6+$0xFFFFFFF0]  }
0x66: {  	v10 =	vld [tilespmem:s6+$0xFFFFFFE0]  }
0x67: {  	v11 =	vld [tilespmem:s6+$0x0]  }
0x68: {  	v12 =	vld [tilespmem:s22+$0x10]  }
0x69: {  	s0 =	sadd.s32 $0x40, s6;
	v17 =	vld [tilespmem:s22+$0xFFFFFFE0]  }
0x6a: {  	v13 =	vld [tilespmem:s0+$0x10]  }
0x6b: {  	v8 =	vld.idx.msk [tilespmem:v8+s11+$0x0], $0xffff  }
0x6c: {  	v14 =	vld [tilespmem:s0+$0xFFFFFFF0]  }
0x6d: {  	v15 =	vld [tilespmem:s0+$0x0]  }
0x6e: {  	s3 =	sadd.s32 $0x40, s22;
	v16 =	vld [tilespmem:s0+$0xFFFFFFE0]  }
0x6f: {  	v18 =	vld [tilespmem:s3+$0x10]  }
0x70: {  	v10 =	vld.idx.msk [tilespmem:v10+s11+$0x0], $0xffff;
	(xrf1) =	vsort.ascd.msk.f32 $0xffff, v8, v12  }
0x71: {  	v9 =	vld.idx.msk [tilespmem:v9+s11+$0x0], $0xffff  }
0x72: {  	v11 =	vld.idx.msk [tilespmem:v11+s11+$0x0], $0xffff  }
0x73: {  	v8 =	vld [tilespmem:s22+$0xFFFFFFF0]  }
0x74: {  	v13 =	vld.idx.msk [tilespmem:v13+s11+$0x0], $0xffff  }
0x75: {  	v12 =	vld [tilespmem:s22+$0x0];
	(xrf1) =	vsort.ascd.msk.f32 $0xffff, v10, v17  }
0x76: {  	v14 =	vld.idx.msk [tilespmem:v14+s11+$0x0], $0xffff  }
0x77: {  	s0 =	sadd.s32 $0x40, s0;
	v10 =	vld.idx.msk [tilespmem:v16+s11+$0x0], $0xffff  }
0x78: {  	(xrf1) =	vsort.ascd.msk.f32 $0xffff, v9, v8;
	v8 =	vld [tilespmem:s0+$0x10]  }
0x79: {  	v9 =	vld [tilespmem:s0+$0xFFFFFFF0]  }
0x7a: {  	(xrf1) =	vsort.ascd.msk.f32 $0xffff, v11, v12;
	v12 =	vld [tilespmem:s0+$0xFFFFFFE0]  }
0x7b: {  	(xrf1) =	vsort.ascd.msk.f32 $0xffff, v13, v18;
	v13 =	vld.idx.msk [tilespmem:v15+s11+$0x0], $0xffff  }
0x7c: {  	v15 =	vld [tilespmem:s3+$0xFFFFFFE0]  }
0x7d: {  	v16 =	vld [tilespmem:s3+$0xFFFFFFF0]  }
0x7e: {  	v17 =	vld [tilespmem:s3+$0x0];
	v18, v19, _ =	vpop (xrf1)  }
0x7f: {  	v11 =	vld [tilespmem:s0+$0x0];
	s3 =	sadd.s32 $0x40, s3;
	(xrf1) =	vunique.msk.u32 $0xffff, v19  }
0x80: {  	v20 =	vld [tilespmem:s3+$0x10]  }
0x81: {  	v29 =	vld [tilespmem:s3+$0xFFFFFFF0];
	(xrf1) =	vsort.ascd.msk.f32 $0xffff, v10, v15  }
0x82: {  	v8 =	vld.idx.msk [tilespmem:v8+s11+$0x0], $0xffff;
	(xrf1) =	vsort.ascd.msk.f32 $0xffff, v14, v16  }
0x83: {  	v21 =	vld.idx.msk [tilespmem:v9+s11+$0x0], $0xffff;
	v22, v23, _ =	vpop (xrf1);
	(xrf1) =	vsort.ascd.msk.f32 $0xffff, v13, v17  }
0x84: {  	s0 =	sadd.s32 $0x40, s0;
	v9 =	vld.idx.msk [tilespmem:v12+s11+$0x0], $0xffff;
	(xrf1) =	vunique.msk.u32 $0xffff, v23  }
0x85: {  	v10 =	vld [tilespmem:s0+$0x10]  }
0x86: {  	v12 =	vld [tilespmem:s0+$0xFFFFFFF0]  }
0x87: {  	v13 =	vld [tilespmem:s0+$0xFFFFFFE0]  }
0x88: {  	v26 =	vld.idx.msk [tilespmem:v11+s11+$0x0], $0xffff;
	v24, v25, _ =	vpop (xrf1);
	(xrf1) =	vsort.ascd.msk.f32 $0xffff, v8, v20  }
0x89: {  	v11 =	vld [tilespmem:s3+$0xFFFFFFE0];
	v8, v20, _ =	vpop (xrf1);
	(xrf1) =	vunique.msk.u32 $0xffff, v25  }
0x8a: {  	v30 =	vld [tilespmem:s3+$0x0];
	s3 =	sadd.s32 $0x40, s3;
	(xrf1) =	vunique.msk.u32 $0xffff, v20  }
0x8b: {  	v32 =	vld [tilespmem:s3+$0x10];
	v27, v28, _ =	vpop (xrf1)  }
0x8c: {  	v16 =	vld [tilespmem:s0+$0x0];
	(xrf1) =	vunique.msk.u32 $0xffff, v28  }
0x8d: {  	v31 =	vld.idx.msk [tilespmem:v10+s11+$0x0], $0xffff;
	_, v10, vm0 =	vpop (xrf1)  }
0x8e: {  	v33 =	vld.idx.msk [tilespmem:v12+s11+$0x0], $0xffff;
	(xrf1) =	vsort.ascd.msk.f32 $0xffff, v9, v11;
	v12 =	vnsel vm0, $0x2800, v19  }
0x8f: {  	v34 =	vld.idx.msk [tilespmem:v13+s11+$0x0], $0xffff;
	v13, v15, _ =	vpop (xrf1);
	(xrf1) =	vsort.ascd.msk.f32 $0xffff, v21, v29  }
0x90: {  	v10, v14, _ =	vpop (xrf1);
	(xrf1) =	vsort.ascd.msk.f32 $0xffff, v26, v30  }
0x91: {  	s9 =	simm.s32 $0x1BBA0;
	s8 =	sadd.s32 $0x40, s0;
	v11, v9, _ =	vpop (xrf1);
	(xrf1) =	vunique.msk.u32 $0xffff, v15  }
0x92: {  	v35 =	vld [tilespmem:s8+$0x10];
	[tilespmem:s9+$0x10] =	vst v12;
	(xrf1) =	vsort.ascd.msk.f32 $0xffff, v31, v32;
	_, v12, vm0 =	vpop (xrf1)  }
0x93: {  	v36 =	vld [tilespmem:s8+$0xFFFFFFF0];
	(xrf1) =	vunique.msk.u32 $0xffff, v14;
	v21 =	vnsel vm0, $0x2800, v23  }
0x94: {  	v19 =	vld [tilespmem:s8+$0xFFFFFFE0];
	(xrf1) =	vunique.msk.u32 $0xffff, v9  }
0x95: {  	v60 =	vld [tilespmem:s3+$0xFFFFFFE0];
	s0 =	simm.s32 $0x1BF20  }
0x96: {  	[tilespmem:s0+$0x10] =	vst v18;
	v18 =	vld.idx.msk [tilespmem:v16+s11+$0x0], $0xffff;
	v12, v16, _ =	vpop (xrf1)  }
0x97: {  	v61 =	vld [tilespmem:s3+$0xFFFFFFF0];
	[tilespmem:s9+$0xFFFFFFE0] =	vst v21;
	_, v21, vm0 =	vpop (xrf1)  }
0x98: {  	v17 =	vld [tilespmem:s8+$0x0];
	(xrf1) =	vunique.msk.u32 $0xffff, v16;
	[tilespmem:s0+$0xFFFFFFE0] =	vst v22;
	v21 =	vnsel vm0, $0x2800, v25;
	_, v22, vm15 =	vpop (xrf1)  }
0x99: {  	v22 =	vld [tilespmem:s3+$0x0];
	[tilespmem:s9+$0xFFFFFFF0] =	vst v21  }
0x9a: {  	s4 =	sadd.s32 $0x40, s3;
	_, v23, vm1 =	vpop (xrf1);
	v21 =	vld.idx.msk [tilespmem:v35+s11+$0x0], $0xffff;
	v63 =	vnsel vm15, $0x2800, v20;
	[tilespmem:s0+$0xFFFFFFF0] =	vst v24  }
0x9b: {  	s25 =	simm.s32 $0x1BBE0;
	(xrf1) =	vsort.ascd.msk.f32 $0xffff, v34, v60;
	v62 =	vnsel vm1, $0x2800, v28;
	v23 =	vld [tilespmem:s4+$0x10];
	[tilespmem:s9+$0x0] =	vst v63  }
0x9c: {  	v19 =	vld.idx.msk [tilespmem:v19+s11+$0x0], $0xffff;
	(xrf1) =	vsort.ascd.msk.f32 $0xffff, v33, v61;
	s3 =	simm.s32 $0x1BF60;
	[tilespmem:s25+$0x10] =	vst v62  }
0x9d: {  	s7 =	simm.s32 $0x10;
	s26 =	simm.s32 $0x1BBE0;
	s8 =	sadd.s32 $0x40, s8;
	v20 =	vld.idx.msk [tilespmem:v36+s11+$0x0], $0xffff;
	[tilespmem:s3+$0x10] =	vst v27  }
.LBB2_5:
0x9e: {  	v24 =	vld [tilespmem:s8+$0x10];
	(xrf1) =	vsort.ascd.msk.f32 $0xffff, v18, v22;
	v22, v25, _ =	vpop (xrf1);
	[tilespmem:s0+$0x0] =	vst v8;
	v8 =	vmov v11;
	s0 =	smov.u32 s3  }
0x9f: {  	s7 =	sadd.s32 $0x4, s7;
	v26 =	vld [tilespmem:s8+$0xFFFFFFF0];
	(xrf1) =	vunique.msk.u32 $0xffff, v25;
	v27, v28, _ =	vpop (xrf1)  }
0xa0: {  	p0 =	slt.u32 s7, $0x2C;
	v29 =	vld [tilespmem:s8+$0x0];
	(xrf1) =	vsort.ascd.msk.f32 $0xffff, v21, v23;
	v11, v21, _ =	vpop (xrf1)  }
0xa1: {  	v30 =	vld [tilespmem:s8+$0xFFFFFFE0];
	(xrf1) =	vunique.msk.u32 $0xffff, v28;
	_, v18, vm0 =	vpop (xrf1)  }
0xa2: {  	v18 =	vld.idx.msk [tilespmem:v17+s11+$0x0], $0xffff;
	v31, v23, _ =	vpop (xrf1);
	(xrf1) =	vunique.msk.u32 $0xffff, v21;
	v33 =	vnsel vm0, $0x2800, v15;
	v15 =	vmov v25;
	v25 =	vmov v20  }
0xa3: {  	v32 =	vld [tilespmem:s4+$0xFFFFFFE0];
	(xrf1) =	vunique.msk.u32 $0xffff, v23;
	[tilespmem:s25+$0xFFFFFFE0] =	vst v33;
	_, v17, vm0 =	vpop (xrf1)  }
0xa4: {  	[tilespmem:s3+$0xFFFFFFE0] =	vst v13;
	v34 =	vnsel vm0, $0x2800, v14;
	_, v13, vm0 =	vpop (xrf1)  }
0xa5: {  	v33 =	vld [tilespmem:s4+$0xFFFFFFF0];
	v14 =	vmov v28;
	v13 =	vmov v22  }
.Ltmp1:
0xa6: {  	v28 =	vnsel vm0, $0x2800, v9;
	v17 =	vmov v29;
	v9 =	vmov v21;
	v22 =	vld [tilespmem:s4+$0x0];
	_, v20, vm1 =	vpop (xrf1);
	[tilespmem:s25+$0xFFFFFFF0] =	vst v34;
	(pc) =	sbr.rel @p0 .LBB2_5-.Ltmp1, $4  }
0xa7: {  	s4 =	sadd.s32 $0x40, s4;
	s25 =	sadd.s32 $0x40, s25;
	v21 =	vld.idx.msk [tilespmem:v24+s11+$0x0], $0xffff;
	v20 =	vnsel vm1, $0x2800, v16;
	[tilespmem:s3+$0xFFFFFFF0] =	vst v10;
	v10 =	vmov v27;
	v16 =	vmov v23  }
0xa8: {  	s3 =	sadd.s32 $0x40, s3;
	v23 =	vld [tilespmem:s4+$0x10];
	[tilespmem:s25+$0x10] =	vst v20  }
0xa9: {  	v20 =	vld.idx.msk [tilespmem:v26+s11+$0x0], $0xffff;
	(xrf1) =	vsort.ascd.msk.f32 $0xffff, v19, v32;
	[tilespmem:s3+$0x10] =	vst v12;
	v12 =	vmov v31  }
0xaa: {  	s8 =	sadd.s32 $0x40, s8;
	v19 =	vld.idx.msk [tilespmem:v30+s11+$0x0], $0xffff;
	(xrf1) =	vsort.ascd.msk.f32 $0xffff, v25, v33;
	[tilespmem:s26+$0x0] =	vst v28;
	s26 =	smov.u32 s25  }
0xab: {  	(xrf1) =	vsort.ascd.msk.f32 $0xffff, v18, v22;
	v18, v22, _ =	vpop (xrf1)  }
0xac: {  	v26 =	vld [tilespmem:s4+$0xFFFFFFE0];
	(xrf1) =	vunique.msk.u32 $0xffff, v22;
	v24, v25, _ =	vpop (xrf1)  }
0xad: {  	(xrf1) =	vsort.ascd.msk.f32 $0xffff, v21, v23;
	v21, v23, _ =	vpop (xrf1)  }
0xae: {  	(xrf1) =	vunique.msk.u32 $0xffff, v25;
	_, v27, vm0 =	vpop (xrf1)  }
0xaf: {  	v28, v29, _ =	vpop (xrf1);
	(xrf1) =	vunique.msk.u32 $0xffff, v23  }
0xb0: {  	v17 =	vld.idx.msk [tilespmem:v17+s11+$0x0], $0xffff;
	(xrf1) =	vunique.msk.u32 $0xffff, v29  }
0xb1: {  	v27 =	vld [tilespmem:s4+$0xFFFFFFF0];
	(xrf1) =	vsort.ascd.msk.f32 $0xffff, v19, v26  }
0xb2: {  	v30 =	vld [tilespmem:s4+$0x0];
	_ =	sdelay $0x1  }
0xb3: {  	_, v38, vm1 =	vpop (xrf1)  }
0xb4: {  	[tilespmem:s0+$0x0] =	vst v8;
	v8 =	vnsel vm0, $0x2800, v15;
	_, v39, vm2 =	vpop (xrf1)  }
0xb5: {  	_, v40, vm3 =	vpop (xrf1);
	(xrf1) =	vsort.ascd.msk.f32 $0xffff, v20, v27  }
0xb6: {  	(xrf1) =	vsort.ascd.msk.f32 $0xffff, v17, v30;
	v41, v17, _ =	vpop (xrf1)  }
0xb7: {  	[tilespmem:s25+$0xFFFFFFE0] =	vst v8;
	(xrf1) =	vunique.msk.u32 $0xffff, v17;
	v8, v19, _ =	vpop (xrf1)  }
0xb8: {  	v44, v43, _ =	vpop (xrf1);
	(xrf1) =	vunique.msk.u32 $0xffff, v19  }
0xb9: {  	_, v45, vm8 =	vpop (xrf1)  }
0xba: {  	(xrf1) =	vunique.msk.u32 $0xffff, v43;
	v47, v46, _ =	vpop (xrf1)  }
0xbb: {  	[tilespmem:s3+$0xFFFFFFE0] =	vst v13;
	v42 =	vnsel vm1, $0x2800, v14;
	_, v48, vm9 =	vpop (xrf1)  }
0xbc: {  	s10 =	sadd.s32 $0x40, s25;
	[tilespmem:s25+$0xFFFFFFF0] =	vst v42;
	v13 =	vnsel vm3, $0x2800, v16;
	_, v49, vm10 =	vpop (xrf1)  }
0xbd: {  	s25 =	sadd.s32 $0x40, s3;
	[tilespmem:s10+$0x10] =	vst v13;
	_, v50, vm11 =	vpop (xrf1)  }
0xbe: {  	[tilespmem:s25+$0x10] =	vst v12;
	(xrf1) =	vunique.msk.u32 $0xffff, v46;
	v51, v12, _ =	vpop (xrf1)  }
0xbf: {  	v9 =	vnsel vm2, $0x2800, v9;
	[tilespmem:s3+$0xFFFFFFF0] =	vst v10;
	(xrf1) =	vunique.msk.u32 $0xffff, v12  }
0xc0: {  	[tilespmem:s26+$0x0] =	vst v9  }
0xc1: {  	[tilespmem:s3+$0x0] =	vst v11;
	v9 =	vnsel vm8, $0x2800, v22  }
0xc2: {  	[tilespmem:s10+$0xFFFFFFE0] =	vst v9  }
0xc3: {  	v52 =	vnsel vm9, $0x2800, v25;
	[tilespmem:s25+$0xFFFFFFE0] =	vst v18;
	v13, v53, _ =	vpop (xrf1)  }
0xc4: {  	[tilespmem:s10+$0xFFFFFFF0] =	vst v52;
	(xrf1) =	vunique.msk.u32 $0xffff, v53;
	v55, v56, _ =	vpop (xrf1)  }
0xc5: {  	v57 =	vnsel vm10, $0x2800, v23;
	[tilespmem:s25+$0xFFFFFFF0] =	vst v24;
	_, v58, vm12 =	vpop (xrf1)  }
0xc6: {  	s26 =	sadd.s32 $0x40, s10;
	[tilespmem:s10+$0x0] =	vst v57;
	(xrf1) =	vunique.msk.u32 $0xffff, v56;
	v9 =	vnsel vm12, $0x2800, v17;
	_, v59, vm0 =	vpop (xrf1)  }
0xc7: {  	[tilespmem:s26+$0xFFFFFFE0] =	vst v9;
	v9 =	vnsel vm0, $0x2800, v19  }
0xc8: {  	s7 =	sadd.s32 $0x40, s25;
	_, v60, vm13 =	vpop (xrf1);
	[tilespmem:s26+$0xFFFFFFF0] =	vst v9  }
0xc9: {  	v54 =	vnsel vm11, $0x2800, v29;
	[tilespmem:s7+$0xFFFFFFF0] =	vst v8;
	v8 =	vnsel vm13, $0x2800, v43  }
0xca: {  	[tilespmem:s26+$0x10] =	vst v54  }
0xcb: {  	[tilespmem:s25+$0x0] =	vst v21  }
0xcc: {  	[tilespmem:s7+$0x10] =	vst v28;
	_, v61, vm14 =	vpop (xrf1)  }
0xcd: {  	[tilespmem:s26+$0x0] =	vst v8;
	_, v8, vm0 =	vpop (xrf1)  }
0xce: {  	s30 =	sadd.s32 $0x40, s26;
	[tilespmem:s7+$0xFFFFFFE0] =	vst v41;
	v62 =	vnsel vm14, $0x2800, v46;
	v8 =	vnsel vm0, $0x2800, v12  }
0xcf: {  	[tilespmem:s30+$0x10] =	vst v62  }
0xd0: {  	s31 =	sadd.s32 $0x40, s7;
	[tilespmem:s7+$0x0] =	vst v44  }
0xd1: {  	[tilespmem:s31+$0x10] =	vst v47  }
0xd2: {  	[tilespmem:s30+$0xFFFFFFE0] =	vst v8;
	_, v8, vm0 =	vpop (xrf1)  }
0xd3: {  	[tilespmem:s31+$0xFFFFFFE0] =	vst v51;
	v8 =	vnsel vm0, $0x2800, v53  }
0xd4: {  	_, v63, vm15 =	vpop (xrf1);
	[tilespmem:s30+$0xFFFFFFF0] =	vst v8  }
0xd5: {  	v8 =	vnsel vm15, $0x2800, v56;
	[tilespmem:s31+$0xFFFFFFF0] =	vst v13  }
0xd6: {  	[tilespmem:s30+$0x0] =	vst v8  }
0xd7: {  	s0 =	simm.s32 $0x0;
	s3 =	simm.s32 $0x0;
	[tilespmem:s31+$0x0] =	vst v55  }
.LBB2_7:
0xd8: {  	s4 =	sshra.s32 s3, $0x2  }
0xd9: {  	s7 =	sadd.s32 s4, s23  }
0xda: {  	v8 =	vld [tilespmem:s7+$0x0];
	_ =	sdelay $0x5  }
0xdb: {  	s31 =	sadd.s32 s4, s24  }
0xdc: {  	v9 =	vld [tilespmem:s31+$0x0]  }
0xdd: {  	v8 =	vld.idx.msk [tilespmem:v8+s11+$0x0], $0xffff;
	_ =	sdelay $0x4  }
0xde: {  	(xrf1) =	vsort.ascd.msk.f32 $0xffff, v8, v9;
	_ =	sdelay $0xd  }
0xdf: {  	v8, v9, _ =	vpop (xrf1)  }
0xe0: {  	(xrf1) =	vunique.msk.u32 $0xffff, v9;
	_ =	sdelay $0xa  }
0xe1: {  	p0 =	sne.s32 s3, $0x40  }
.Ltmp2:
0xe2: {  	_ = 	snop;
	(pc) =	sbr.rel @p0 .LBB2_7-.Ltmp2, $4  }
0xe3: {  	_ = 	snop  }
0xe4: {  	_, v10, vm0 =	vpop (xrf1)  }
0xe5: {  	[tilespmem:s4+$0x1C200] =	vst v8;
	v9 =	vnsel vm0, $0x2800, v9  }
0xe6: {  	s3 =	sadd.s32 $0x40, s3;
	[tilespmem:s4+$0x1BE80] =	vst v9  }
0xe7: {  	p0 =	sne.s32 s0, $0xC40  }
.Ltmp3:
0xe8: {  	_ = 	snop;
	(pc) =	sbr.rel @!p0 .LBB2_10-.Ltmp3, $2  }
0xe9: {  	_ =	sdelay $0x2  }
0xea: {  	s3 =	sshra.s32 s0, $0x2;
	s0 =	sadd.s32 $0x40, s0  }
.LBB2_9:
0xeb: {  	p0 =	sne.s32 s0, $0xC40;
	v8 =	vld [tilespmem:s3+$0x1BB80];
	_ =	sdelay $0x7  }
0xec: {  	v9 =	vld.idx.msk [tilespmem:v8+s13+$0x0], $0xffff  }
0xed: {  	v10 =	vld [tilespmem:s3+$0x1BF00];
	_ =	sdelay $0x1  }
.Ltmp4:
0xee: {  	(pc) =	sbr.rel @p0 .LBB2_9-.Ltmp4, $3  }
0xef: {  	_ =	sdelay $0x1  }
0xf0: {  	v9 =	vmax.f32 v9, v10  }
0xf1: {  	s3 =	sshra.s32 s0, $0x2;
	s0 =	sadd.s32 $0x40, s0;
	[tilespmem:v8+s13+$0x0] =	vst.idx.msk $0xffff, v9  }
.LBB2_10:
0xf2: {  	v8 =	vld [tilespmem:s3+$0x1BB80];
	_ =	sdelay $0x6  }
0xf3: {  	v10 =	vld [tilespmem:s3+$0x1BF00]  }
0xf4: {  	s5 =	sadd.s32 $0x1, s5;
	v9 =	vld.idx.msk [tilespmem:v8+s13+$0x0], $0xffff  }
0xf5: {  	p0 =	sne.s32 s5, $0x19  }
.Ltmp5:
0xf6: {  	_ = 	snop;
	(pc) =	sbr.rel @p0 .LBB2_4-.Ltmp5, $3  }
0xf7: {  	_ =	sdelay $0x1  }
0xf8: {  	s6 =	sadd.s32 $0x320, s6;
	v9 =	vmax.f32 v9, v10  }
0xf9: {  	s22 =	sadd.s32 $0x320, s22;
	s23 =	sadd.s32 $0x320, s23;
	s24 =	sadd.s32 $0x320, s24;
	[tilespmem:v8+s13+$0x0] =	vst.idx.msk $0xffff, v9  }
0xfa: {  	s0 =	simm.s32 $0x0;
	s3 =	rddreg [dreg:$0x5]  }
0xfb: {  	[hbm4b:s3+s0] =	stream.linear.scatter [tilespmem:s13], [sflag:$0x2], $0x2800, $0x38;
	[tilespmem:$0x1C600] =	vst v63  }
0xfc: {  	_ =	swait.ge [sflag:s14], $0x2800  }
0xfd: {  	[sflag:s14] =	ssyncset.done $0x0  }
0xfe: {  	[sflag:s14] =	ssyncadd.s32 $0xFFFFD800  }
0xff: {  	[bflag:$0x0] =	sbarrier.arrive $0xFFFF  }
0x100: {  	s4 =	simm.s32 $0x13E00;
	s22 =	rddreg [dreg:$0x6]  }
0x101: {  	[tilespmem:s4], [sflag:$0x1] =	stream.linear.gather [hbm4b:s22+s0], $0x140, $0x38;
	[tilespmem:$0x1C600] =	vst v63  }
0x102: {  	s24 =	simm.s32 $0x13F40;
	s23 =	rddreg [dreg:$0x7]  }
0x103: {  	[tilespmem:s24], [sflag:$0x1] =	stream.linear.gather [hbm4b:s23+s0], $0x140, $0x38;
	[tilespmem:$0x1C600] =	vst v63  }
0x104: {  	s26 =	simm.s32 $0x14080;
	s25 =	rddreg [dreg:$0x8]  }
0x105: {  	[tilespmem:s26], [sflag:$0x1] =	stream.linear.gather [hbm4b:s25+s0], $0x140, $0x38;
	[tilespmem:$0x1C600] =	vst v63  }
0x106: {  	s31 =	simm.s32 $0x141C0;
	s30 =	rddreg [dreg:$0x9]  }
0x107: {  	[tilespmem:s31], [sflag:$0x1] =	stream.linear.gather [hbm4b:s30+s0], $0x140, $0x38;
	[tilespmem:$0x1C600] =	vst v63  }
0x108: {  	s5 =	simm.s32 $0x14300;
	s4 =	rddreg [dreg:$0xa]  }
0x109: {  	[tilespmem:s5], [sflag:$0x1] =	stream.linear.gather [hbm4b:s4+s0], $0x140, $0x38;
	[tilespmem:$0x1C600] =	vst v63  }
0x10a: {  	s7 =	simm.s32 $0x14440;
	s6 =	rddreg [dreg:$0xd]  }
0x10b: {  	[tilespmem:s7], [sflag:$0x1] =	stream.linear.gather [hbm4b:s6+s0], $0x140, $0x38;
	[tilespmem:$0x1C600] =	vst v63  }
0x10c: {  	s9 =	simm.s32 $0x14580;
	s8 =	rddreg [dreg:$0xe]  }
0x10d: {  	[tilespmem:s9], [sflag:$0x1] =	stream.linear.gather [hbm4b:s8+s0], $0x140, $0x38;
	[tilespmem:$0x1C600] =	vst v63  }
0x10e: {  	s10 =	rddreg [dreg:$0xf];
	s22 =	simm.s32 $0x146C0  }
0x10f: {  	[tilespmem:s22], [sflag:$0x1] =	stream.linear.gather [hbm4b:s10+s0], $0x140, $0x38;
	[tilespmem:$0x1C600] =	vst v63  }
0x110: {  	s23 =	rddreg [dreg:$0x10];
	s24 =	simm.s32 $0x14800  }
0x111: {  	[tilespmem:s24], [sflag:$0x1] =	stream.linear.gather [hbm4b:s23+s0], $0x140, $0x38;
	[tilespmem:$0x1C600] =	vst v63  }
0x112: {  	s25 =	rddreg [dreg:$0x11];
	s26 =	simm.s32 $0x14940  }
0x113: {  	[tilespmem:s26], [sflag:$0x1] =	stream.linear.gather [hbm4b:s25+s0], $0x140, $0x38;
	[tilespmem:$0x1C600] =	vst v63  }
0x114: {  	s30 =	rddreg [dreg:$0x12];
	s31 =	simm.s32 $0x14A80  }
0x115: {  	[tilespmem:s31], [sflag:$0x1] =	stream.linear.gather [hbm4b:s30+s0], $0x140, $0x38;
	[tilespmem:$0x1C600] =	vst v63  }
0x116: {  	s5 =	rddreg [dreg:$0x13];
	s6 =	simm.s32 $0x14BC0  }
0x117: {  	[tilespmem:s6], [sflag:$0x1] =	stream.linear.gather [hbm4b:s5+s0], $0x140, $0x38;
	[tilespmem:$0x1C600] =	vst v63  }
0x118: {  	s7 =	rddreg [dreg:$0x14];
	s8 =	simm.s32 $0x14D00  }
0x119: {  	[tilespmem:s8], [sflag:$0x1] =	stream.linear.gather [hbm4b:s7+s0], $0x140, $0x38;
	[tilespmem:$0x1C600] =	vst v63  }
0x11a: {  	s9 =	rddreg [dreg:$0x15];
	s10 =	simm.s32 $0x14E40  }
0x11b: {  	[tilespmem:s10], [sflag:$0x1] =	stream.linear.gather [hbm4b:s9+s0], $0x140, $0x38;
	[tilespmem:$0x1C600] =	vst v63  }
0x11c: {  	s22 =	rddreg [dreg:$0x16];
	s23 =	simm.s32 $0x14F80  }
0x11d: {  	[tilespmem:s23], [sflag:$0x1] =	stream.linear.gather [hbm4b:s22+s0], $0x140, $0x38;
	[tilespmem:$0x1C600] =	vst v63  }
0x11e: {  	s24 =	rddreg [dreg:$0x17];
	s25 =	simm.s32 $0x150C0  }
0x11f: {  	[tilespmem:s25], [sflag:$0x1] =	stream.linear.gather [hbm4b:s24+s0], $0x140, $0x38;
	[tilespmem:$0x1C600] =	vst v63  }
0x120: {  	_ =	swait.ge [sflag:s12], $0x140  }
0x121: {  	[sflag:s12] =	ssyncset.done $0x0  }
0x122: {  	[sflag:s12] =	ssyncadd.s32 $0xFFFFFEC0  }
0x123: {  	_ =	swait.ge [sflag:s12], $0x140  }
0x124: {  	[sflag:s12] =	ssyncset.done $0x0  }
0x125: {  	[sflag:s12] =	ssyncadd.s32 $0xFFFFFEC0  }
0x126: {  	_ =	swait.ge [sflag:s12], $0x140  }
0x127: {  	[sflag:s12] =	ssyncset.done $0x0  }
0x128: {  	[sflag:s12] =	ssyncadd.s32 $0xFFFFFEC0  }
0x129: {  	_ =	swait.ge [sflag:s12], $0x140  }
0x12a: {  	[sflag:s12] =	ssyncset.done $0x0  }
0x12b: {  	[sflag:s12] =	ssyncadd.s32 $0xFFFFFEC0  }
0x12c: {  	_ =	swait.ge [sflag:s12], $0x140  }
0x12d: {  	[sflag:s12] =	ssyncset.done $0x0  }
0x12e: {  	[sflag:s12] =	ssyncadd.s32 $0xFFFFFEC0  }
0x12f: {  	_ =	swait.ge [sflag:s12], $0x140  }
0x130: {  	[sflag:s12] =	ssyncset.done $0x0  }
0x131: {  	[sflag:s12] =	ssyncadd.s32 $0xFFFFFEC0  }
0x132: {  	_ =	swait.ge [sflag:s12], $0x140  }
0x133: {  	[sflag:s12] =	ssyncset.done $0x0  }
0x134: {  	[sflag:s12] =	ssyncadd.s32 $0xFFFFFEC0  }
0x135: {  	_ =	swait.ge [sflag:s12], $0x140  }
0x136: {  	[sflag:s12] =	ssyncset.done $0x0  }
0x137: {  	[sflag:s12] =	ssyncadd.s32 $0xFFFFFEC0  }
0x138: {  	_ =	swait.ge [sflag:s12], $0x140  }
0x139: {  	[sflag:s12] =	ssyncset.done $0x0  }
0x13a: {  	[sflag:s12] =	ssyncadd.s32 $0xFFFFFEC0  }
0x13b: {  	_ =	swait.ge [sflag:s12], $0x140  }
0x13c: {  	[sflag:s12] =	ssyncset.done $0x0  }
0x13d: {  	[sflag:s12] =	ssyncadd.s32 $0xFFFFFEC0  }
0x13e: {  	_ =	swait.ge [sflag:s12], $0x140  }
0x13f: {  	[sflag:s12] =	ssyncset.done $0x0  }
0x140: {  	[sflag:s12] =	ssyncadd.s32 $0xFFFFFEC0  }
0x141: {  	_ =	swait.ge [sflag:s12], $0x140  }
0x142: {  	[sflag:s12] =	ssyncset.done $0x0  }
0x143: {  	[sflag:s12] =	ssyncadd.s32 $0xFFFFFEC0  }
0x144: {  	_ =	swait.ge [sflag:s12], $0x140  }
0x145: {  	[sflag:s12] =	ssyncset.done $0x0  }
0x146: {  	[sflag:s12] =	ssyncadd.s32 $0xFFFFFEC0  }
0x147: {  	_ =	swait.ge [sflag:s12], $0x140  }
0x148: {  	s0 =	smul.u32 $0xCCCD, s0;
	[sflag:s12] =	ssyncset.done $0x0  }
0x149: {  	[sflag:s12] =	ssyncadd.s32 $0xFFFFFEC0  }
0x14a: {  	s0 =	sshrl.u32 s0, $0x14;
	_ =	swait.ge [sflag:s12], $0x140  }
0x14b: {  	s26 =	smul.u32 $0x14, s0;
	[sflag:s12] =	ssyncset.done $0x0  }
0x14c: {  	s30 =	smul.u32 $0x500, s0;
	[sflag:s12] =	ssyncadd.s32 $0xFFFFFEC0  }
0x14d: {  	s3 =	ssub.s32 $0x0, s26;
	_ =	swait.ge [sflag:s12], $0x140  }
0x14e: {  	s6 =	sshrl.u32 s30, $0x2;
	s31 =	sshll.u32 s3, $0x4;
	[sflag:s12] =	ssyncset.done $0x0  }
0x14f: {  	s3 =	simm.s32 $0x1;
	s0 =	sand.u32 $0xFFF0, s31;
	[sflag:s12] =	ssyncadd.s32 $0xFFFFFEC0  }
0x150: {  	s4 =	simm.s32 $0x2;
	s5 =	smul.u32 $0xCCCD, s3;
	s6 =	sadd.s32 s0, s6;
	v8 =	vld.idx.msk [tilespmem:v0+s0+$0x0 ss:$0x1], $0xffff  }
.LBB2_12:
0x151: {  	p0 =	sne.s32 s4, $0x13F;
	v9 =	vld [tilespmem:s6+$0x13E00]  }
0x152: {  	s5 =	sshrl.u32 s5, $0x14  }
0x153: {  	s6 =	smul.u32 $0x14, s5  }
.Ltmp6:
0x154: {  	(pc) =	sbr.rel @p0 .LBB2_12-.Ltmp6, $4  }
0x155: {  	s5 =	smul.u32 $0x500, s5;
	s6 =	ssub.s32 s3, s6;
	s3 =	smov.u32 s4  }
0x156: {  	s6 =	sshll.u32 s6, $0x4;
	v8 =	vmax.f32 v8, v9  }
0x157: {  	s7 =	sshrl.u32 s5, $0x2;
	[tilespmem:v0+s0+$0x0 ss:$0x1] =	vst.idx.msk $0xffff, v8;
	s0 =	sand.u32 $0xFFF0, s6  }
0x158: {  	s4 =	sadd.s32 $0x1, s4;
	s5 =	smul.u32 $0xCCCD, s3;
	v8 =	vld.idx.msk [tilespmem:v0+s0+$0x0 ss:$0x1], $0xffff;
	s6 =	sadd.s32 s0, s7  }
0x159: {  	v9 =	vld [tilespmem:s6+$0x13E00]  }
0x15a: {  	s4 =	sshrl.u32 s5, $0x14  }
0x15b: {  	s5 =	smul.u32 $0x14, s4;
	_ =	sdelay $0x1  }
0x15c: {  	s4 =	smul.u32 $0x500, s4;
	s3 =	ssub.s32 s3, s5  }
0x15d: {  	s3 =	sshll.u32 s3, $0x4;
	v8 =	vmax.f32 v8, v9  }
0x15e: {  	s4 =	sshrl.u32 s4, $0x2;
	s3 =	sand.u32 $0xFFF0, s3;
	[tilespmem:v0+s0+$0x0 ss:$0x1] =	vst.idx.msk $0xffff, v8  }
0x15f: {  	v8 =	vld.idx.msk [tilespmem:v0+s3+$0x0 ss:$0x1], $0xffff;
	s24 =	sadd.s32 s3, s4  }
0x160: {  	v63 =	vld [tilespmem:s24+$0x13E00];
	_ =	sdelay $0x4  }
0x161: {  	v8 =	vmax.f32 v8, v63  }
0x162: {  	[tilespmem:v0+s3+$0x0 ss:$0x1] =	vst.idx.msk $0xffff, v8  }
0x163: {  	v8 =	vld [tilespmem:s2+$0xC500];
	_ =	sdelay $0x4  }
0x164: {  	[tilespmem:$0x13E00] =	vst v8  }
0x165: {  	v8 =	vld [tilespmem:s2+$0xC510];
	_ =	sdelay $0x4  }
0x166: {  	[tilespmem:$0x13E10] =	vst v8  }
0x167: {  	v8 =	vld [tilespmem:s2+$0xC520];
	_ =	sdelay $0x4  }
0x168: {  	[tilespmem:$0x13E20] =	vst v8  }
0x169: {  	v8 =	vld [tilespmem:s2+$0xC530];
	_ =	sdelay $0x4  }
0x16a: {  	[tilespmem:$0x13E30] =	vst v8  }
0x16b: {  	v8 =	vld [tilespmem:s2+$0xC540];
	_ =	sdelay $0x4  }
0x16c: {  	[tilespmem:$0x13E40] =	vst v8  }
0x16d: {  	v8 =	vld [tilespmem:s2+$0xC550];
	_ =	sdelay $0x4  }
0x16e: {  	[tilespmem:$0x13E50] =	vst v8  }
0x16f: {  	v8 =	vld [tilespmem:s2+$0xC560];
	_ =	sdelay $0x4  }
0x170: {  	[tilespmem:$0x13E60] =	vst v8  }
0x171: {  	v8 =	vld [tilespmem:s2+$0xC570];
	_ =	sdelay $0x4  }
0x172: {  	[tilespmem:$0x13E70] =	vst v8  }
0x173: {  	v8 =	vld [tilespmem:s2+$0xC580];
	_ =	sdelay $0x4  }
0x174: {  	[tilespmem:$0x13E80] =	vst v8  }
0x175: {  	v8 =	vld [tilespmem:s2+$0xC590];
	_ =	sdelay $0x4  }
0x176: {  	[tilespmem:$0x13E90] =	vst v8  }
0x177: {  	v8 =	vld [tilespmem:s2+$0xC5A0];
	_ =	sdelay $0x4  }
0x178: {  	[tilespmem:$0x13EA0] =	vst v8  }
0x179: {  	v8 =	vld [tilespmem:s2+$0xC5B0];
	_ =	sdelay $0x4  }
0x17a: {  	[tilespmem:$0x13EB0] =	vst v8  }
0x17b: {  	v8 =	vld [tilespmem:s2+$0xC5C0];
	_ =	sdelay $0x4  }
0x17c: {  	[tilespmem:$0x13EC0] =	vst v8  }
0x17d: {  	v8 =	vld [tilespmem:s2+$0xC5D0];
	_ =	sdelay $0x4  }
0x17e: {  	[tilespmem:$0x13ED0] =	vst v8  }
0x17f: {  	v8 =	vld [tilespmem:s2+$0xC5E0];
	_ =	sdelay $0x4  }
0x180: {  	[tilespmem:$0x13EE0] =	vst v8  }
0x181: {  	v8 =	vld [tilespmem:s2+$0xC5F0];
	_ =	sdelay $0x4  }
0x182: {  	[tilespmem:$0x13EF0] =	vst v8  }
0x183: {  	v8 =	vld [tilespmem:s2+$0xC600];
	_ =	sdelay $0x4  }
0x184: {  	[tilespmem:$0x13F00] =	vst v8  }
0x185: {  	v8 =	vld [tilespmem:s2+$0xC610];
	_ =	sdelay $0x4  }
0x186: {  	[tilespmem:$0x13F10] =	vst v8  }
0x187: {  	v8 =	vld [tilespmem:s2+$0xC620];
	_ =	sdelay $0x4  }
0x188: {  	[tilespmem:$0x13F20] =	vst v8  }
0x189: {  	v8 =	vld [tilespmem:s2+$0xC630];
	_ =	sdelay $0x4  }
0x18a: {  	s22 =	simm.s32 $0x0;
	s25 =	rddreg [dreg:$0xb];
	s26 =	simm.s32 $0x13E00;
	[tilespmem:$0x13F30] =	vst v8  }
0x18b: {  	[hbm4b:s25+s22] =	stream.linear.scatter [tilespmem:s26], [sflag:$0x2], $0x140, $0x38;
	[tilespmem:$0x1C600] =	vst v63  }
0x18c: {  	_ =	swait.ge [sflag:s14], $0x140  }
0x18d: {  	[sflag:s14] =	ssyncset.done $0x0  }
0x18e: {  	[sflag:s14] =	ssyncadd.s32 $0xFFFFFEC0  }
0x18f: {  	[bflag:$0x0] =	sbarrier.arrive $0xFFFF  }
0x190: {  	s31 =	sld [smem:$0x7F7];
	_ =	sdelay $0x1  }
0x191: {  	s30 =	rddreg [dreg:$0xc]  }
0x192: {  	[tilespmem:s31], [sflag:$0x2] =	stream.linear.gather [hbm4b:s30+s22], $0x1400, $0x38;
	[tilespmem:$0x1C600] =	vst v63  }
0x193: {  	s23 =	simm.s32 $0x4EA0;
	s6 =	smov.u32 s15;
	_ =	swait.ge [sflag:s14], $0x1400  }
0x194: {  	s24 =	simm.s32 $0x20;
	s25 =	simm.s32 $0x300;
	[sflag:s14] =	ssyncset.done $0x0  }
0x195: {  	s26 =	simm.s32 $0x5180;
	s5 =	sld [smem:$0x7F9];
	[sflag:s14] =	ssyncadd.s32 $0xFFFFEC00  }
.LBB2_14:
0x196: {  	v8 =	vld [tilespmem:s24+$0x10]  }
0x197: {  	v9 =	vld [tilespmem:s23+$0x10]  }
0x198: {  	v10 =	vld [tilespmem:s23+$0xFFFFFFE0]  }
0x199: {  	v11 =	vld [tilespmem:s24+$0xFFFFFFF0]  }
0x19a: {  	v12 =	vld [tilespmem:s23+$0xFFFFFFF0]  }
0x19b: {  	v13 =	vld [tilespmem:s24+$0x0]  }
0x19c: {  	v15 =	vld [tilespmem:s24+$0xFFFFFFE0]  }
0x19d: {  	v14 =	vld [tilespmem:s23+$0x0];
	s0 =	sadd.s32 $0x40, s24  }
0x19e: {  	s3 =	sadd.s32 $0x40, s23;
	v24 =	vld [tilespmem:s0+$0x10]  }
0x19f: {  	v25 =	vld [tilespmem:s3+$0x10]  }
0x1a0: {  	v16 =	vld.idx.msk [tilespmem:v8+s11+$0x0], $0xffff  }
0x1a1: {  	v17 =	vld.idx.msk [tilespmem:v9+s13+$0x0], $0xffff  }
0x1a2: {  	v18 =	vld.idx.msk [tilespmem:v10+s13+$0x0], $0xffff  }
0x1a3: {  	v19 =	vld.idx.msk [tilespmem:v11+s11+$0x0], $0xffff  }
0x1a4: {  	v23 =	vld.idx.msk [tilespmem:v15+s11+$0x0], $0xffff  }
0x1a5: {  	v20 =	vld.idx.msk [tilespmem:v12+s13+$0x0], $0xffff  }
0x1a6: {  	v21 =	vld.idx.msk [tilespmem:v13+s11+$0x0], $0xffff  }
0x1a7: {  	v22 =	vld.idx.msk [tilespmem:v14+s13+$0x0], $0xffff;
	v8 =	vshll.u32 v8, $0xE;
	vm0 =	veq.f32 v16, v17;
	v16 =	vor.u32 s5, v6  }
0x1a8: {  	v26 =	vld [tilespmem:s3+$0xFFFFFFE0];
	v8 =	vor.u32 v8, v9;
	v9 =	vnsel vm0, $0x8004E200, v16  }
0x1a9: {  	s4 =	sadd.s32 $0xFFFFFFE0, s5;
	v11 =	vshll.u32 v11, $0xE;
	v17 =	vld [tilespmem:s0+$0xFFFFFFF0];
	vm1 =	veq.f32 v23, v18;
	(xrf1) =	vsort.dscd.msk.u32 $0xffff, v9, v8  }
0x1aa: {  	v18 =	vld.idx.msk [tilespmem:v25+s13+$0x0], $0xffff;
	vm0 =	veq.f32 v19, v20;
	v9 =	vshll.u32 v13, $0xE;
	v13 =	vor.u32 s4, v6  }
0x1ab: {  	s30 =	sadd.s32 $0xFFFFFFF0, s5;
	v11 =	vor.u32 v11, v12;
	v16 =	vld [tilespmem:s3+$0xFFFFFFF0];
	v9 =	vor.u32 v9, v14;
	v12 =	vnsel vm0, $0x8004E200, v13  }
0x1ac: {  	v19 =	vld [tilespmem:s3+$0x0];
	v14 =	vshll.u32 v15, $0xE;
	v15 =	vor.u32 s30, v6;
	vm0 =	veq.f32 v21, v22;
	(xrf1) =	vsort.dscd.msk.u32 $0xffff, v12, v11  }
0x1ad: {  	v8 =	vld [tilespmem:s0+$0x0];
	v15 =	vnsel vm0, $0x8004E200, v15  }
0x1ae: {  	s10 =	sadd.s32 $0x40, s3;
	s7 =	sadd.s32 $0xFFFFFFD0, s5;
	v13 =	vld [tilespmem:s0+$0xFFFFFFE0];
	(xrf1) =	vsort.dscd.msk.u32 $0xffff, v15, v9  }
0x1af: {  	v22 =	vld [tilespmem:s10+$0x10];
	v12 =	vor.u32 s7, v6  }
0x1b0: {  	s0 =	sadd.s32 $0x40, s0;
	v11 =	vld.idx.msk [tilespmem:v24+s11+$0x0], $0xffff;
	v10 =	vor.u32 v14, v10;
	v12 =	vnsel vm1, $0x8004E200, v12  }
0x1b1: {  	v21 =	vld [tilespmem:s0+$0x10];
	(xrf1) =	vsort.dscd.msk.u32 $0xffff, v12, v10  }
0x1b2: {  	v9 =	vld.idx.msk [tilespmem:v26+s13+$0x0], $0xffff  }
0x1b3: {  	v10 =	vld.idx.msk [tilespmem:v17+s11+$0x0], $0xffff  }
0x1b4: {  	v12 =	vld.idx.msk [tilespmem:v16+s13+$0x0], $0xffff  }
0x1b5: {  	s30 =	sadd.s32 $0x40, s5;
	v15 =	vld.idx.msk [tilespmem:v19+s13+$0x0], $0xffff  }
0x1b6: {  	vm0 =	veq.f32 v11, v18;
	v11 =	vshll.u32 v24, $0xE;
	v18 =	vor.u32 s30, v6;
	v14 =	vld.idx.msk [tilespmem:v8+s11+$0x0], $0xffff  }
0x1b7: {  	v17 =	vshll.u32 v17, $0xE;
	v11 =	vor.u32 v11, v25;
	v18 =	vnsel vm0, $0x8004E200, v18;
	v20 =	vld.idx.msk [tilespmem:v13+s11+$0x0], $0xffff;
	v24, v27, _ =	vpop (xrf1)  }
0x1b8: {  	s8 =	sadd.s32 $0xFFFFFFE0, s30;
	v16 =	vor.u32 v17, v16;
	(xrf1) =	vsort.dscd.msk.u32 $0xffff, v18, v11;
	v11 =	vand.u32 $0x3FFF, v27  }
0x1b9: {  	v17 =	vld [tilespmem:s10+$0xFFFFFFF0];
	v8 =	vshll.u32 v8, $0xE;
	vm0 =	veq.f32 v10, v12;
	v10 =	vor.u32 s8, v6;
	(xrf1) =	vunique.msk.u32 $0xffff, v11  }
0x1ba: {  	s9 =	sadd.s32 $0xFFFFFFF0, s30;
	v8 =	vor.u32 v8, v19;
	v19 =	vld [tilespmem:s10+$0x0];
	v12 =	vshll.u32 v13, $0xE;
	v10 =	vnsel vm0, $0x8004E200, v10;
	v18, v28, _ =	vpop (xrf1)  }
0x1bb: {  	v25 =	vld [tilespmem:s0+$0xFFFFFFF0];
	v13 =	vor.u32 s9, v6;
	vm0 =	veq.f32 v14, v15;
	v29 =	vand.u32 $0x3FFF, v28;
	(xrf1) =	vsort.dscd.msk.u32 $0xffff, v10, v16  }
0x1bc: {  	vm1 =	veq.f32 v20, v9;
	v9 =	vnsel vm0, $0x8004E200, v13;
	v13 =	vld.idx.msk [tilespmem:v21+s11+$0x0], $0xffff;
	v16, v30, _ =	vpop (xrf1);
	(xrf1) =	vunique.msk.u32 $0xffff, v29  }
0x1bd: {  	s8 =	sadd.s32 $0xFFFFFFD0, s30;
	(xrf1) =	vsort.dscd.msk.u32 $0xffff, v9, v8;
	v8 =	vld.idx.msk [tilespmem:v22+s13+$0x0], $0xffff  }
0x1be: {  	v15 =	vld [tilespmem:s0+$0xFFFFFFE0];
	v10 =	vor.u32 s8, v6  }
0x1bf: {  	v12 =	vor.u32 v12, v26;
	v11 =	vld [tilespmem:s0+$0x0];
	v20, v26, _ =	vpop (xrf1);
	v10 =	vnsel vm1, $0x8004E200, v10  }
0x1c0: {  	v23 =	vld [tilespmem:s10+$0xFFFFFFE0];
	v9 =	vand.u32 $0x3FFF, v26;
	(xrf1) =	vsort.dscd.msk.u32 $0xffff, v10, v12  }
0x1c1: {  	s4 =	sadd.s32 $0x40, s30;
	v10 =	vand.u32 $0x3FFF, v30;
	(xrf1) =	vunique.msk.u32 $0xffff, v9  }
0x1c2: {  	v32 =	vld.idx.msk [tilespmem:v19+s13+$0x0], $0xffff;
	(xrf1) =	vunique.msk.u32 $0xffff, v10;
	v10 =	vor.u32 s4, v6;
	vm0 =	veq.f32 v13, v8  }
0x1c3: {  	v29 =	vld.idx.msk [tilespmem:v17+s13+$0x0], $0xffff;
	v10 =	vnsel vm0, $0x8004E200, v10  }
0x1c4: {  	s8 =	sadd.s32 $0x40, s0;
	v9 =	vld.idx.msk [tilespmem:v25+s11+$0x0], $0xffff;
	v8 =	vshll.u32 v21, $0xE  }
0x1c5: {  	v34 =	vld [tilespmem:s8+$0x10];
	v8 =	vor.u32 v8, v22  }
0x1c6: {  	v33 =	vld.idx.msk [tilespmem:v15+s11+$0x0], $0xffff;
	(xrf1) =	vsort.dscd.msk.u32 $0xffff, v10, v8;
	v10, v14, _ =	vpop (xrf1)  }
0x1c7: {  	v31 =	vld.idx.msk [tilespmem:v11+s11+$0x0], $0xffff;
	v8 =	vshll.u32 v11, $0xE;
	v11 =	vshll.u32 v15, $0xE;
	v15 =	vxor.u32 $0x80000000, v24;
	_, v22, vm0 =	vpop (xrf1)  }
0x1c8: {  	s3 =	sadd.s32 $0x40, s10;
	s10 =	sadd.s32 $0xFFFFFFE0, s4;
	v12 =	vld.idx.msk [tilespmem:v23+s13+$0x0], $0xffff;
	v21 =	vshll.u32 v25, $0xE;
	v23 =	vor.u32 v11, v23;
	v11 =	vnsel vm0, $0x4E200, v15  }
0x1c9: {  	v13 =	vld [tilespmem:s3+$0x10];
	v15 =	vand.u32 $0x3FFF, v14;
	vm0 =	veq.f32 v9, v29;
	v9 =	vor.u32 s10, v6  }
0x1ca: {  	s31 =	simm.s32 $0x1BBA0;
	s9 =	sadd.s32 $0xFFFFFFF0, s4;
	v17 =	vor.u32 v21, v17;
	v21 =	vld [tilespmem:s3+$0xFFFFFFE0];
	v9 =	vnsel vm0, $0x8004E200, v9  }
0x1cb: {  	v24 =	vld [tilespmem:s3+$0xFFFFFFF0];
	[tilespmem:s31+$0x10] =	vst v11;
	v11 =	vor.u32 s9, v6  }
0x1cc: {  	v19 =	vor.u32 v8, v19;
	v22 =	vld [tilespmem:s8+$0xFFFFFFF0];
	v25, v8, _ =	vpop (xrf1);
	(xrf1) =	vunique.msk.u32 $0xffff, v15  }
0x1cd: {  	s30 =	sadd.s32 $0xFFFFFFD0, s4;
	v18 =	vxor.u32 $0x80000000, v18;
	s0 =	simm.s32 $0x1C2A0;
	vm1 =	veq.f32 v31, v32;
	v29 =	vld [tilespmem:s8+$0x0];
	_, v15, vm0 =	vpop (xrf1)  }
0x1ce: {  	v35 =	vld [tilespmem:s3+$0x0];
	[tilespmem:s0+$0x10] =	vst v27;
	(xrf1) =	vsort.dscd.msk.u32 $0xffff, v9, v17;
	v27 =	vor.u32 s30, v6;
	v15 =	vand.u32 $0x3FFF, v8;
	v17, v9, _ =	vpop (xrf1)  }
0x1cf: {  	v31 =	vld [tilespmem:s8+$0xFFFFFFE0];
	v32 =	vnsel vm1, $0x8004E200, v11;
	v18 =	vnsel vm0, $0x4E200, v18;
	vm0 =	veq.f32 v33, v12;
	v62, v11, _ =	vpop (xrf1);
	(xrf1) =	vunique.msk.u32 $0xffff, v15  }
0x1d0: {  	v37 =	vxor.u32 $0x80000000, v16;
	v20 =	vxor.u32 $0x80000000, v20;
	v36 =	vld.idx.msk [tilespmem:v34+s11+$0x0], $0xffff;
	v15 =	vnsel vm0, $0x8004E200, v27;
	(xrf1) =	vsort.dscd.msk.u32 $0xffff, v32, v19;
	_, v16, vm0 =	vpop (xrf1)  }
0x1d1: {  	v63 =	vld.idx.msk [tilespmem:v13+s13+$0x0], $0xffff;
	v19 =	vnsel vm0, $0x4E200, v20;
	(xrf1) =	vsort.dscd.msk.u32 $0xffff, v15, v23;
	v20 =	vand.u32 $0x3FFF, v11;
	v15 =	vxor.u32 $0x80000000, v17;
	_, v17, vm0 =	vpop (xrf1)  }
0x1d2: {  	v38 =	vand.u32 $0x3FFF, v9;
	[tilespmem:s31+$0xFFFFFFF0] =	vst v18;
	v18 =	vld.idx.msk [tilespmem:v21+s13+$0x0], $0xffff;
	v17 =	vshll.u32 v22, $0xE;
	(xrf1) =	vunique.msk.u32 $0xffff, v20  }
0x1d3: {  	v27 =	vld.idx.msk [tilespmem:v24+s13+$0x0], $0xffff;
	[tilespmem:s31+$0xFFFFFFE0] =	vst v19;
	v19 =	vor.u32 v17, v24;
	v17 =	vshll.u32 v29, $0xE;
	(xrf1) =	vunique.msk.u32 $0xffff, v38  }
0x1d4: {  	v12 =	vxor.u32 $0x80000000, v25;
	[tilespmem:s0+$0xFFFFFFF0] =	vst v28;
	v25 =	vld.idx.msk [tilespmem:v22+s11+$0x0], $0xffff;
	v23 =	vnsel vm0, $0x4E200, v37  }
0x1d5: {  	v28 =	vshll.u32 v34, $0xE;
	v22 =	vld.idx.msk [tilespmem:v29+s11+$0x0], $0xffff;
	[tilespmem:s0+$0xFFFFFFE0] =	vst v26  }
0x1d6: {  	s7 =	simm.s32 $0xC;
	s4 =	sadd.s32 $0x40, s4;
	v16 =	vxor.u32 $0x80000000, v62;
	vm0 =	veq.f32 v36, v63;
	v24 =	vshll.u32 v31, $0xE;
	[tilespmem:s31+$0x0] =	vst v23;
	v26 =	vld.idx.msk [tilespmem:v35+s13+$0x0], $0xffff  }
0x1d7: {  	s10 =	sadd.s32 $0xFFFFFFE0, s4;
	s8 =	sadd.s32 $0x40, s8;
	s9 =	sadd.s32 $0xFFFFFFD0, s4;
	v29 =	vor.u32 s4, v6;
	v20 =	vor.u32 v17, v35;
	v21 =	vor.u32 v24, v21;
	[tilespmem:s0+$0x0] =	vst v30;
	v24 =	vld.idx.msk [tilespmem:v31+s11+$0x0], $0xffff;
	v23, v17, _ =	vpop (xrf1)  }
.LBB2_15:
0x1d8: {  	v32 =	vxor.u32 $0x80000000, v10;
	_ =	sdelay $0x1  }
0x1d9: {  	v30 =	vld [tilespmem:s8+$0x10];
	s30 =	sadd.s32 $0xFFFFFFF0, s4;
	v28 =	vor.u32 v28, v13;
	v29 =	vnsel vm0, $0x8004E200, v29;
	s3 =	sadd.s32 $0x40, s3;
	_, v13, vm0 =	vpop (xrf1)  }
0x1da: {  	v31 =	vor.u32 s9, v6;
	s31 =	sadd.s32 $0x40, s31;
	v10 =	vmovc v23;
	v13 =	vld [tilespmem:s3+$0x10];
	(xrf1) =	vsort.dscd.msk.u32 $0xffff, v29, v28;
	v28 =	vand.u32 $0x3FFF, v17;
	v29 =	vnsel vm0, $0x4E200, v32  }
0x1db: {  	s0 =	sadd.s32 $0x40, s0;
	vm0 =	veq.f32 v25, v27;
	v25 =	vor.u32 s10, v6;
	v23 =	vld [tilespmem:s3+$0xFFFFFFE0];
	[tilespmem:s31+$0x10] =	vst v29;
	v27, v32, _ =	vpop (xrf1);
	(xrf1) =	vunique.msk.u32 $0xffff, v28  }
0x1dc: {  	s7 =	sadd.s32 $0x4, s7;
	v37 =	vnsel vm0, $0x8004E200, v25;
	v29 =	vor.u32 s30, v6;
	v28 =	vld [tilespmem:s8+$0xFFFFFFF0];
	v33 =	vand.u32 $0x3FFF, v32;
	[tilespmem:s0+$0x10] =	vst v14;
	_, v14, vm0 =	vpop (xrf1)  }
0x1dd: {  	p0 =	slt.u32 s7, $0x2C;
	vm1 =	veq.f32 v22, v26;
	v34 =	vld [tilespmem:s3+$0xFFFFFFF0];
	(xrf1) =	vsort.dscd.msk.u32 $0xffff, v37, v19;
	v14, v22, _ =	vpop (xrf1);
	v36 =	vnsel vm0, $0x4E200, v12;
	v12 =	vxor.u32 $0x80000000, v27  }
0x1de: {  	vm0 =	veq.f32 v24, v18;
	v18 =	vnsel vm1, $0x8004E200, v29;
	v26 =	vld [tilespmem:s8+$0x0];
	v24 =	vand.u32 $0x3FFF, v22;
	v35, v27, _ =	vpop (xrf1);
	(xrf1) =	vunique.msk.u32 $0xffff, v33  }
0x1df: {  	v31 =	vnsel vm0, $0x8004E200, v31;
	v29 =	vld [tilespmem:s3+$0x0];
	(xrf1) =	vsort.dscd.msk.u32 $0xffff, v18, v20;
	v18 =	vxor.u32 $0x80000000, v35;
	v20 =	vand.u32 $0x3FFF, v27;
	_, v25, vm0 =	vpop (xrf1)  }
0x1e0: {  	v14 =	vxor.u32 $0x80000000, v14;
	v33 =	vld [tilespmem:s8+$0xFFFFFFE0];
	(xrf1) =	vsort.dscd.msk.u32 $0xffff, v31, v21;
	v25 =	vnsel vm0, $0x4E200, v16;
	[tilespmem:s31+$0xFFFFFFF0] =	vst v36;
	_, v19, vm0 =	vpop (xrf1)  }
0x1e1: {  	v16 =	vmovc v18;
	v19 =	vshll.u32 v28, $0xE;
	v31 =	vld.idx.msk [tilespmem:v30+s11+$0x0], $0xffff;
	(xrf1) =	vunique.msk.u32 $0xffff, v20;
	[tilespmem:s31+$0xFFFFFFE0] =	vst v25;
	v21 =	vnsel vm0, $0x4E200, v15  }
0x1e2: {  	v15 =	vmovc v14;
	v19 =	vor.u32 v19, v34;
	v35 =	vld.idx.msk [tilespmem:v13+s13+$0x0], $0xffff;
	(xrf1) =	vunique.msk.u32 $0xffff, v24;
	[tilespmem:s0+$0xFFFFFFE0] =	vst v11;
	v11 =	vmov v27  }
0x1e3: {  	v14 =	vmov v17;
	v18 =	vld.idx.msk [tilespmem:v23+s13+$0x0], $0xffff;
	v20 =	vshll.u32 v26, $0xE;
	[tilespmem:s0+$0xFFFFFFF0] =	vst v8;
	v8 =	vmov v32  }
.Ltmp7:
0x1e4: {  	v25 =	vld.idx.msk [tilespmem:v28+s11+$0x0], $0xffff;
	v20 =	vor.u32 v20, v29;
	[tilespmem:s31+$0x0] =	vst v21;
	(pc) =	sbr.rel @p0 .LBB2_15-.Ltmp7, $4  }
0x1e5: {  	v32 =	vshll.u32 v33, $0xE;
	v27 =	vld.idx.msk [tilespmem:v34+s13+$0x0], $0xffff;
	[tilespmem:s0+$0x0] =	vst v9;
	v9 =	vmov v22  }
0x1e6: {  	v21 =	vor.u32 v32, v23;
	v22 =	vld.idx.msk [tilespmem:v26+s11+$0x0], $0xffff  }
0x1e7: {  	s4 =	sadd.s32 $0x40, s4;
	v26 =	vld.idx.msk [tilespmem:v29+s13+$0x0], $0xffff  }
0x1e8: {  	s9 =	sadd.s32 $0xFFFFFFD0, s4;
	s10 =	sadd.s32 $0xFFFFFFE0, s4;
	s8 =	sadd.s32 $0x40, s8;
	v28 =	vshll.u32 v30, $0xE;
	vm0 =	veq.f32 v31, v35;
	v29 =	vor.u32 s4, v6;
	v24 =	vld.idx.msk [tilespmem:v33+s11+$0x0], $0xffff;
	v23, v17, _ =	vpop (xrf1)  }
0x1e9: {  	v13 =	vor.u32 v28, v13;
	v63 =	vnsel vm0, $0x8004E200, v29  }
0x1ea: {  	_, v29, vm0 =	vpop (xrf1);
	(xrf1) =	vsort.dscd.msk.u32 $0xffff, v63, v13  }
0x1eb: {  	v32 =	vand.u32 $0x3FFF, v17;
	v33 =	vor.u32 s10, v6;
	vm1 =	veq.f32 v25, v27  }
0x1ec: {  	s3 =	sadd.s32 $0xFFFFFFF0, s4;
	v35, v34, _ =	vpop (xrf1);
	(xrf1) =	vunique.msk.u32 $0xffff, v32;
	v36 =	vnsel vm1, $0x8004E200, v33  }
0x1ed: {  	v37 =	vor.u32 s3, v6;
	v29 =	vand.u32 $0x3FFF, v34;
	vm7 =	veq.f32 v22, v26;
	(xrf1) =	vsort.dscd.msk.u32 $0xffff, v36, v19  }
0x1ee: {  	v38 =	vor.u32 s9, v6;
	vm2 =	veq.f32 v24, v18;
	v39 =	vnsel vm7, $0x8004E200, v37;
	(xrf1) =	vunique.msk.u32 $0xffff, v29  }
0x1ef: {  	v13 =	vnsel vm2, $0x8004E200, v38;
	(xrf1) =	vsort.dscd.msk.u32 $0xffff, v39, v20  }
0x1f0: {  	(xrf1) =	vsort.dscd.msk.u32 $0xffff, v13, v21;
	_ =	sdelay $0x1  }
0x1f1: {  	_, v40, vm8 =	vpop (xrf1)  }
0x1f2: {  	v13, v41, _ =	vpop (xrf1)  }
0x1f3: {  	v42, v43, _ =	vpop (xrf1)  }
0x1f4: {  	v44 =	vand.u32 $0x3FFF, v43  }
0x1f5: {  	_, v45, vm9 =	vpop (xrf1);
	(xrf1) =	vunique.msk.u32 $0xffff, v44  }
0x1f6: {  	v48 =	vand.u32 $0x3FFF, v41;
	_, v46, vm3 =	vpop (xrf1)  }
0x1f7: {  	v47, v22, _ =	vpop (xrf1);
	(xrf1) =	vunique.msk.u32 $0xffff, v48  }
0x1f8: {  	v51 =	vand.u32 $0x3FFF, v22  }
0x1f9: {  	_, v49, vm4 =	vpop (xrf1);
	(xrf1) =	vunique.msk.u32 $0xffff, v51  }
0x1fa: {  	v10 =	vxor.u32 $0x80000000, v10;
	v50, v25, _ =	vpop (xrf1)  }
0x1fb: {  	s30 =	sadd.s32 $0x40, s31;
	v10 =	vnsel vm0, $0x4E200, v10;
	_, v29, vm10 =	vpop (xrf1)  }
0x1fc: {  	s0 =	sadd.s32 $0x40, s0;
	[tilespmem:s30+$0x10] =	vst v10;
	v52, v53, _ =	vpop (xrf1)  }
0x1fd: {  	[tilespmem:s0+$0x10] =	vst v14;
	v12 =	vnsel vm8, $0x4E200, v12;
	v54 =	vand.u32 $0x3FFF, v25;
	v29, v30, _ =	vpop (xrf1)  }
0x1fe: {  	[tilespmem:s30+$0xFFFFFFF0] =	vst v12;
	(xrf1) =	vunique.msk.u32 $0xffff, v54;
	v55 =	vand.u32 $0x3FFF, v30  }
0x1ff: {  	[tilespmem:s0+$0xFFFFFFF0] =	vst v8;
	v16 =	vnsel vm9, $0x4E200, v16;
	(xrf1) =	vunique.msk.u32 $0xffff, v55  }
0x200: {  	[tilespmem:s30+$0xFFFFFFE0] =	vst v16  }
0x201: {  	v57 =	vxor.u32 $0x80000000, v23;
	v56 =	vnsel vm3, $0x4E200, v15;
	[tilespmem:s0+$0xFFFFFFE0] =	vst v11;
	v8 =	vand.u32 $0x3FFF, v53  }
0x202: {  	s3 =	sadd.s32 $0x40, s30;
	[tilespmem:s30+$0x0] =	vst v56;
	(xrf1) =	vunique.msk.u32 $0xffff, v8;
	v8 =	vnsel vm4, $0x4E200, v57  }
0x203: {  	[tilespmem:s3+$0x10] =	vst v8;
	v8 =	vxor.u32 $0x80000000, v42;
	_, v59, vm11 =	vpop (xrf1)  }
0x204: {  	v58 =	vxor.u32 $0x80000000, v35;
	[tilespmem:s0+$0x0] =	vst v9;
	v8 =	vnsel vm11, $0x4E200, v8  }
0x205: {  	v9 =	vnsel vm10, $0x4E200, v58;
	[tilespmem:s3+$0xFFFFFFE0] =	vst v8;
	v8 =	vxor.u32 $0x80000000, v13;
	_, v60, vm12 =	vpop (xrf1)  }
0x206: {  	[tilespmem:s3+$0xFFFFFFF0] =	vst v9;
	v8 =	vnsel vm12, $0x4E200, v8  }
0x207: {  	s0 =	sadd.s32 $0x40, s0;
	[tilespmem:s3+$0x0] =	vst v8;
	v8 =	vxor.u32 $0x80000000, v47;
	_, v61, vm13 =	vpop (xrf1)  }
0x208: {  	[tilespmem:s0+$0xFFFFFFF0] =	vst v34;
	v8 =	vnsel vm13, $0x4E200, v8  }
0x209: {  	[tilespmem:s0+$0x10] =	vst v17  }
0x20a: {  	[tilespmem:s0+$0xFFFFFFE0] =	vst v43  }
0x20b: {  	s3 =	sadd.s32 $0x40, s3;
	[tilespmem:s0+$0x0] =	vst v41  }
0x20c: {  	s31 =	sadd.s32 $0x40, s0;
	v9 =	vxor.u32 $0x80000000, v50;
	[tilespmem:s3+$0x10] =	vst v8;
	_, v8, vm0 =	vpop (xrf1)  }
0x20d: {  	[tilespmem:s31+$0x10] =	vst v22;
	v8 =	vxor.u32 $0x80000000, v29;
	v9 =	vnsel vm0, $0x4E200, v9;
	_, v62, vm14 =	vpop (xrf1)  }
0x20e: {  	v8 =	vnsel vm14, $0x4E200, v8;
	[tilespmem:s3+$0xFFFFFFF0] =	vst v9  }
0x20f: {  	[tilespmem:s3+$0xFFFFFFE0] =	vst v8  }
0x210: {  	_, v63, vm15 =	vpop (xrf1);
	v8 =	vxor.u32 $0x80000000, v52;
	[tilespmem:s31+$0xFFFFFFF0] =	vst v25  }
0x211: {  	[tilespmem:s31+$0xFFFFFFE0] =	vst v30;
	v8 =	vnsel vm15, $0x4E200, v8  }
0x212: {  	[tilespmem:s3+$0x0] =	vst v8  }
0x213: {  	s4 =	simm.s32 $0x0;
	s0 =	simm.s32 $0x0;
	s3 =	smov.u32 s6;
	[tilespmem:s31+$0x0] =	vst v53  }
.LBB2_17:
0x214: {  	s7 =	sshra.s32 s4, $0x2  }
0x215: {  	s8 =	sadd.s32 s7, s25  }
0x216: {  	s31 =	sadd.s32 s7, s26;
	v8 =	vld [tilespmem:s8+$0x0]  }
0x217: {  	v9 =	vld [tilespmem:s31+$0x0];
	_ =	sdelay $0x6  }
0x218: {  	v10 =	vld.idx.msk [tilespmem:v8+s11+$0x0], $0xffff  }
0x219: {  	v11 =	vld.idx.msk [tilespmem:v9+s13+$0x0], $0xffff;
	_ =	sdelay $0x4  }
0x21a: {  	v61 =	vor.u32 s3, v6;
	v8 =	vshll.u32 v8, $0xE;
	vm0 =	veq.f32 v10, v11  }
0x21b: {  	v8 =	vor.u32 v8, v9;
	v62 =	vnsel vm0, $0x8004E200, v61  }
0x21c: {  	(xrf1) =	vsort.dscd.msk.u32 $0xffff, v62, v8;
	_ =	sdelay $0xd  }
0x21d: {  	v8, v9, _ =	vpop (xrf1)  }
0x21e: {  	v63 =	vand.u32 $0x3FFF, v9  }
0x21f: {  	(xrf1) =	vunique.msk.u32 $0xffff, v63;
	_ =	sdelay $0xa  }
0x220: {  	p0 =	sne.s32 s4, $0x40  }
.Ltmp8:
0x221: {  	_ = 	snop;
	(pc) =	sbr.rel @p0 .LBB2_17-.Ltmp8, $4  }
0x222: {  	_ = 	snop  }
0x223: {  	v8 =	vxor.u32 $0x80000000, v8;
	_, v10, vm15 =	vpop (xrf1)  }
0x224: {  	[tilespmem:s7+$0x1C580] =	vst v9;
	v8 =	vnsel vm15, $0x4E200, v8  }
0x225: {  	s3 =	sadd.s32 $0x10, s3;
	s4 =	sadd.s32 $0x40, s4;
	[tilespmem:s7+$0x1BE80] =	vst v8  }
.LBB2_18:
0x226: {  	s3 =	sshra.s32 s0, $0x2  }
0x227: {  	v8 =	vld [tilespmem:s3+$0x1C280];
	_ =	sdelay $0x4  }
0x228: {  	v9 =	vand.u32 $0x3FFF, v8;
	_ =	sdelay $0x3  }
0x229: {  	v10 =	vld [tilespmem:s3+$0x1BB80]  }
0x22a: {  	v11 =	vld.idx.msk [tilespmem:v9+s16+$0x0], $0xffff;
	_ =	sdelay $0x4  }
0x22b: {  	vm0 =	vlt.s32 v10, v11;
	_ =	sdelay $0x1  }
0x22c: {  	p0 =	sne.s32 s0, $0xC40  }
.Ltmp9:
0x22d: {  	_ = 	snop;
	(pc) =	sbr.rel @p0 .LBB2_18-.Ltmp9, $3  }
0x22e: {  	_ =	sdelay $0x1  }
0x22f: {  	v8 =	vshra.s32 v8, $0xE;
	[tilespmem:v9+s16+$0x0] =	vst.idx.msk vm0, v10  }
0x230: {  	s0 =	sadd.s32 $0x40, s0;
	[tilespmem:v9+s17+$0x0] =	vst.idx.msk vm0, v8  }
0x231: {  	s22 =	sadd.s32 $0x1, s22  }
0x232: {  	p0 =	sne.s32 s22, $0x19  }
.Ltmp10:
0x233: {  	_ = 	snop;
	(pc) =	sbr.rel @p0 .LBB2_14-.Ltmp10, $3  }
0x234: {  	_ =	sdelay $0x1  }
0x235: {  	s5 =	sadd.s32 $0x320, s5;
	s23 =	sadd.s32 $0x320, s23;
	s24 =	sadd.s32 $0x320, s24  }
0x236: {  	s25 =	sadd.s32 $0x320, s25;
	s26 =	sadd.s32 $0x320, s26;
	s6 =	sadd.s32 $0x320, s6  }
0x237: {  	s0 =	simm.s32 $0x0;
	s3 =	rddreg [dreg:$0x18]  }
0x238: {  	[hbm4b:s3+s0] =	stream.linear.scatter [tilespmem:s16], [sflag:$0x2], $0x2800, $0x38;
	[tilespmem:$0x1C600] =	vst v63  }
0x239: {  	_ =	swait.ge [sflag:s14], $0x2800  }
0x23a: {  	[sflag:s14] =	ssyncset.done $0x0  }
0x23b: {  	s6 =	rddreg [dreg:$0x19];
	[sflag:s14] =	ssyncadd.s32 $0xFFFFD800  }
0x23c: {  	[hbm4b:s6+s0] =	stream.linear.scatter [tilespmem:s17], [sflag:$0x2], $0x2800, $0x38;
	[tilespmem:$0x1C600] =	vst v63  }
0x23d: {  	_ =	swait.ge [sflag:s14], $0x2800  }
0x23e: {  	[sflag:s14] =	ssyncset.done $0x0  }
0x23f: {  	[sflag:s14] =	ssyncadd.s32 $0xFFFFD800  }
0x240: {  	[bflag:$0x0] =	sbarrier.arrive $0xFFFF  }
0x241: {  	s7 =	rddreg [dreg:$0x1a]  }
0x242: {  	s4 =	simm.s32 $0x15200;
	s8 =	rddreg [dreg:$0x1b]  }
0x243: {  	[tilespmem:s4], [sflag:$0x1] =	stream.linear.gather [hbm4b:s7+s0], $0x140, $0x38;
	[tilespmem:$0x1C600] =	vst v63  }
0x244: {  	s9 =	simm.s32 $0x16600;
	s10 =	rddreg [dreg:$0x1c]  }
0x245: {  	[tilespmem:s9], [sflag:$0x1] =	stream.linear.gather [hbm4b:s8+s0], $0x140, $0x38;
	[tilespmem:$0x1C600] =	vst v63  }
0x246: {  	s22 =	simm.s32 $0x15340;
	s23 =	rddreg [dreg:$0x1d]  }
0x247: {  	[tilespmem:s22], [sflag:$0x1] =	stream.linear.gather [hbm4b:s10+s0], $0x140, $0x38;
	[tilespmem:$0x1C600] =	vst v63  }
0x248: {  	s24 =	simm.s32 $0x16740;
	s25 =	rddreg [dreg:$0x1e]  }
0x249: {  	[tilespmem:s24], [sflag:$0x1] =	stream.linear.gather [hbm4b:s23+s0], $0x140, $0x38;
	[tilespmem:$0x1C600] =	vst v63  }
0x24a: {  	s26 =	simm.s32 $0x15480;
	s30 =	rddreg [dreg:$0x1f]  }
0x24b: {  	[tilespmem:s26], [sflag:$0x1] =	stream.linear.gather [hbm4b:s25+s0], $0x140, $0x38;
	[tilespmem:$0x1C600] =	vst v63  }
0x24c: {  	s31 =	simm.s32 $0x16880;
	s4 =	sld [smem:$0x7DA]  }
0x24d: {  	[tilespmem:s31], [sflag:$0x1] =	stream.linear.gather [hbm4b:s30+s0], $0x140, $0x38;
	[tilespmem:$0x1C600] =	vst v63  }
0x24e: {  	s5 =	simm.s32 $0x155C0;
	s6 =	sld [smem:$0x7DB]  }
0x24f: {  	[tilespmem:s5], [sflag:$0x1] =	stream.linear.gather [hbm4b:s4+s0], $0x140, $0x38;
	[tilespmem:$0x1C600] =	vst v63  }
0x250: {  	s7 =	simm.s32 $0x169C0;
	s8 =	sld [smem:$0x7DC]  }
0x251: {  	[tilespmem:s7], [sflag:$0x1] =	stream.linear.gather [hbm4b:s6+s0], $0x140, $0x38;
	[tilespmem:$0x1C600] =	vst v63  }
0x252: {  	s9 =	simm.s32 $0x15700;
	s10 =	sld [smem:$0x7DD]  }
0x253: {  	[tilespmem:s9], [sflag:$0x1] =	stream.linear.gather [hbm4b:s8+s0], $0x140, $0x38;
	[tilespmem:$0x1C600] =	vst v63  }
0x254: {  	s22 =	simm.s32 $0x16B00;
	s23 =	sld [smem:$0x7DE]  }
0x255: {  	[tilespmem:s22], [sflag:$0x1] =	stream.linear.gather [hbm4b:s10+s0], $0x140, $0x38;
	[tilespmem:$0x1C600] =	vst v63  }
0x256: {  	s24 =	simm.s32 $0x15840;
	s25 =	sld [smem:$0x7DF]  }
0x257: {  	[tilespmem:s24], [sflag:$0x1] =	stream.linear.gather [hbm4b:s23+s0], $0x140, $0x38;
	[tilespmem:$0x1C600] =	vst v63  }
0x258: {  	s26 =	simm.s32 $0x16C40;
	s30 =	sld [smem:$0x7E0]  }
0x259: {  	[tilespmem:s26], [sflag:$0x1] =	stream.linear.gather [hbm4b:s25+s0], $0x140, $0x38;
	[tilespmem:$0x1C600] =	vst v63  }
0x25a: {  	s31 =	simm.s32 $0x15980;
	s4 =	sld [smem:$0x7E1]  }
0x25b: {  	[tilespmem:s31], [sflag:$0x1] =	stream.linear.gather [hbm4b:s30+s0], $0x140, $0x38;
	[tilespmem:$0x1C600] =	vst v63  }
0x25c: {  	s5 =	simm.s32 $0x16D80;
	s6 =	sld [smem:$0x7E2]  }
0x25d: {  	[tilespmem:s5], [sflag:$0x1] =	stream.linear.gather [hbm4b:s4+s0], $0x140, $0x38;
	[tilespmem:$0x1C600] =	vst v63  }
0x25e: {  	s7 =	simm.s32 $0x15AC0;
	s8 =	sld [smem:$0x7E3]  }
0x25f: {  	[tilespmem:s7], [sflag:$0x1] =	stream.linear.gather [hbm4b:s6+s0], $0x140, $0x38;
	[tilespmem:$0x1C600] =	vst v63  }
0x260: {  	s9 =	simm.s32 $0x16EC0;
	s10 =	sld [smem:$0x7E4]  }
0x261: {  	[tilespmem:s9], [sflag:$0x1] =	stream.linear.gather [hbm4b:s8+s0], $0x140, $0x38;
	[tilespmem:$0x1C600] =	vst v63  }
0x262: {  	s22 =	simm.s32 $0x15C00;
	s23 =	sld [smem:$0x7E5]  }
0x263: {  	[tilespmem:s22], [sflag:$0x1] =	stream.linear.gather [hbm4b:s10+s0], $0x140, $0x38;
	[tilespmem:$0x1C600] =	vst v63  }
0x264: {  	s24 =	simm.s32 $0x17000;
	s25 =	sld [smem:$0x7E6]  }
0x265: {  	[tilespmem:s24], [sflag:$0x1] =	stream.linear.gather [hbm4b:s23+s0], $0x140, $0x38;
	[tilespmem:$0x1C600] =	vst v63  }
0x266: {  	s26 =	simm.s32 $0x15D40;
	s30 =	sld [smem:$0x7E7]  }
0x267: {  	[tilespmem:s26], [sflag:$0x1] =	stream.linear.gather [hbm4b:s25+s0], $0x140, $0x38;
	[tilespmem:$0x1C600] =	vst v63  }
0x268: {  	s31 =	simm.s32 $0x17140;
	s4 =	sld [smem:$0x7E8]  }
0x269: {  	[tilespmem:s31], [sflag:$0x1] =	stream.linear.gather [hbm4b:s30+s0], $0x140, $0x38;
	[tilespmem:$0x1C600] =	vst v63  }
0x26a: {  	s5 =	simm.s32 $0x15E80;
	s6 =	sld [smem:$0x7E9]  }
0x26b: {  	[tilespmem:s5], [sflag:$0x1] =	stream.linear.gather [hbm4b:s4+s0], $0x140, $0x38;
	[tilespmem:$0x1C600] =	vst v63  }
0x26c: {  	s7 =	simm.s32 $0x17280;
	s8 =	sld [smem:$0x7EA]  }
0x26d: {  	[tilespmem:s7], [sflag:$0x1] =	stream.linear.gather [hbm4b:s6+s0], $0x140, $0x38;
	[tilespmem:$0x1C600] =	vst v63  }
0x26e: {  	s9 =	simm.s32 $0x15FC0;
	s10 =	sld [smem:$0x7EB]  }
0x26f: {  	[tilespmem:s9], [sflag:$0x1] =	stream.linear.gather [hbm4b:s8+s0], $0x140, $0x38;
	[tilespmem:$0x1C600] =	vst v63  }
0x270: {  	s22 =	simm.s32 $0x173C0;
	s23 =	sld [smem:$0x7EC]  }
0x271: {  	[tilespmem:s22], [sflag:$0x1] =	stream.linear.gather [hbm4b:s10+s0], $0x140, $0x38;
	[tilespmem:$0x1C600] =	vst v63  }
0x272: {  	s24 =	simm.s32 $0x16100;
	s25 =	sld [smem:$0x7ED]  }
0x273: {  	[tilespmem:s24], [sflag:$0x1] =	stream.linear.gather [hbm4b:s23+s0], $0x140, $0x38;
	[tilespmem:$0x1C600] =	vst v63  }
0x274: {  	s26 =	simm.s32 $0x17500;
	s30 =	sld [smem:$0x7EE]  }
0x275: {  	[tilespmem:s26], [sflag:$0x1] =	stream.linear.gather [hbm4b:s25+s0], $0x140, $0x38;
	[tilespmem:$0x1C600] =	vst v63  }
0x276: {  	s31 =	simm.s32 $0x16240;
	s4 =	sld [smem:$0x7EF]  }
0x277: {  	[tilespmem:s31], [sflag:$0x1] =	stream.linear.gather [hbm4b:s30+s0], $0x140, $0x38;
	[tilespmem:$0x1C600] =	vst v63  }
0x278: {  	s5 =	simm.s32 $0x17640;
	s6 =	sld [smem:$0x7F0]  }
0x279: {  	[tilespmem:s5], [sflag:$0x1] =	stream.linear.gather [hbm4b:s4+s0], $0x140, $0x38;
	[tilespmem:$0x1C600] =	vst v63  }
0x27a: {  	s7 =	simm.s32 $0x16380;
	s8 =	sld [smem:$0x7F1]  }
0x27b: {  	[tilespmem:s7], [sflag:$0x1] =	stream.linear.gather [hbm4b:s6+s0], $0x140, $0x38;
	[tilespmem:$0x1C600] =	vst v63  }
0x27c: {  	s9 =	simm.s32 $0x17780;
	s10 =	sld [smem:$0x7F2]  }
0x27d: {  	[tilespmem:s9], [sflag:$0x1] =	stream.linear.gather [hbm4b:s8+s0], $0x140, $0x38;
	[tilespmem:$0x1C600] =	vst v63  }
0x27e: {  	s22 =	simm.s32 $0x164C0;
	s23 =	sld [smem:$0x7F3]  }
0x27f: {  	[tilespmem:s22], [sflag:$0x1] =	stream.linear.gather [hbm4b:s10+s0], $0x140, $0x38;
	[tilespmem:$0x1C600] =	vst v63  }
0x280: {  	s24 =	simm.s32 $0x178C0  }
0x281: {  	[tilespmem:s24], [sflag:$0x1] =	stream.linear.gather [hbm4b:s23+s0], $0x140, $0x38;
	[tilespmem:$0x1C600] =	vst v63  }
0x282: {  	_ =	swait.ge [sflag:s12], $0x140  }
0x283: {  	[sflag:s12] =	ssyncset.done $0x0  }
0x284: {  	[sflag:s12] =	ssyncadd.s32 $0xFFFFFEC0  }
0x285: {  	_ =	swait.ge [sflag:s12], $0x140  }
0x286: {  	[sflag:s12] =	ssyncset.done $0x0  }
0x287: {  	[sflag:s12] =	ssyncadd.s32 $0xFFFFFEC0  }
0x288: {  	_ =	swait.ge [sflag:s12], $0x140  }
0x289: {  	[sflag:s12] =	ssyncset.done $0x0  }
0x28a: {  	[sflag:s12] =	ssyncadd.s32 $0xFFFFFEC0  }
0x28b: {  	_ =	swait.ge [sflag:s12], $0x140  }
0x28c: {  	[sflag:s12] =	ssyncset.done $0x0  }
0x28d: {  	[sflag:s12] =	ssyncadd.s32 $0xFFFFFEC0  }
0x28e: {  	_ =	swait.ge [sflag:s12], $0x140  }
0x28f: {  	[sflag:s12] =	ssyncset.done $0x0  }
0x290: {  	[sflag:s12] =	ssyncadd.s32 $0xFFFFFEC0  }
0x291: {  	_ =	swait.ge [sflag:s12], $0x140  }
0x292: {  	[sflag:s12] =	ssyncset.done $0x0  }
0x293: {  	[sflag:s12] =	ssyncadd.s32 $0xFFFFFEC0  }
0x294: {  	_ =	swait.ge [sflag:s12], $0x140  }
0x295: {  	[sflag:s12] =	ssyncset.done $0x0  }
0x296: {  	[sflag:s12] =	ssyncadd.s32 $0xFFFFFEC0  }
0x297: {  	_ =	swait.ge [sflag:s12], $0x140  }
0x298: {  	[sflag:s12] =	ssyncset.done $0x0  }
0x299: {  	[sflag:s12] =	ssyncadd.s32 $0xFFFFFEC0  }
0x29a: {  	_ =	swait.ge [sflag:s12], $0x140  }
0x29b: {  	[sflag:s12] =	ssyncset.done $0x0  }
0x29c: {  	[sflag:s12] =	ssyncadd.s32 $0xFFFFFEC0  }
0x29d: {  	_ =	swait.ge [sflag:s12], $0x140  }
0x29e: {  	[sflag:s12] =	ssyncset.done $0x0  }
0x29f: {  	[sflag:s12] =	ssyncadd.s32 $0xFFFFFEC0  }
0x2a0: {  	_ =	swait.ge [sflag:s12], $0x140  }
0x2a1: {  	[sflag:s12] =	ssyncset.done $0x0  }
0x2a2: {  	[sflag:s12] =	ssyncadd.s32 $0xFFFFFEC0  }
0x2a3: {  	_ =	swait.ge [sflag:s12], $0x140  }
0x2a4: {  	[sflag:s12] =	ssyncset.done $0x0  }
0x2a5: {  	[sflag:s12] =	ssyncadd.s32 $0xFFFFFEC0  }
0x2a6: {  	_ =	swait.ge [sflag:s12], $0x140  }
0x2a7: {  	[sflag:s12] =	ssyncset.done $0x0  }
0x2a8: {  	[sflag:s12] =	ssyncadd.s32 $0xFFFFFEC0  }
0x2a9: {  	_ =	swait.ge [sflag:s12], $0x140  }
0x2aa: {  	[sflag:s12] =	ssyncset.done $0x0  }
0x2ab: {  	[sflag:s12] =	ssyncadd.s32 $0xFFFFFEC0  }
0x2ac: {  	_ =	swait.ge [sflag:s12], $0x140  }
0x2ad: {  	[sflag:s12] =	ssyncset.done $0x0  }
0x2ae: {  	[sflag:s12] =	ssyncadd.s32 $0xFFFFFEC0  }
0x2af: {  	_ =	swait.ge [sflag:s12], $0x140  }
0x2b0: {  	[sflag:s12] =	ssyncset.done $0x0  }
0x2b1: {  	[sflag:s12] =	ssyncadd.s32 $0xFFFFFEC0  }
0x2b2: {  	_ =	swait.ge [sflag:s12], $0x140  }
0x2b3: {  	[sflag:s12] =	ssyncset.done $0x0  }
0x2b4: {  	[sflag:s12] =	ssyncadd.s32 $0xFFFFFEC0  }
0x2b5: {  	_ =	swait.ge [sflag:s12], $0x140  }
0x2b6: {  	[sflag:s12] =	ssyncset.done $0x0  }
0x2b7: {  	[sflag:s12] =	ssyncadd.s32 $0xFFFFFEC0  }
0x2b8: {  	_ =	swait.ge [sflag:s12], $0x140  }
0x2b9: {  	[sflag:s12] =	ssyncset.done $0x0  }
0x2ba: {  	[sflag:s12] =	ssyncadd.s32 $0xFFFFFEC0  }
0x2bb: {  	_ =	swait.ge [sflag:s12], $0x140  }
0x2bc: {  	[sflag:s12] =	ssyncset.done $0x0  }
0x2bd: {  	[sflag:s12] =	ssyncadd.s32 $0xFFFFFEC0  }
0x2be: {  	_ =	swait.ge [sflag:s12], $0x140  }
0x2bf: {  	[sflag:s12] =	ssyncset.done $0x0  }
0x2c0: {  	[sflag:s12] =	ssyncadd.s32 $0xFFFFFEC0  }
0x2c1: {  	_ =	swait.ge [sflag:s12], $0x140  }
0x2c2: {  	[sflag:s12] =	ssyncset.done $0x0  }
0x2c3: {  	[sflag:s12] =	ssyncadd.s32 $0xFFFFFEC0  }
0x2c4: {  	_ =	swait.ge [sflag:s12], $0x140  }
0x2c5: {  	[sflag:s12] =	ssyncset.done $0x0  }
0x2c6: {  	[sflag:s12] =	ssyncadd.s32 $0xFFFFFEC0  }
0x2c7: {  	_ =	swait.ge [sflag:s12], $0x140  }
0x2c8: {  	[sflag:s12] =	ssyncset.done $0x0  }
0x2c9: {  	[sflag:s12] =	ssyncadd.s32 $0xFFFFFEC0  }
0x2ca: {  	_ =	swait.ge [sflag:s12], $0x140  }
0x2cb: {  	[sflag:s12] =	ssyncset.done $0x0  }
0x2cc: {  	[sflag:s12] =	ssyncadd.s32 $0xFFFFFEC0  }
0x2cd: {  	_ =	swait.ge [sflag:s12], $0x140  }
0x2ce: {  	[sflag:s12] =	ssyncset.done $0x0  }
0x2cf: {  	[sflag:s12] =	ssyncadd.s32 $0xFFFFFEC0  }
0x2d0: {  	_ =	swait.ge [sflag:s12], $0x140  }
0x2d1: {  	[sflag:s12] =	ssyncset.done $0x0  }
0x2d2: {  	[sflag:s12] =	ssyncadd.s32 $0xFFFFFEC0  }
0x2d3: {  	_ =	swait.ge [sflag:s12], $0x140  }
0x2d4: {  	[sflag:s12] =	ssyncset.done $0x0  }
0x2d5: {  	[sflag:s12] =	ssyncadd.s32 $0xFFFFFEC0  }
0x2d6: {  	_ =	swait.ge [sflag:s12], $0x140  }
0x2d7: {  	[sflag:s12] =	ssyncset.done $0x0  }
0x2d8: {  	[sflag:s12] =	ssyncadd.s32 $0xFFFFFEC0  }
0x2d9: {  	_ =	swait.ge [sflag:s12], $0x140  }
0x2da: {  	s0 =	smul.u32 $0xCCCD, s0;
	[sflag:s12] =	ssyncset.done $0x0  }
0x2db: {  	[sflag:s12] =	ssyncadd.s32 $0xFFFFFEC0  }
0x2dc: {  	s0 =	sshrl.u32 s0, $0x14;
	_ =	swait.ge [sflag:s12], $0x140  }
0x2dd: {  	s25 =	smul.u32 $0x14, s0;
	[sflag:s12] =	ssyncset.done $0x0  }
0x2de: {  	[sflag:s12] =	ssyncadd.s32 $0xFFFFFEC0  }
0x2df: {  	s26 =	smul.u32 $0x140, s0;
	s3 =	ssub.s32 $0x0, s25;
	_ =	swait.ge [sflag:s12], $0x140  }
0x2e0: {  	s3 =	sshll.u32 s3, $0x4;
	[sflag:s12] =	ssyncset.done $0x0  }
0x2e1: {  	s0 =	sand.u32 $0xFFF0, s3;
	s3 =	sadd.s32 s3, s26;
	[sflag:s12] =	ssyncadd.s32 $0xFFFFFEC0  }
0x2e2: {  	s3 =	sand.u32 $0xFFF0, s3;
	v8 =	vld.idx.msk [tilespmem:v7+s0+$0xED80 ss:$0x1], $0xffff  }
0x2e3: {  	v9 =	vld [tilespmem:s3+$0x15200];
	_ =	sdelay $0x4  }
0x2e4: {  	vm0 =	vlt.s32 v9, v8  }
0x2e5: {  	v8 =	vsel vm0, v9, v8  }
0x2e6: {  	s30 =	simm.s32 $0x1;
	[tilespmem:v7+s0+$0xED80 ss:$0x1] =	vst.idx.msk $0xffff, v8  }
0x2e7: {  	s4 =	smul.u32 $0xCCCD, s30;
	v8 =	vld.idx.msk [tilespmem:v7+s0+$0x11600 ss:$0x1], $0xffff  }
0x2e8: {  	v9 =	vld [tilespmem:s3+$0x16600]  }
0x2e9: {  	s4 =	sshrl.u32 s4, $0x14  }
0x2ea: {  	s31 =	smul.u32 $0x14, s4;
	_ =	sdelay $0x1  }
0x2eb: {  	s4 =	smul.u32 $0x140, s4;
	s5 =	ssub.s32 $0x1, s31  }
0x2ec: {  	s5 =	sshll.u32 s5, $0x4;
	s3 =	simm.s32 $0x2;
	v8 =	vsel vm0, v9, v8  }
.LBB2_21:
0x2ed: {  	s4 =	sadd.s32 s5, s4  }
0x2ee: {  	[tilespmem:v7+s0+$0x11600 ss:$0x1] =	vst.idx.msk $0xffff, v8;
	s0 =	sand.u32 $0xFFF0, s5;
	s5 =	smov.u32 s3;
	s6 =	sadd.s32 $0x1, s3  }
0x2ef: {  	p0 =	sne.s32 s3, $0x13F;
	s3 =	sand.u32 $0xFFF0, s4;
	v8 =	vld.idx.msk [tilespmem:v7+s0+$0xED80 ss:$0x1], $0xffff  }
0x2f0: {  	v9 =	vld [tilespmem:s3+$0x15200];
	_ =	sdelay $0x4  }
0x2f1: {  	vm0 =	vlt.s32 v9, v8  }
0x2f2: {  	v8 =	vsel vm0, v9, v8  }
0x2f3: {  	[tilespmem:v7+s0+$0xED80 ss:$0x1] =	vst.idx.msk $0xffff, v8  }
0x2f4: {  	s4 =	smul.u32 $0xCCCD, s5;
	v8 =	vld.idx.msk [tilespmem:v7+s0+$0x11600 ss:$0x1], $0xffff  }
0x2f5: {  	v9 =	vld [tilespmem:s3+$0x16600]  }
.Ltmp11:
0x2f6: {  	s3 =	sshrl.u32 s4, $0x14;
	(pc) =	sbr.rel @p0 .LBB2_21-.Ltmp11, $3  }
0x2f7: {  	s4 =	smul.u32 $0x14, s3;
	_ =	sdelay $0x1  }
0x2f8: {  	s5 =	ssub.s32 s5, s4;
	s4 =	smul.u32 $0x140, s3  }
0x2f9: {  	s3 =	smov.u32 s6;
	s5 =	sshll.u32 s5, $0x4;
	v8 =	vsel vm0, v9, v8  }
0x2fa: {  	_ =	sdelay $0x3  }
0x2fb: {  	s3 =	sand.u32 $0xFFF0, s5;
	s4 =	sadd.s32 s5, s4;
	[tilespmem:v7+s0+$0x11600 ss:$0x1] =	vst.idx.msk $0xffff, v8  }
0x2fc: {  	s30 =	sand.u32 $0xFFF0, s4;
	v8 =	vld.idx.msk [tilespmem:v7+s3+$0xED80 ss:$0x1], $0xffff  }
0x2fd: {  	v9 =	vld [tilespmem:s30+$0x15200];
	_ =	sdelay $0x4  }
0x2fe: {  	vm0 =	vlt.s32 v9, v8  }
0x2ff: {  	v8 =	vsel vm0, v9, v8  }
0x300: {  	[tilespmem:v7+s3+$0xED80 ss:$0x1] =	vst.idx.msk $0xffff, v8  }
0x301: {  	v8 =	vld.idx.msk [tilespmem:v7+s3+$0x11600 ss:$0x1], $0xffff  }
0x302: {  	v62 =	vld [tilespmem:s30+$0x16600];
	_ =	sdelay $0x4  }
0x303: {  	v8 =	vsel vm0, v62, v8  }
0x304: {  	s31 =	simm.s32 $0x0;
	[tilespmem:v7+s3+$0x11600 ss:$0x1] =	vst.idx.msk $0xffff, v8  }
0x305: {  	v8 =	vld.idx.msk [tilespmem:v1+s31+$0x0 ss:$0x1], $0xffff  }
0x306: {  	v63 =	vld.idx.msk [tilespmem:v2+s31+$0x0 ss:$0x1], $0xffff;
	_ =	sdelay $0x3  }
0x307: {  	vm15 =	vlt.s32 v8, $0x4E200;
	v8 =	vor.u32 s2, v4  }
0x308: {  	v8 =	vsel vm15, v63, v8  }
0x309: {  	s0 =	simm.s32 $0x10;
	s4 =	simm.s32 $0x80;
	s3 =	smov.u32 s2;
	[tilespmem:s31+$0x17A00] =	vst v8  }
.LBB2_23:
0x30a: {  	p0 =	sne.s32 s4, $0x4C0;
	v8 =	vld.idx.msk [tilespmem:v1+s0+$0x0 ss:$0x1], $0xffff  }
0x30b: {  	v9 =	vld.idx.msk [tilespmem:v2+s0+$0x0 ss:$0x1], $0xffff;
	_ =	sdelay $0x2  }
.Ltmp12:
0x30c: {  	(pc) =	sbr.rel @p0 .LBB2_23-.Ltmp12, $4  }
0x30d: {  	s3 =	sadd.s32 $0x10, s3  }
0x30e: {  	vm0 =	vlt.s32 v8, $0x4E200;
	v8 =	vor.u32 s3, v4  }
0x30f: {  	v8 =	vsel vm0, v9, v8  }
0x310: {  	[tilespmem:s0+$0x17A00] =	vst v8;
	s0 =	sshra.s32 s4, $0x2;
	s4 =	sadd.s32 $0x40, s4  }
0x311: {  	_ =	sdelay $0x3  }
0x312: {  	v8 =	vld.idx.msk [tilespmem:v1+s0+$0x0 ss:$0x1], $0xffff  }
0x313: {  	v9 =	vld.idx.msk [tilespmem:v2+s0+$0x0 ss:$0x1], $0xffff;
	_ =	sdelay $0x2  }
0x314: {  	s3 =	sadd.s32 $0x10, s3  }
0x315: {  	vm0 =	vlt.s32 v8, $0x4E200;
	v8 =	vor.u32 s3, v4  }
0x316: {  	v8 =	vsel vm0, v9, v8  }
0x317: {  	s8 =	simm.s32 $0x17A00;
	[tilespmem:s0+$0x17A00] =	vst v8  }
0x318: {  	[tilespmem:s19], [sflag:$0x1] =	stream.indirect.gather [hbm4b:s29+s18], $0x80, s8, s18, $0xb8;
	[tilespmem:$0x1C600] =	vst v63  }
0x319: {  	_ =	swait.ge [sflag:s12], $0x2000  }
0x31a: {  	[sflag:s12] =	ssyncset.done $0x0  }
0x31b: {  	s9 =	simm.s32 $0x17A40;
	[sflag:s12] =	ssyncadd.s32 $0xFFFFE000  }
0x31c: {  	[tilespmem:s20], [sflag:$0x1] =	stream.indirect.gather [hbm4b:s29+s18], $0x80, s9, s18, $0xb8;
	[tilespmem:$0x1C600] =	vst v63  }
0x31d: {  	_ = 	snop  }
0x31e: {  	[hbm4b:s28+s1] =	stream.linear.scatter [tilespmem:s19], [sflag:$0x2], $0x2000, $0x38;
	[tilespmem:$0x1C600] =	vst v63  }
0x31f: {  	_ =	swait.ge [sflag:s14], $0x2000  }
0x320: {  	[sflag:s14] =	ssyncset.done $0x0  }
0x321: {  	[sflag:s14] =	ssyncadd.s32 $0xFFFFE000  }
0x322: {  	_ =	swait.ge [sflag:s12], $0x2000  }
0x323: {  	[sflag:s12] =	ssyncset.done $0x0  }
0x324: {  	s10 =	simm.s32 $0x17A80;
	s22 =	sld [smem:$0x7FA];
	[sflag:s12] =	ssyncadd.s32 $0xFFFFE000  }
0x325: {  	[tilespmem:s19], [sflag:$0x1] =	stream.indirect.gather [hbm4b:s29+s18], $0x80, s10, s18, $0xb8;
	[tilespmem:$0x1C600] =	vst v63  }
0x326: {  	_ = 	snop  }
0x327: {  	[hbm4b:s22+s1] =	stream.linear.scatter [tilespmem:s20], [sflag:$0x2], $0x2000, $0x38;
	[tilespmem:$0x1C600] =	vst v63  }
0x328: {  	_ =	swait.ge [sflag:s14], $0x2000  }
0x329: {  	[sflag:s14] =	ssyncset.done $0x0  }
0x32a: {  	[sflag:s14] =	ssyncadd.s32 $0xFFFFE000  }
0x32b: {  	_ =	swait.ge [sflag:s12], $0x2000  }
0x32c: {  	[sflag:s12] =	ssyncset.done $0x0  }
0x32d: {  	s23 =	simm.s32 $0x17AC0;
	s24 =	sld [smem:$0x7FB];
	[sflag:s12] =	ssyncadd.s32 $0xFFFFE000  }
0x32e: {  	[tilespmem:s20], [sflag:$0x1] =	stream.indirect.gather [hbm4b:s29+s18], $0x80, s23, s18, $0xb8;
	[tilespmem:$0x1C600] =	vst v63  }
0x32f: {  	_ = 	snop  }
0x330: {  	[hbm4b:s24+s1] =	stream.linear.scatter [tilespmem:s19], [sflag:$0x2], $0x2000, $0x38;
	[tilespmem:$0x1C600] =	vst v63  }
0x331: {  	_ =	swait.ge [sflag:s14], $0x2000  }
0x332: {  	[sflag:s14] =	ssyncset.done $0x0  }
0x333: {  	[sflag:s14] =	ssyncadd.s32 $0xFFFFE000  }
0x334: {  	_ =	swait.ge [sflag:s12], $0x2000  }
0x335: {  	[sflag:s12] =	ssyncset.done $0x0  }
0x336: {  	s25 =	simm.s32 $0x17B00;
	s26 =	sld [smem:$0x7FC];
	[sflag:s12] =	ssyncadd.s32 $0xFFFFE000  }
0x337: {  	[tilespmem:s19], [sflag:$0x1] =	stream.indirect.gather [hbm4b:s29+s18], $0x80, s25, s18, $0xb8;
	[tilespmem:$0x1C600] =	vst v63  }
0x338: {  	_ = 	snop  }
0x339: {  	[hbm4b:s26+s1] =	stream.linear.scatter [tilespmem:s20], [sflag:$0x2], $0x2000, $0x38;
	[tilespmem:$0x1C600] =	vst v63  }
0x33a: {  	_ =	swait.ge [sflag:s14], $0x2000  }
0x33b: {  	[sflag:s14] =	ssyncset.done $0x0  }
0x33c: {  	[sflag:s14] =	ssyncadd.s32 $0xFFFFE000  }
0x33d: {  	_ =	swait.ge [sflag:s12], $0x2000  }
0x33e: {  	s30 =	sld [smem:$0x7FD]  }
0x33f: {  	[sflag:s12] =	ssyncset.done $0x0  }
0x340: {  	[sflag:s12] =	ssyncadd.s32 $0xFFFFE000  }
0x341: {  	[hbm4b:s30+s1] =	stream.linear.scatter [tilespmem:s19], [sflag:$0x2], $0x2000, $0x38;
	[tilespmem:$0x1C600] =	vst v63  }
0x342: {  	_ =	swait.ge [sflag:s14], $0x2000  }
0x343: {  	s31 =	sld [smem:$0x7F8];
	_ =	sdelay $0x1  }
0x344: {  	s21 =	sadd.s32 $0x1, s21  }
0x345: {  	p0 =	sne.s32 s21, s31  }
.Ltmp13:
0x346: {  	_ = 	snop;
	(pc) =	sbr.rel @p0 .LBB2_1-.Ltmp13, $3  }
0x347: {  	_ =	sdelay $0x1  }
0x348: {  	[sflag:s14] =	ssyncset.done $0x0  }
0x349: {  	[sflag:s14] =	ssyncadd.s32 $0xFFFFE000  }
0x34a: {  	_ =	sfence.sel $0x180000  }
0x34b: {  	[bflag:$0x0] =	sbarrier.arrive $0xFFFF  }
0x34c: {  	_ =	strace $0x90000047  }
0x34d: {  	s0 =	stileid.u32;
	[bflag:$0x2] =	sbarrier.arrive $0xFFFF  }
0x34e: {  	p0 =	sne.s32 s0, $0x0;
	s0 =	rddreg [dreg:$0x4]  }
0x34f: {  	s0 =	sadd.s32 @!p0 $0x100000, s0  }
0x350: {  	[sflag:s0] =	ssyncadd.tile.s32 @!p0 $0x1;
	_ =	shalt  }
.Lfunc_end2:
_tile_overlayer_lowered:
.L_overlay_start_2:
0x351: {  	(tag) =	ssettag $0x2  }
0x352: {  	s0 =	rddreg [dreg:$0x0];
	s2 =	stileid.u32  }
0x353: {  	s1 =	rddreg [dreg:$0x1];
	p0 =	sne.s32 s2, $0x0  }
0x354: {  	s3 =	rddreg [dreg:$0x2];
	[bflag:$0x3] =	sbarrier.arrive $0xFFFF;
	s2 =	simm.s32 @!p0 $0x1C02  }
0x355: {  	[timem:s3], [sflag:s2] =	dma.local @!p0 [hbm:s0], s1  }
0x356: {  	s0 =	simm.s32 @!p0 $0x2  }
0x357: {  	_ =	swait.ge @!p0 [sflag:s0], s1  }
0x358: {  	s1 =	ssub.s32 @!p0 $0x0, s1;
	[sflag:s0] =	ssyncset.done @!p0 $0x0  }
0x359: {  	[sflag:s0] =	ssyncadd.s32 @!p0 s1  }
0x35a: {  	[bflag:$0x3] =	sbarrier.arrive $0xFFFF  }
0x35b: {  	_ =	shalt  }

</sc_bundles>
